<compile_context>
chip_gen: v7x
topology: tpu7x:2x2x1
jax: 0.10.2.dev20260603
libtpu: 0.0.44.dev20260713+nightly
codegen_flags: <defaults>
</compile_context>

<pallas_src>
import functools

import jax
import jax.numpy as jnp
from jax import lax
from jax.experimental import pallas as pl
from jax.experimental.pallas import tpu as pltpu
from jax.experimental.pallas import tpu_sc as plsc

_NC = 256
_NSEL = 256
_COUNT = 1600
_PAD = 1664
_NB = _PAD // 128
_PH = _PW = 32
_HALF = 16
_BIG = 3.0e38
_NW = 32
_CPW = _COUNT // _NW
_Q = 0.0078125


def _sc_scores_body(img_hbm, locs_hbm, sp_hbm, out_hbm,
                    locs_v, sp_v, pa_v, pb_v, scores_v, sema, semb):
    wid = lax.axis_index("s") * 2 + lax.axis_index("c")
    pltpu.sync_copy(locs_hbm.at[wid], locs_v)
    pltpu.sync_copy(sp_hbm, sp_v)
    lane16 = lax.broadcasted_iota(jnp.int32, (16,), 0)

    def rcbase(j):
        lv = locs_v[pl.ds(2 * j, 16)]
        r0 = lv[0] - _HALF
        c0 = lv[1] - _HALF
        cb = pl.multiple_of((c0 // 8) * 8, 8)
        return r0, cb, c0 - cb

    def issue(j, buf, sem):
        r0, cb, _ = rcbase(j)
        for ch in range(3):
            pltpu.make_async_copy(
                img_hbm.at[ch, pl.ds(r0, _PH), pl.ds(cb, 40)],
                buf.at[ch], sem).start()

    def wait(buf, sem):
        for ch in range(3):
            pltpu.make_async_copy(
                img_hbm.at[ch, pl.ds(0, _PH), pl.ds(0, 40)],
                buf.at[ch], sem).wait()

    def compute(j, buf):
        _, _, o = rcbase(j)
        subs = []
        for ch in range(3):
            for half in range(2):
                def row_f(t, a, ch=ch, base=half * 16):
                    acc2 = a
                    for dr in range(2):
                        row = base + 2 * t + dr
                        x0 = buf[ch, row, pl.ds(o, 16)]
                        x1 = buf[ch, row, pl.ds(o + 16, 16)]
                        s0 = sp_v[ch, row, pl.ds(0, 16)]
                        s1 = sp_v[ch, row, pl.ds(16, 16)]
                        d0 = x0 - s0
                        d1 = x1 - s1
                        acc2 = acc2 + (d0 * d0 + d1 * d1)
                    return acc2

                subs.append(lax.fori_loop(0, 8, row_f,
                                          jnp.zeros((16,), jnp.float32)))
        acc = ((subs[0] + subs[1]) + (subs[2] + subs[3])) + (subs[4] + subs[5])
        hi = (acc * 128.0).astype(jnp.int32)
        lo = acc - hi.astype(jnp.float32) * _Q
        ssd = jnp.sum(hi).astype(jnp.float32) * _Q + jnp.sum(lo)
        return 3072.0 - ssd

    def place(j, score, svecs):
        m = j // 16
        ln = j % 16
        return tuple(
            jnp.where((m == mi) & (lane16 == ln), score, sm)
            for mi, sm in enumerate(svecs))

    issue(0, pa_v, sema)

    def pair(m, svecs):
        issue(2 * m + 1, pb_v, semb)
        wait(pa_v, sema)
        svecs = place(2 * m, compute(2 * m, pa_v), svecs)

        @pl.when(m < _CPW // 2 - 1)
        def _():
            issue(2 * m + 2, pa_v, sema)

        wait(pb_v, semb)
        svecs = place(2 * m + 1, compute(2 * m + 1, pb_v), svecs)
        return svecs

    init = (jnp.zeros((16,), jnp.float32),) * 4
    svecs = lax.fori_loop(0, _CPW // 2, pair, init)
    for mi, sm in enumerate(svecs):
        scores_v[pl.ds(mi * 16, 16)] = sm
    pltpu.sync_copy(scores_v, out_hbm.at[wid])


_sc_scores = functools.partial(
    pl.kernel,
    mesh=plsc.VectorSubcoreMesh(core_axis_name="c", subcore_axis_name="s",
                                num_cores=2),
    compiler_params=pltpu.CompilerParams(use_tc_tiling_on_sc=False,
                                         needs_layout_passes=False),
    out_type=jax.ShapeDtypeStruct((_NW, 64), jnp.float32),
    scratch_types=[
        pltpu.VMEM((120,), jnp.int32),
        pltpu.VMEM((3, _PH, _PW), jnp.float32),
        pltpu.VMEM((3, _PH, 40), jnp.float32),
        pltpu.VMEM((3, _PH, 40), jnp.float32),
        pltpu.VMEM((64,), jnp.float32),
        pltpu.SemaphoreType.DMA,
        pltpu.SemaphoreType.DMA,
    ],
)(_sc_scores_body)


def _tc_body(scores_ref, lr_ref, lc_ref, f0_ref, f1_ref,
             w0a_ref, b0a_ref, w0b_ref, b0b_ref,
             w1a_ref, b1a_ref, w1b_ref, b1b_ref,
             out0_ref, out1_ref, ids_ref,
             rank_ref):
    sall = scores_ref[...]
    jj = lax.broadcasted_iota(jnp.int32, (16, _PAD), 1)

    def rank_block(b, _):
        b0 = pl.multiple_of(b * 128, 128)
        sblk = scores_ref[pl.ds(b0, 128)]
        parts = []
        for sub in range(8):
            sr = sblk[sub * 16:(sub + 1) * 16][:, None]
            ri = (b * 128 + sub * 16
                  + lax.broadcasted_iota(jnp.int32, (16, 1), 0))
            less = (sall[None, :] < sr) | ((sall[None, :] == sr) & (jj < ri))
            parts.append(jnp.sum(less.astype(jnp.float32), axis=1))
        rank_ref[pl.ds(b0, 128)] = jnp.concatenate(parts)
        return 0

    lax.fori_loop(0, _NB, rank_block, 0)

    kio = lax.broadcasted_iota(jnp.int32, (_NSEL, 1), 0).astype(jnp.float32)

    def sel_chunk(ch, carry):
        ar, ac = carry
        c0 = pl.multiple_of(ch * 128, 128)
        rk = rank_ref[pl.ds(c0, 128)]
        eq = (rk[None, :] == kio).astype(jnp.int32)
        lr = lr_ref[pl.ds(c0, 128)]
        lc = lc_ref[pl.ds(c0, 128)]
        ar = ar + jnp.sum(eq * lr[None, :], axis=1)
        ac = ac + jnp.sum(eq * lc[None, :], axis=1)
        return ar, ac

    zero = jnp.zeros((_NSEL,), jnp.int32)
    ar, ac = lax.fori_loop(0, _NB, sel_chunk, (zero, zero))
    ids_ref[:, 0:1] = ar[:, None]
    ids_ref[:, 1:2] = ac[:, None]

    cell0 = (ar // 8) * 64 + (ac // 8)
    cell1 = (ar // 16) * 32 + (ac // 16)

    hw0 = lax.broadcasted_iota(jnp.int32, (_NSEL, 4096), 1)
    oh0 = (cell0[:, None] == hw0).astype(jnp.float32)
    hw1 = lax.broadcasted_iota(jnp.int32, (_NSEL, 1024), 1)
    oh1 = (cell1[:, None] == hw1).astype(jnp.float32)

    dn = (((1,), (1,)), ((), ()))
    g0 = lax.dot_general(oh0, f0_ref[...], dn,
                         preferred_element_type=jnp.float32)
    g1 = lax.dot_general(oh1, f1_ref[...], dn,
                         preferred_element_type=jnp.float32)

    hp = jax.lax.Precision.HIGHEST
    h0 = jnp.maximum(
        jnp.dot(g0, w0a_ref[...], precision=hp,
                preferred_element_type=jnp.float32) + b0a_ref[...][None, :],
        0.0)
    y0 = jnp.dot(h0, w0b_ref[...], precision=hp,
                 preferred_element_type=jnp.float32) + b0b_ref[...][None, :]
    n0 = jnp.maximum(jnp.sqrt(jnp.sum(y0 * y0, axis=1, keepdims=True)),
                     1e-12)
    out0_ref[...] = y0 / n0

    h1 = jnp.maximum(
        jnp.dot(g1, w1a_ref[...], precision=hp,
                preferred_element_type=jnp.float32) + b1a_ref[...][None, :],
        0.0)
    y1 = jnp.dot(h1, w1b_ref[...], precision=hp,
                 preferred_element_type=jnp.float32) + b1b_ref[...][None, :]
    n1 = jnp.maximum(jnp.sqrt(jnp.sum(y1 * y1, axis=1, keepdims=True)),
                     1e-12)
    out1_ref[...] = y1 / n1


def kernel(img, feat0, feat1, sample_patch, sample_locs,
           W0a, b0a, W0b, b0b, W1a, b1a, W1b, b1b):
    img3 = img[0]
    sp = sample_patch[0]
    f0 = feat0[0].reshape(256, 64 * 64)
    f1 = feat1[0].reshape(512, 32 * 32)
    locs = sample_locs.astype(jnp.int32)
    locs_w = jnp.pad(locs.reshape(_NW, 2 * _CPW),
                     ((0, 0), (0, 20)))

    scores_w = _sc_scores(img3, locs_w, sp)
    scores = scores_w[:, :_CPW].reshape(_COUNT)
    scores_pad = jnp.concatenate(
        [scores, jnp.full((_PAD - _COUNT,), _BIG, jnp.float32)])

    lr = jnp.pad(locs[:, 0], (0, _PAD - _COUNT))
    lc = jnp.pad(locs[:, 1], (0, _PAD - _COUNT))

    out0, out1, ids = pl.pallas_call(
        _tc_body,
        in_specs=[pl.BlockSpec(memory_space=pltpu.VMEM)] * 13,
        out_specs=[pl.BlockSpec(memory_space=pltpu.VMEM)] * 3,
        scratch_shapes=[
            pltpu.VMEM((_PAD,), jnp.float32),
        ],
        out_shape=[
            jax.ShapeDtypeStruct((_NSEL, _NC), jnp.float32),
            jax.ShapeDtypeStruct((_NSEL, _NC), jnp.float32),
            jax.ShapeDtypeStruct((_NSEL, 2), jnp.int32),
        ],
    )(scores_pad, lr, lc, f0, f1,
      W0a, b0a, W0b, b0b, W1a, b1a, W1b, b1b)
    return out0, out1, ids

# --- scband reference (transcript-rebuilt; emitter-appended) ---
"""Pipeline reference for scband-patch-sample-nonlocal-74775380623525 (READ-ONLY COPY).

The authoritative reference and input builder live on the scoring server;
editing this copy changes nothing except your own understanding.
"""

import jax, jax.numpy as jnp
import numpy as np

NC = 256
NUM_PATCHES = 256
COUNT = 1600
PH = PW = 32
HALF = 16


def _kaiming(k, fan_in, fan_out):
    return jax.random.normal(k, (fan_in, fan_out), jnp.float32) * jnp.sqrt(2.0 / fan_in)


def setup_inputs(seed: int = 0) -> dict:
    key = jax.random.key(seed)
    ks = jax.random.split(key, 16)
    img = jax.random.normal(ks[0], (1, 3, 512, 512), jnp.float32)
    feat0 = jax.random.normal(ks[1], (1, 256, 64, 64), jnp.float32)
    feat1 = jax.random.normal(ks[2], (1, 512, 32, 32), jnp.float32)
    sample_patch = jax.random.normal(ks[3], (1, 3, PH, PW), jnp.float32)
    # interior locations so that every 32x32 patch fits without boundary adjustment
    sample_locs = jax.random.randint(ks[4], (COUNT, 2), HALF, 512 - HALF, jnp.int32)
    W0a = _kaiming(ks[5], 256, NC); b0a = jnp.zeros((NC,), jnp.float32)
    W0b = _kaiming(ks[6], NC, NC); b0b = jnp.zeros((NC,), jnp.float32)
    W1a = _kaiming(ks[7], 512, NC); b1a = jnp.zeros((NC,), jnp.float32)
    W1b = _kaiming(ks[8], NC, NC); b1b = jnp.zeros((NC,), jnp.float32)
    return {"img": img, "feat0": feat0, "feat1": feat1, "sample_patch": sample_patch,
            "sample_locs": sample_locs,
            "W0a": W0a, "b0a": b0a, "W0b": W0b, "b0b": b0b,
            "W1a": W1a, "b1a": b1a, "W1b": W1b, "b1b": b1b}


def reference(img, feat0, feat1, sample_patch, sample_locs,
              W0a, b0a, W0b, b0b, W1a, b1a, W1b, b1b):
    # --- getTensorLocsPatchList: extract COUNT candidate patches from img ---
    def get_patch(loc):
        return jax.lax.dynamic_slice(img[0], (jnp.zeros((), jnp.int32), loc[0] - HALF, loc[1] - HALF), (img.shape[1], PH, PW))
    patches = jax.vmap(get_patch)(sample_locs)  # [COUNT, C, PH, PW]
    # --- NonLocal scoring: 1 - (patch - sample_patch)^2 summed; top-k smallest ---
    diff_pow = 1.0 - jnp.square(patches - sample_patch)  # broadcast over batch=1
    diff_sum = jnp.sum(diff_pow, axis=(1, 2, 3))  # [COUNT]
    _, index = jax.lax.top_k(-diff_sum, NUM_PATCHES)  # smallest NUM_PATCHES
    patch_ids = sample_locs[index].astype(jnp.int32)  # [NUM_PATCHES, 2]

    H_img = img.shape[2]
    outs = []
    for feat, Wa, ba, Wb, bb in ((feat0, W0a, b0a, W0b, b0b), (feat1, W1a, b1a, W1b, b1b)):
        B, C, Hf, Wf = feat.shape
        feat_reshape = jnp.transpose(feat, (0, 2, 3, 1)).reshape(B, Hf * Wf, C)
        feat_patch_loc = (patch_ids * Hf) // H_img
        patch_id = feat_patch_loc[:, 0] * Wf + feat_patch_loc[:, 1]
        x = feat_reshape[:, patch_id, :].reshape(-1, C)  # [B*NUM_PATCHES, C]
        x = jnp.maximum(x @ Wa + ba, 0.0) @ Wb + bb  # 2-layer MLP
        norm = jnp.clip(jnp.linalg.norm(x, axis=1, keepdims=True), 1e-12, None)
        x = x / norm  # F.normalize(p=2, dim=1)
        outs.append(x)
    return (outs[0], outs[1], patch_ids)

if __name__ == "__main__":
    import jax
    _d = setup_inputs()
    print(jax.jit(kernel)(*tuple(_d.values())))

</pallas_src>

<mosaic_0001>
#map = affine_map<(d0, d1) -> (0, 0, 0)>
#map1 = affine_map<(d0, d1) -> (0, 0)>
module attributes {stable_mosaic.version = 14 : i64} {
  func.func @_sc_scores_body(%arg0: i32, %arg1: i32, %arg2: memref<3x512x512xf32, #tpu.memory_space<hbm>>, %arg3: memref<32x120xi32, #tpu.memory_space<hbm>>, %arg4: memref<3x32x32xf32, #tpu.memory_space<hbm>>, %arg5: memref<32x64xf32, #tpu.memory_space<hbm>>, %arg6: memref<120xi32, #tpu.memory_space<vmem>>, %arg7: memref<3x32x32xf32, #tpu.memory_space<vmem>>, %arg8: memref<3x32x40xf32, #tpu.memory_space<vmem>>, %arg9: memref<3x32x40xf32, #tpu.memory_space<vmem>>, %arg10: memref<64xf32, #tpu.memory_space<vmem>>, %arg11: memref<!tpu.dma_semaphore, #tpu.memory_space<semaphore_mem>>, %arg12: memref<!tpu.dma_semaphore, #tpu.memory_space<semaphore_mem>>) attributes {dimension_semantics = [#tpu.dimension_semantics<core_parallel>, #tpu.dimension_semantics<subcore_parallel>], iteration_bounds = array<i64: 2, 16>, scalar_prefetch = 0 : i64, scratch_operands = 7 : i64, tpu.core_type = #tpu.core_type<sc_vector_subcore>, window_params = [{transform_indices = #map}, {transform_indices = #map1}, {transform_indices = #map}, {transform_indices = #map1}]} {
    %mul3A = arith.constant 2 : i32
    %mul3A_0 = arith.muli %arg1, %mul3A : i32
    %add3A = arith.addi %mul3A_0, %arg0 : i32
    "tpu.region"() ({
      %run_scoped3A = tpu.sem_alloc : memref<!tpu.dma_semaphore, #tpu.memory_space<semaphore_mem>>
      %dma_start3A_81 = arith.constant 0 : i32
      %dma_start3A_82 = tpu.memref_slice %arg3[%add3A, %dma_start3A_81] : memref<32x120xi32, #tpu.memory_space<hbm>> -> memref<1x120xi32, #tpu.memory_space<hbm>>
      %dma_start3A_83 = tpu.memref_squeeze %dma_start3A_82 : memref<1x120xi32, #tpu.memory_space<hbm>> -> memref<120xi32, #tpu.memory_space<hbm>>
      %dma_start3A_84 = arith.constant 0 : i32
      %dma_start3A_85 = tpu.memref_slice %arg3[%add3A, %dma_start3A_84] : memref<32x120xi32, #tpu.memory_space<hbm>> -> memref<1x120xi32, #tpu.memory_space<hbm>>
      %dma_start3A_86 = tpu.memref_squeeze %dma_start3A_85 : memref<1x120xi32, #tpu.memory_space<hbm>> -> memref<120xi32, #tpu.memory_space<hbm>>
      tpu.enqueue_dma source(%dma_start3A_86 : memref<120xi32, #tpu.memory_space<hbm>>) target(%arg6 : memref<120xi32, #tpu.memory_space<vmem>>) target_semaphore(%run_scoped3A : memref<!tpu.dma_semaphore, #tpu.memory_space<semaphore_mem>>)
      %dma_wait3A = arith.constant 0 : i32
      %dma_wait3A_87 = tpu.memref_slice %arg3[%add3A, %dma_wait3A] : memref<32x120xi32, #tpu.memory_space<hbm>> -> memref<1x120xi32, #tpu.memory_space<hbm>>
      %dma_wait3A_88 = tpu.memref_squeeze %dma_wait3A_87 : memref<1x120xi32, #tpu.memory_space<hbm>> -> memref<120xi32, #tpu.memory_space<hbm>>
      %dma_wait3A_89 = arith.constant 0 : i32
      %dma_wait3A_90 = tpu.memref_slice %arg3[%add3A, %dma_wait3A_89] : memref<32x120xi32, #tpu.memory_space<hbm>> -> memref<1x120xi32, #tpu.memory_space<hbm>>
      %dma_wait3A_91 = tpu.memref_squeeze %dma_wait3A_90 : memref<1x120xi32, #tpu.memory_space<hbm>> -> memref<120xi32, #tpu.memory_space<hbm>>
      tpu.wait_dma2 semaphore(%run_scoped3A : memref<!tpu.dma_semaphore, #tpu.memory_space<semaphore_mem>>) src(%dma_wait3A_91 : memref<120xi32, #tpu.memory_space<hbm>>) dst(%arg6 : memref<120xi32, #tpu.memory_space<vmem>>)
      tpu.yield
    }) : () -> ()
    "tpu.region"() ({
      %run_scoped3A = tpu.sem_alloc : memref<!tpu.dma_semaphore, #tpu.memory_space<semaphore_mem>>
      tpu.enqueue_dma source(%arg4 : memref<3x32x32xf32, #tpu.memory_space<hbm>>) target(%arg7 : memref<3x32x32xf32, #tpu.memory_space<vmem>>) target_semaphore(%run_scoped3A : memref<!tpu.dma_semaphore, #tpu.memory_space<semaphore_mem>>)
      tpu.wait_dma2 semaphore(%run_scoped3A : memref<!tpu.dma_semaphore, #tpu.memory_space<semaphore_mem>>) src(%arg4 : memref<3x32x32xf32, #tpu.memory_space<hbm>>) dst(%arg7 : memref<3x32x32xf32, #tpu.memory_space<vmem>>)
      tpu.yield
    }) : () -> ()
    %iota3A = tpu.iota {dimensions = array<i32: 0>} : vector<16xi32>
    %get3A = arith.constant 0 : index
    %get3A_1 = tpu.vector_load %arg6[%get3A] {strides = array<i32>} : memref<120xi32, #tpu.memory_space<vmem>>, vector<16xi32>,
    %slice3A = vector.extract_strided_slice %get3A_1 {offsets = [0], sizes = [1], strides = [1]} : vector<16xi32> to vector<1xi32>
    %squeeze3A = vector.extract %slice3A[0] : i32 from vector<1xi32>
    %sub3A = arith.constant 16 : i32
    %sub3A_2 = arith.subi %squeeze3A, %sub3A : i32
    %slice3A_3 = vector.extract_strided_slice %get3A_1 {offsets = [1], sizes = [1], strides = [1]} : vector<16xi32> to vector<1xi32>
    %squeeze3A_4 = vector.extract %slice3A_3[0] : i32 from vector<1xi32>
    %sub3A_5 = arith.constant 16 : i32
    %sub3A_6 = arith.subi %squeeze3A_4, %sub3A_5 : i32
    %jit3A = arith.constant 8 : i32
    %div3A = arith.divsi %sub3A_6, %jit3A : i32
    %sign3A = arith.constant 0 : i32
    %sign3A_7 = arith.cmpi sgt, %sub3A_6, %sign3A : i32
    %sign3A_8 = arith.extui %sign3A_7 : i1 to i32
    %sign3A_9 = arith.constant 0 : i32
    %sign3A_10 = arith.cmpi slt, %sub3A_6, %sign3A_9 : i32
    %sign3A_11 = arith.extui %sign3A_10 : i1 to i32
    %sign3A_12 = arith.subi %sign3A_8, %sign3A_11 : i32
    %sign3A_13 = arith.constant 0 : i32
    %sign3A_14 = arith.cmpi sgt, %jit3A, %sign3A_13 : i32
    %sign3A_15 = arith.extui %sign3A_14 : i1 to i32
    %sign3A_16 = arith.constant 0 : i32
    %sign3A_17 = arith.cmpi slt, %jit3A, %sign3A_16 : i32
    %sign3A_18 = arith.extui %sign3A_17 : i1 to i32
    %sign3A_19 = arith.subi %sign3A_15, %sign3A_18 : i32
    %ne3A = arith.cmpi ne, %sign3A_12, %sign3A_19 : i32
    %rem3A = arith.remsi %sub3A_6, %jit3A : i32
    %ne3A_20 = arith.constant 0 : i32
    %ne3A_21 = arith.cmpi ne, %rem3A, %ne3A_20 : i32
    %and3A = arith.andi %ne3A, %ne3A_21 : i1
    %sub3A_22 = arith.constant 1 : i32
    %sub3A_23 = arith.subi %div3A, %sub3A_22 : i32
    %select_n3A = arith.select %and3A, %sub3A_23, %div3A : i32
    %mul3A_24 = arith.constant 8 : i32
    %mul3A_25 = arith.muli %select_n3A, %mul3A_24 : i32
    %multiple_of3A = tpu.assume_multiple %mul3A_25, 8 : i32
    %sub3A_26 = arith.subi %sub3A_6, %multiple_of3A : i32
    %dma_start3A = arith.constant 0 : i32
    %dma_start3A_27 = arith.constant 0 : i32
    %dma_start3A_28 = arith.constant 0 : i32
    %dma_start3A_29 = arith.constant 0 : i32
    %dma_start3A_30 = tpu.memref_slice %arg8[%dma_start3A_27, %dma_start3A_28, %dma_start3A_29] : memref<3x32x40xf32, #tpu.memory_space<vmem>> -> memref<1x32x40xf32, #tpu.memory_space<vmem>>
    %dma_start3A_31 = tpu.memref_squeeze %dma_start3A_30 : memref<1x32x40xf32, #tpu.memory_space<vmem>> -> memref<32x40xf32, #tpu.memory_space<vmem>>
    %dma_start3A_32 = tpu.memref_slice %arg2[%dma_start3A, %sub3A_2, %multiple_of3A] : memref<3x512x512xf32, #tpu.memory_space<hbm>> -> memref<1x32x40xf32, #tpu.memory_space<hbm>>
    %dma_start3A_33 = tpu.memref_squeeze %dma_start3A_32 : memref<1x32x40xf32, #tpu.memory_space<hbm>> -> memref<32x40xf32, #tpu.memory_space<hbm>>
    %dma_start3A_34 = arith.constant 0 : i32
    %dma_start3A_35 = arith.constant 0 : i32
    %dma_start3A_36 = tpu.memref_slice %arg8[%dma_start3A_27, %dma_start3A_34, %dma_start3A_35] : memref<3x32x40xf32, #tpu.memory_space<vmem>> -> memref<1x32x40xf32, #tpu.memory_space<vmem>>
    %dma_start3A_37 = tpu.memref_squeeze %dma_start3A_36 : memref<1x32x40xf32, #tpu.memory_space<vmem>> -> memref<32x40xf32, #tpu.memory_space<vmem>>
    %dma_start3A_38 = tpu.memref_slice %arg2[%dma_start3A, %sub3A_2, %multiple_of3A] : memref<3x512x512xf32, #tpu.memory_space<hbm>> -> memref<1x32x40xf32, #tpu.memory_space<hbm>>
    %dma_start3A_39 = tpu.memref_squeeze %dma_start3A_38 : memref<1x32x40xf32, #tpu.memory_space<hbm>> -> memref<32x40xf32, #tpu.memory_space<hbm>>
    tpu.enqueue_dma source(%dma_start3A_39 : memref<32x40xf32, #tpu.memory_space<hbm>>) target(%dma_start3A_37 : memref<32x40xf32, #tpu.memory_space<vmem>>) target_semaphore(%arg11 : memref<!tpu.dma_semaphore, #tpu.memory_space<semaphore_mem>>)
    %dma_start3A_40 = arith.constant 1 : i32
    %dma_start3A_41 = arith.constant 1 : i32
    %dma_start3A_42 = arith.constant 0 : i32
    %dma_start3A_43 = arith.constant 0 : i32
    %dma_start3A_44 = tpu.memref_slice %arg8[%dma_start3A_41, %dma_start3A_42, %dma_start3A_43] : memref<3x32x40xf32, #tpu.memory_space<vmem>> -> memref<1x32x40xf32, #tpu.memory_space<vmem>>
    %dma_start3A_45 = tpu.memref_squeeze %dma_start3A_44 : memref<1x32x40xf32, #tpu.memory_space<vmem>> -> memref<32x40xf32, #tpu.memory_space<vmem>>
    %dma_start3A_46 = tpu.memref_slice %arg2[%dma_start3A_40, %sub3A_2, %multiple_of3A] : memref<3x512x512xf32, #tpu.memory_space<hbm>> -> memref<1x32x40xf32, #tpu.memory_space<hbm>>
    %dma_start3A_47 = tpu.memref_squeeze %dma_start3A_46 : memref<1x32x40xf32, #tpu.memory_space<hbm>> -> memref<32x40xf32, #tpu.memory_space<hbm>>
    %dma_start3A_48 = arith.constant 0 : i32
    %dma_start3A_49 = arith.constant 0 : i32
    %dma_start3A_50 = tpu.memref_slice %arg8[%dma_start3A_41, %dma_start3A_48, %dma_start3A_49] : memref<3x32x40xf32, #tpu.memory_space<vmem>> -> memref<1x32x40xf32, #tpu.memory_space<vmem>>
    %dma_start3A_51 = tpu.memref_squeeze %dma_start3A_50 : memref<1x32x40xf32, #tpu.memory_space<vmem>> -> memref<32x40xf32, #tpu.memory_space<vmem>>
    %dma_start3A_52 = tpu.memref_slice %arg2[%dma_start3A_40, %sub3A_2, %multiple_of3A] : memref<3x512x512xf32, #tpu.memory_space<hbm>> -> memref<1x32x40xf32, #tpu.memory_space<hbm>>
    %dma_start3A_53 = tpu.memref_squeeze %dma_start3A_52 : memref<1x32x40xf32, #tpu.memory_space<hbm>> -> memref<32x40xf32, #tpu.memory_space<hbm>>
    tpu.enqueue_dma source(%dma_start3A_53 : memref<32x40xf32, #tpu.memory_space<hbm>>) target(%dma_start3A_51 : memref<32x40xf32, #tpu.memory_space<vmem>>) target_semaphore(%arg11 : memref<!tpu.dma_semaphore, #tpu.memory_space<semaphore_mem>>)
    %dma_start3A_54 = arith.constant 2 : i32
    %dma_start3A_55 = arith.constant 2 : i32
    %dma_start3A_56 = arith.constant 0 : i32
    %dma_start3A_57 = arith.constant 0 : i32
    %dma_start3A_58 = tpu.memref_slice %arg8[%dma_start3A_55, %dma_start3A_56, %dma_start3A_57] : memref<3x32x40xf32, #tpu.memory_space<vmem>> -> memref<1x32x40xf32, #tpu.memory_space<vmem>>
    %dma_start3A_59 = tpu.memref_squeeze %dma_start3A_58 : memref<1x32x40xf32, #tpu.memory_space<vmem>> -> memref<32x40xf32, #tpu.memory_space<vmem>>
    %dma_start3A_60 = tpu.memref_slice %arg2[%dma_start3A_54, %sub3A_2, %multiple_of3A] : memref<3x512x512xf32, #tpu.memory_space<hbm>> -> memref<1x32x40xf32, #tpu.memory_space<hbm>>
    %dma_start3A_61 = tpu.memref_squeeze %dma_start3A_60 : memref<1x32x40xf32, #tpu.memory_space<hbm>> -> memref<32x40xf32, #tpu.memory_space<hbm>>
    %dma_start3A_62 = arith.constant 0 : i32
    %dma_start3A_63 = arith.constant 0 : i32
    %dma_start3A_64 = tpu.memref_slice %arg8[%dma_start3A_55, %dma_start3A_62, %dma_start3A_63] : memref<3x32x40xf32, #tpu.memory_space<vmem>> -> memref<1x32x40xf32, #tpu.memory_space<vmem>>
    %dma_start3A_65 = tpu.memref_squeeze %dma_start3A_64 : memref<1x32x40xf32, #tpu.memory_space<vmem>> -> memref<32x40xf32, #tpu.memory_space<vmem>>
    %dma_start3A_66 = tpu.memref_slice %arg2[%dma_start3A_54, %sub3A_2, %multiple_of3A] : memref<3x512x512xf32, #tpu.memory_space<hbm>> -> memref<1x32x40xf32, #tpu.memory_space<hbm>>
    %dma_start3A_67 = tpu.memref_squeeze %dma_start3A_66 : memref<1x32x40xf32, #tpu.memory_space<hbm>> -> memref<32x40xf32, #tpu.memory_space<hbm>>
    tpu.enqueue_dma source(%dma_start3A_67 : memref<32x40xf32, #tpu.memory_space<hbm>>) target(%dma_start3A_65 : memref<32x40xf32, #tpu.memory_space<vmem>>) target_semaphore(%arg11 : memref<!tpu.dma_semaphore, #tpu.memory_space<semaphore_mem>>)
    %broadcast_in_dim3A = arith.constant 0.000000e+00 : f32
    %broadcast_in_dim3A_68 = vector.broadcast %broadcast_in_dim3A : f32 to vector<16xf32>
    %scan3A = arith.constant 0 : i32
    %scan3A_69 = arith.constant 25 : i32
    %scan3A_70 = arith.addi %scan3A, %scan3A_69 : i32
    %scan3A_71 = arith.constant 1 : i32
    %scan3A_72:4 = scf.for %scan3A_81 = %scan3A to %scan3A_70 step %scan3A_71 iter_args(%scan3A_82 = %broadcast_in_dim3A_68, %scan3A_83 = %broadcast_in_dim3A_68, %scan3A_84 = %broadcast_in_dim3A_68, %scan3A_85 = %broadcast_in_dim3A_68) -> (vector<16xf32>, vector<16xf32>, vector<16xf32>, vector<16xf32>)  : i32 {
      %mul3A_86 = arith.constant 2 : i32
      %mul3A_87 = arith.muli %mul3A_86, %scan3A_81 : i32
      %add3A_88 = arith.constant 1 : i32
      %add3A_89 = arith.addi %mul3A_87, %add3A_88 : i32
      %mul3A_90 = arith.constant 2 : i32
      %mul3A_91 = arith.muli %mul3A_90, %add3A_89 : i32
      %get3A_92 = arith.index_cast %mul3A_91 : i32 to index
      %get3A_93 = tpu.vector_load %arg6[%get3A_92] {strides = array<i32>} : memref<120xi32, #tpu.memory_space<vmem>>, vector<16xi32>,
      %slice3A_94 = vector.extract_strided_slice %get3A_93 {offsets = [0], sizes = [1], strides = [1]} : vector<16xi32> to vector<1xi32>
      %squeeze3A_95 = vector.extract %slice3A_94[0] : i32 from vector<1xi32>
      %sub3A_96 = arith.constant 16 : i32
      %sub3A_97 = arith.subi %squeeze3A_95, %sub3A_96 : i32
      %slice3A_98 = vector.extract_strided_slice %get3A_93 {offsets = [1], sizes = [1], strides = [1]} : vector<16xi32> to vector<1xi32>
      %squeeze3A_99 = vector.extract %slice3A_98[0] : i32 from vector<1xi32>
      %sub3A_100 = arith.constant 16 : i32
      %sub3A_101 = arith.subi %squeeze3A_99, %sub3A_100 : i32
      %jit3A_102 = arith.constant 8 : i32
      %div3A_103 = arith.divsi %sub3A_101, %jit3A_102 : i32
      %sign3A_104 = arith.constant 0 : i32
      %sign3A_105 = arith.cmpi sgt, %sub3A_101, %sign3A_104 : i32
      %sign3A_106 = arith.extui %sign3A_105 : i1 to i32
      %sign3A_107 = arith.constant 0 : i32
      %sign3A_108 = arith.cmpi slt, %sub3A_101, %sign3A_107 : i32
      %sign3A_109 = arith.extui %sign3A_108 : i1 to i32
      %sign3A_110 = arith.subi %sign3A_106, %sign3A_109 : i32
      %sign3A_111 = arith.constant 0 : i32
      %sign3A_112 = arith.cmpi sgt, %jit3A_102, %sign3A_111 : i32
      %sign3A_113 = arith.extui %sign3A_112 : i1 to i32
      %sign3A_114 = arith.constant 0 : i32
      %sign3A_115 = arith.cmpi slt, %jit3A_102, %sign3A_114 : i32
      %sign3A_116 = arith.extui %sign3A_115 : i1 to i32
      %sign3A_117 = arith.subi %sign3A_113, %sign3A_116 : i32
      %ne3A_118 = arith.cmpi ne, %sign3A_110, %sign3A_117 : i32
      %rem3A_119 = arith.remsi %sub3A_101, %jit3A_102 : i32
      %ne3A_120 = arith.constant 0 : i32
      %ne3A_121 = arith.cmpi ne, %rem3A_119, %ne3A_120 : i32
      %and3A_122 = arith.andi %ne3A_118, %ne3A_121 : i1
      %sub3A_123 = arith.constant 1 : i32
      %sub3A_124 = arith.subi %div3A_103, %sub3A_123 : i32
      %select_n3A_125 = arith.select %and3A_122, %sub3A_124, %div3A_103 : i32
      %mul3A_126 = arith.constant 8 : i32
      %mul3A_127 = arith.muli %select_n3A_125, %mul3A_126 : i32
      %multiple_of3A_128 = tpu.assume_multiple %mul3A_127, 8 : i32
      %sub3A_129 = arith.subi %sub3A_101, %multiple_of3A_128 : i32
      %dma_start3A_130 = arith.constant 0 : i32
      %dma_start3A_131 = arith.constant 0 : i32
      %dma_start3A_132 = arith.constant 0 : i32
      %dma_start3A_133 = arith.constant 0 : i32
      %dma_start3A_134 = tpu.memref_slice %arg9[%dma_start3A_131, %dma_start3A_132, %dma_start3A_133] : memref<3x32x40xf32, #tpu.memory_space<vmem>> -> memref<1x32x40xf32, #tpu.memory_space<vmem>>
      %dma_start3A_135 = tpu.memref_squeeze %dma_start3A_134 : memref<1x32x40xf32, #tpu.memory_space<vmem>> -> memref<32x40xf32, #tpu.memory_space<vmem>>
      %dma_start3A_136 = tpu.memref_slice %arg2[%dma_start3A_130, %sub3A_97, %multiple_of3A_128] : memref<3x512x512xf32, #tpu.memory_space<hbm>> -> memref<1x32x40xf32, #tpu.memory_space<hbm>>
      %dma_start3A_137 = tpu.memref_squeeze %dma_start3A_136 : memref<1x32x40xf32, #tpu.memory_space<hbm>> -> memref<32x40xf32, #tpu.memory_space<hbm>>
      %dma_start3A_138 = arith.constant 0 : i32
      %dma_start3A_139 = arith.constant 0 : i32
      %dma_start3A_140 = tpu.memref_slice %arg9[%dma_start3A_131, %dma_start3A_138, %dma_start3A_139] : memref<3x32x40xf32, #tpu.memory_space<vmem>> -> memref<1x32x40xf32, #tpu.memory_space<vmem>>
      %dma_start3A_141 = tpu.memref_squeeze %dma_start3A_140 : memref<1x32x40xf32, #tpu.memory_space<vmem>> -> memref<32x40xf32, #tpu.memory_space<vmem>>
      %dma_start3A_142 = tpu.memref_slice %arg2[%dma_start3A_130, %sub3A_97, %multiple_of3A_128] : memref<3x512x512xf32, #tpu.memory_space<hbm>> -> memref<1x32x40xf32, #tpu.memory_space<hbm>>
      %dma_start3A_143 = tpu.memref_squeeze %dma_start3A_142 : memref<1x32x40xf32, #tpu.memory_space<hbm>> -> memref<32x40xf32, #tpu.memory_space<hbm>>
      tpu.enqueue_dma source(%dma_start3A_143 : memref<32x40xf32, #tpu.memory_space<hbm>>) target(%dma_start3A_141 : memref<32x40xf32, #tpu.memory_space<vmem>>) target_semaphore(%arg12 : memref<!tpu.dma_semaphore, #tpu.memory_space<semaphore_mem>>)
      %dma_start3A_144 = arith.constant 1 : i32
      %dma_start3A_145 = arith.constant 1 : i32
      %dma_start3A_146 = arith.constant 0 : i32
      %dma_start3A_147 = arith.constant 0 : i32
      %dma_start3A_148 = tpu.memref_slice %arg9[%dma_start3A_145, %dma_start3A_146, %dma_start3A_147] : memref<3x32x40xf32, #tpu.memory_space<vmem>> -> memref<1x32x40xf32, #tpu.memory_space<vmem>>
      %dma_start3A_149 = tpu.memref_squeeze %dma_start3A_148 : memref<1x32x40xf32, #tpu.memory_space<vmem>> -> memref<32x40xf32, #tpu.memory_space<vmem>>
      %dma_start3A_150 = tpu.memref_slice %arg2[%dma_start3A_144, %sub3A_97, %multiple_of3A_128] : memref<3x512x512xf32, #tpu.memory_space<hbm>> -> memref<1x32x40xf32, #tpu.memory_space<hbm>>
      %dma_start3A_151 = tpu.memref_squeeze %dma_start3A_150 : memref<1x32x40xf32, #tpu.memory_space<hbm>> -> memref<32x40xf32, #tpu.memory_space<hbm>>
      %dma_start3A_152 = arith.constant 0 : i32
      %dma_start3A_153 = arith.constant 0 : i32
      %dma_start3A_154 = tpu.memref_slice %arg9[%dma_start3A_145, %dma_start3A_152, %dma_start3A_153] : memref<3x32x40xf32, #tpu.memory_space<vmem>> -> memref<1x32x40xf32, #tpu.memory_space<vmem>>
      %dma_start3A_155 = tpu.memref_squeeze %dma_start3A_154 : memref<1x32x40xf32, #tpu.memory_space<vmem>> -> memref<32x40xf32, #tpu.memory_space<vmem>>
      %dma_start3A_156 = tpu.memref_slice %arg2[%dma_start3A_144, %sub3A_97, %multiple_of3A_128] : memref<3x512x512xf32, #tpu.memory_space<hbm>> -> memref<1x32x40xf32, #tpu.memory_space<hbm>>
      %dma_start3A_157 = tpu.memref_squeeze %dma_start3A_156 : memref<1x32x40xf32, #tpu.memory_space<hbm>> -> memref<32x40xf32, #tpu.memory_space<hbm>>
      tpu.enqueue_dma source(%dma_start3A_157 : memref<32x40xf32, #tpu.memory_space<hbm>>) target(%dma_start3A_155 : memref<32x40xf32, #tpu.memory_space<vmem>>) target_semaphore(%arg12 : memref<!tpu.dma_semaphore, #tpu.memory_space<semaphore_mem>>)
      %dma_start3A_158 = arith.constant 2 : i32
      %dma_start3A_159 = arith.constant 2 : i32
      %dma_start3A_160 = arith.constant 0 : i32
      %dma_start3A_161 = arith.constant 0 : i32
      %dma_start3A_162 = tpu.memref_slice %arg9[%dma_start3A_159, %dma_start3A_160, %dma_start3A_161] : memref<3x32x40xf32, #tpu.memory_space<vmem>> -> memref<1x32x40xf32, #tpu.memory_space<vmem>>
      %dma_start3A_163 = tpu.memref_squeeze %dma_start3A_162 : memref<1x32x40xf32, #tpu.memory_space<vmem>> -> memref<32x40xf32, #tpu.memory_space<vmem>>
      %dma_start3A_164 = tpu.memref_slice %arg2[%dma_start3A_158, %sub3A_97, %multiple_of3A_128] : memref<3x512x512xf32, #tpu.memory_space<hbm>> -> memref<1x32x40xf32, #tpu.memory_space<hbm>>
      %dma_start3A_165 = tpu.memref_squeeze %dma_start3A_164 : memref<1x32x40xf32, #tpu.memory_space<hbm>> -> memref<32x40xf32, #tpu.memory_space<hbm>>
      %dma_start3A_166 = arith.constant 0 : i32
      %dma_start3A_167 = arith.constant 0 : i32
      %dma_start3A_168 = tpu.memref_slice %arg9[%dma_start3A_159, %dma_start3A_166, %dma_start3A_167] : memref<3x32x40xf32, #tpu.memory_space<vmem>> -> memref<1x32x40xf32, #tpu.memory_space<vmem>>
      %dma_start3A_169 = tpu.memref_squeeze %dma_start3A_168 : memref<1x32x40xf32, #tpu.memory_space<vmem>> -> memref<32x40xf32, #tpu.memory_space<vmem>>
      %dma_start3A_170 = tpu.memref_slice %arg2[%dma_start3A_158, %sub3A_97, %multiple_of3A_128] : memref<3x512x512xf32, #tpu.memory_space<hbm>> -> memref<1x32x40xf32, #tpu.memory_space<hbm>>
      %dma_start3A_171 = tpu.memref_squeeze %dma_start3A_170 : memref<1x32x40xf32, #tpu.memory_space<hbm>> -> memref<32x40xf32, #tpu.memory_space<hbm>>
      tpu.enqueue_dma source(%dma_start3A_171 : memref<32x40xf32, #tpu.memory_space<hbm>>) target(%dma_start3A_169 : memref<32x40xf32, #tpu.memory_space<vmem>>) target_semaphore(%arg12 : memref<!tpu.dma_semaphore, #tpu.memory_space<semaphore_mem>>)
      %dma_wait3A = arith.constant 0 : i32
      %dma_wait3A_172 = arith.constant 0 : i32
      %dma_wait3A_173 = arith.constant 0 : i32
      %dma_wait3A_174 = arith.constant 0 : i32
      %dma_wait3A_175 = tpu.memref_slice %arg8[%dma_wait3A_172, %dma_wait3A_173, %dma_wait3A_174] : memref<3x32x40xf32, #tpu.memory_space<vmem>> -> memref<1x32x40xf32, #tpu.memory_space<vmem>>
      %dma_wait3A_176 = tpu.memref_squeeze %dma_wait3A_175 : memref<1x32x40xf32, #tpu.memory_space<vmem>> -> memref<32x40xf32, #tpu.memory_space<vmem>>
      %dma_wait3A_177 = arith.constant 0 : i32
      %dma_wait3A_178 = arith.constant 0 : i32
      %dma_wait3A_179 = tpu.memref_slice %arg2[%dma_wait3A, %dma_wait3A_177, %dma_wait3A_178] : memref<3x512x512xf32, #tpu.memory_space<hbm>> -> memref<1x32x40xf32, #tpu.memory_space<hbm>>
      %dma_wait3A_180 = tpu.memref_squeeze %dma_wait3A_179 : memref<1x32x40xf32, #tpu.memory_space<hbm>> -> memref<32x40xf32, #tpu.memory_space<hbm>>
      %dma_wait3A_181 = arith.constant 0 : i32
      %dma_wait3A_182 = arith.constant 0 : i32
      %dma_wait3A_183 = tpu.memref_slice %arg8[%dma_wait3A_172, %dma_wait3A_181, %dma_wait3A_182] : memref<3x32x40xf32, #tpu.memory_space<vmem>> -> memref<1x32x40xf32, #tpu.memory_space<vmem>>
      %dma_wait3A_184 = tpu.memref_squeeze %dma_wait3A_183 : memref<1x32x40xf32, #tpu.memory_space<vmem>> -> memref<32x40xf32, #tpu.memory_space<vmem>>
      %dma_wait3A_185 = arith.constant 0 : i32
      %dma_wait3A_186 = arith.constant 0 : i32
      %dma_wait3A_187 = tpu.memref_slice %arg2[%dma_wait3A, %dma_wait3A_185, %dma_wait3A_186] : memref<3x512x512xf32, #tpu.memory_space<hbm>> -> memref<1x32x40xf32, #tpu.memory_space<hbm>>
      %dma_wait3A_188 = tpu.memref_squeeze %dma_wait3A_187 : memref<1x32x40xf32, #tpu.memory_space<hbm>> -> memref<32x40xf32, #tpu.memory_space<hbm>>
      tpu.wait_dma2 semaphore(%arg11 : memref<!tpu.dma_semaphore, #tpu.memory_space<semaphore_mem>>) src(%dma_wait3A_188 : memref<32x40xf32, #tpu.memory_space<hbm>>) dst(%dma_wait3A_184 : memref<32x40xf32, #tpu.memory_space<vmem>>)
      %dma_wait3A_189 = arith.constant 1 : i32
      %dma_wait3A_190 = arith.constant 1 : i32
      %dma_wait3A_191 = arith.constant 0 : i32
      %dma_wait3A_192 = arith.constant 0 : i32
      %dma_wait3A_193 = tpu.memref_slice %arg8[%dma_wait3A_190, %dma_wait3A_191, %dma_wait3A_192] : memref<3x32x40xf32, #tpu.memory_space<vmem>> -> memref<1x32x40xf32, #tpu.memory_space<vmem>>
      %dma_wait3A_194 = tpu.memref_squeeze %dma_wait3A_193 : memref<1x32x40xf32, #tpu.memory_space<vmem>> -> memref<32x40xf32, #tpu.memory_space<vmem>>
      %dma_wait3A_195 = arith.constant 0 : i32
      %dma_wait3A_196 = arith.constant 0 : i32
      %dma_wait3A_197 = tpu.memref_slice %arg2[%dma_wait3A_189, %dma_wait3A_195, %dma_wait3A_196] : memref<3x512x512xf32, #tpu.memory_space<hbm>> -> memref<1x32x40xf32, #tpu.memory_space<hbm>>
      %dma_wait3A_198 = tpu.memref_squeeze %dma_wait3A_197 : memref<1x32x40xf32, #tpu.memory_space<hbm>> -> memref<32x40xf32, #tpu.memory_space<hbm>>
      %dma_wait3A_199 = arith.constant 0 : i32
      %dma_wait3A_200 = arith.constant 0 : i32
      %dma_wait3A_201 = tpu.memref_slice %arg8[%dma_wait3A_190, %dma_wait3A_199, %dma_wait3A_200] : memref<3x32x40xf32, #tpu.memory_space<vmem>> -> memref<1x32x40xf32, #tpu.memory_space<vmem>>
      %dma_wait3A_202 = tpu.memref_squeeze %dma_wait3A_201 : memref<1x32x40xf32, #tpu.memory_space<vmem>> -> memref<32x40xf32, #tpu.memory_space<vmem>>
      %dma_wait3A_203 = arith.constant 0 : i32
      %dma_wait3A_204 = arith.constant 0 : i32
      %dma_wait3A_205 = tpu.memref_slice %arg2[%dma_wait3A_189, %dma_wait3A_203, %dma_wait3A_204] : memref<3x512x512xf32, #tpu.memory_space<hbm>> -> memref<1x32x40xf32, #tpu.memory_space<hbm>>
      %dma_wait3A_206 = tpu.memref_squeeze %dma_wait3A_205 : memref<1x32x40xf32, #tpu.memory_space<hbm>> -> memref<32x40xf32, #tpu.memory_space<hbm>>
      tpu.wait_dma2 semaphore(%arg11 : memref<!tpu.dma_semaphore, #tpu.memory_space<semaphore_mem>>) src(%dma_wait3A_206 : memref<32x40xf32, #tpu.memory_space<hbm>>) dst(%dma_wait3A_202 : memref<32x40xf32, #tpu.memory_space<vmem>>)
      %dma_wait3A_207 = arith.constant 2 : i32
      %dma_wait3A_208 = arith.constant 2 : i32
      %dma_wait3A_209 = arith.constant 0 : i32
      %dma_wait3A_210 = arith.constant 0 : i32
      %dma_wait3A_211 = tpu.memref_slice %arg8[%dma_wait3A_208, %dma_wait3A_209, %dma_wait3A_210] : memref<3x32x40xf32, #tpu.memory_space<vmem>> -> memref<1x32x40xf32, #tpu.memory_space<vmem>>
      %dma_wait3A_212 = tpu.memref_squeeze %dma_wait3A_211 : memref<1x32x40xf32, #tpu.memory_space<vmem>> -> memref<32x40xf32, #tpu.memory_space<vmem>>
      %dma_wait3A_213 = arith.constant 0 : i32
      %dma_wait3A_214 = arith.constant 0 : i32
      %dma_wait3A_215 = tpu.memref_slice %arg2[%dma_wait3A_207, %dma_wait3A_213, %dma_wait3A_214] : memref<3x512x512xf32, #tpu.memory_space<hbm>> -> memref<1x32x40xf32, #tpu.memory_space<hbm>>
      %dma_wait3A_216 = tpu.memref_squeeze %dma_wait3A_215 : memref<1x32x40xf32, #tpu.memory_space<hbm>> -> memref<32x40xf32, #tpu.memory_space<hbm>>
      %dma_wait3A_217 = arith.constant 0 : i32
      %dma_wait3A_218 = arith.constant 0 : i32
      %dma_wait3A_219 = tpu.memref_slice %arg8[%dma_wait3A_208, %dma_wait3A_217, %dma_wait3A_218] : memref<3x32x40xf32, #tpu.memory_space<vmem>> -> memref<1x32x40xf32, #tpu.memory_space<vmem>>
      %dma_wait3A_220 = tpu.memref_squeeze %dma_wait3A_219 : memref<1x32x40xf32, #tpu.memory_space<vmem>> -> memref<32x40xf32, #tpu.memory_space<vmem>>
      %dma_wait3A_221 = arith.constant 0 : i32
      %dma_wait3A_222 = arith.constant 0 : i32
      %dma_wait3A_223 = tpu.memref_slice %arg2[%dma_wait3A_207, %dma_wait3A_221, %dma_wait3A_222] : memref<3x512x512xf32, #tpu.memory_space<hbm>> -> memref<1x32x40xf32, #tpu.memory_space<hbm>>
      %dma_wait3A_224 = tpu.memref_squeeze %dma_wait3A_223 : memref<1x32x40xf32, #tpu.memory_space<hbm>> -> memref<32x40xf32, #tpu.memory_space<hbm>>
      tpu.wait_dma2 semaphore(%arg11 : memref<!tpu.dma_semaphore, #tpu.memory_space<semaphore_mem>>) src(%dma_wait3A_224 : memref<32x40xf32, #tpu.memory_space<hbm>>) dst(%dma_wait3A_220 : memref<32x40xf32, #tpu.memory_space<vmem>>)
      %mul3A_225 = arith.constant 2 : i32
      %mul3A_226 = arith.muli %mul3A_225, %scan3A_81 : i32
      %mul3A_227 = arith.constant 2 : i32
      %mul3A_228 = arith.muli %mul3A_227, %scan3A_81 : i32
      %mul3A_229 = arith.constant 2 : i32
      %mul3A_230 = arith.muli %mul3A_229, %mul3A_228 : i32
      %get3A_231 = arith.index_cast %mul3A_230 : i32 to index
      %get3A_232 = tpu.vector_load %arg6[%get3A_231] {strides = array<i32>} : memref<120xi32, #tpu.memory_space<vmem>>, vector<16xi32>,
      %slice3A_233 = vector.extract_strided_slice %get3A_232 {offsets = [0], sizes = [1], strides = [1]} : vector<16xi32> to vector<1xi32>
      %squeeze3A_234 = vector.extract %slice3A_233[0] : i32 from vector<1xi32>
      %sub3A_235 = arith.constant 16 : i32
      %sub3A_236 = arith.subi %squeeze3A_234, %sub3A_235 : i32
      %slice3A_237 = vector.extract_strided_slice %get3A_232 {offsets = [1], sizes = [1], strides = [1]} : vector<16xi32> to vector<1xi32>
      %squeeze3A_238 = vector.extract %slice3A_237[0] : i32 from vector<1xi32>
      %sub3A_239 = arith.constant 16 : i32
      %sub3A_240 = arith.subi %squeeze3A_238, %sub3A_239 : i32
      %jit3A_241 = arith.constant 8 : i32
      %div3A_242 = arith.divsi %sub3A_240, %jit3A_241 : i32
      %sign3A_243 = arith.constant 0 : i32
      %sign3A_244 = arith.cmpi sgt, %sub3A_240, %sign3A_243 : i32
      %sign3A_245 = arith.extui %sign3A_244 : i1 to i32
      %sign3A_246 = arith.constant 0 : i32
      %sign3A_247 = arith.cmpi slt, %sub3A_240, %sign3A_246 : i32
      %sign3A_248 = arith.extui %sign3A_247 : i1 to i32
      %sign3A_249 = arith.subi %sign3A_245, %sign3A_248 : i32
      %sign3A_250 = arith.constant 0 : i32
      %sign3A_251 = arith.cmpi sgt, %jit3A_241, %sign3A_250 : i32
      %sign3A_252 = arith.extui %sign3A_251 : i1 to i32
      %sign3A_253 = arith.constant 0 : i32
      %sign3A_254 = arith.cmpi slt, %jit3A_241, %sign3A_253 : i32
      %sign3A_255 = arith.extui %sign3A_254 : i1 to i32
      %sign3A_256 = arith.subi %sign3A_252, %sign3A_255 : i32
      %ne3A_257 = arith.cmpi ne, %sign3A_249, %sign3A_256 : i32
      %rem3A_258 = arith.remsi %sub3A_240, %jit3A_241 : i32
      %ne3A_259 = arith.constant 0 : i32
      %ne3A_260 = arith.cmpi ne, %rem3A_258, %ne3A_259 : i32
      %and3A_261 = arith.andi %ne3A_257, %ne3A_260 : i1
      %sub3A_262 = arith.constant 1 : i32
      %sub3A_263 = arith.subi %div3A_242, %sub3A_262 : i32
      %select_n3A_264 = arith.select %and3A_261, %sub3A_263, %div3A_242 : i32
      %mul3A_265 = arith.constant 8 : i32
      %mul3A_266 = arith.muli %select_n3A_264, %mul3A_265 : i32
      %multiple_of3A_267 = tpu.assume_multiple %mul3A_266, 8 : i32
      %sub3A_268 = arith.subi %sub3A_240, %multiple_of3A_267 : i32
      %broadcast_in_dim3A_269 = arith.constant 0.000000e+00 : f32
      %broadcast_in_dim3A_270 = vector.broadcast %broadcast_in_dim3A_269 : f32 to vector<16xf32>
      %scan3A_271 = arith.constant 0 : i32
      %scan3A_272 = arith.constant 8 : i32
      %scan3A_273 = arith.addi %scan3A_271, %scan3A_272 : i32
      %scan3A_274 = arith.constant 1 : i32
      %scan3A_275 = scf.for %scan3A_667 = %scan3A_271 to %scan3A_273 step %scan3A_274 iter_args(%scan3A_668 = %broadcast_in_dim3A_270) -> (vector<16xf32>)  : i32 {
        %mul3A_669 = arith.constant 2 : i32
        %mul3A_670 = arith.muli %mul3A_669, %scan3A_667 : i32
        %add3A_671 = arith.constant 0 : i32
        %add3A_672 = arith.addi %add3A_671, %mul3A_670 : i32
        %add3A_673 = arith.constant 0 : i32
        %add3A_674 = arith.addi %add3A_672, %add3A_673 : i32
        %get3A_675 = arith.constant 0 : i32
        %get3A_676 = arith.index_cast %get3A_675 : i32 to index
        %get3A_677 = arith.index_cast %add3A_674 : i32 to index
        %get3A_678 = arith.index_cast %sub3A_268 : i32 to index
        %get3A_679 = tpu.vector_load %arg8[%get3A_676, %get3A_677, %get3A_678] {strides = array<i32>} : memref<3x32x40xf32, #tpu.memory_space<vmem>>, vector<16xf32>,
        %add3A_680 = arith.constant 16 : i32
        %add3A_681 = arith.addi %sub3A_268, %add3A_680 : i32
        %get3A_682 = arith.constant 0 : i32
        %get3A_683 = arith.index_cast %get3A_682 : i32 to index
        %get3A_684 = arith.index_cast %add3A_674 : i32 to index
        %get3A_685 = arith.index_cast %add3A_681 : i32 to index
        %get3A_686 = tpu.vector_load %arg8[%get3A_683, %get3A_684, %get3A_685] {strides = array<i32>} : memref<3x32x40xf32, #tpu.memory_space<vmem>>, vector<16xf32>,
        %get3A_687 = arith.constant 0 : i32
        %get3A_688 = arith.index_cast %get3A_687 : i32 to index
        %get3A_689 = arith.index_cast %add3A_674 : i32 to index
        %get3A_690 = arith.constant 0 : index
        %get3A_691 = tpu.vector_load %arg7[%get3A_688, %get3A_689, %get3A_690] {strides = array<i32>} : memref<3x32x32xf32, #tpu.memory_space<vmem>>, vector<16xf32>,
        %get3A_692 = arith.constant 0 : i32
        %get3A_693 = arith.index_cast %get3A_692 : i32 to index
        %get3A_694 = arith.index_cast %add3A_674 : i32 to index
        %get3A_695 = arith.constant 16 : index
        %get3A_696 = tpu.vector_load %arg7[%get3A_693, %get3A_694, %get3A_695] {strides = array<i32>} : memref<3x32x32xf32, #tpu.memory_space<vmem>>, vector<16xf32>,
        %sub3A_697 = arith.subf %get3A_679, %get3A_691 : vector<16xf32>
        %sub3A_698 = arith.subf %get3A_686, %get3A_696 : vector<16xf32>
        %mul3A_699 = arith.mulf %sub3A_697, %sub3A_697 : vector<16xf32>
        %mul3A_700 = arith.mulf %sub3A_698, %sub3A_698 : vector<16xf32>
        %add3A_701 = arith.addf %mul3A_699, %mul3A_700 : vector<16xf32>
        %add3A_702 = arith.addf %scan3A_668, %add3A_701 : vector<16xf32>
        %mul3A_703 = arith.constant 2 : i32
        %mul3A_704 = arith.muli %mul3A_703, %scan3A_667 : i32
        %add3A_705 = arith.constant 0 : i32
        %add3A_706 = arith.addi %add3A_705, %mul3A_704 : i32
        %add3A_707 = arith.constant 1 : i32
        %add3A_708 = arith.addi %add3A_706, %add3A_707 : i32
        %get3A_709 = arith.constant 0 : i32
        %get3A_710 = arith.index_cast %get3A_709 : i32 to index
        %get3A_711 = arith.index_cast %add3A_708 : i32 to index
        %get3A_712 = arith.index_cast %sub3A_268 : i32 to index
        %get3A_713 = tpu.vector_load %arg8[%get3A_710, %get3A_711, %get3A_712] {strides = array<i32>} : memref<3x32x40xf32, #tpu.memory_space<vmem>>, vector<16xf32>,
        %add3A_714 = arith.constant 16 : i32
        %add3A_715 = arith.addi %sub3A_268, %add3A_714 : i32
        %get3A_716 = arith.constant 0 : i32
        %get3A_717 = arith.index_cast %get3A_716 : i32 to index
        %get3A_718 = arith.index_cast %add3A_708 : i32 to index
        %get3A_719 = arith.index_cast %add3A_715 : i32 to index
        %get3A_720 = tpu.vector_load %arg8[%get3A_717, %get3A_718, %get3A_719] {strides = array<i32>} : memref<3x32x40xf32, #tpu.memory_space<vmem>>, vector<16xf32>,
        %get3A_721 = arith.constant 0 : i32
        %get3A_722 = arith.index_cast %get3A_721 : i32 to index
        %get3A_723 = arith.index_cast %add3A_708 : i32 to index
        %get3A_724 = arith.constant 0 : index
        %get3A_725 = tpu.vector_load %arg7[%get3A_722, %get3A_723, %get3A_724] {strides = array<i32>} : memref<3x32x32xf32, #tpu.memory_space<vmem>>, vector<16xf32>,
        %get3A_726 = arith.constant 0 : i32
        %get3A_727 = arith.index_cast %get3A_726 : i32 to index
        %get3A_728 = arith.index_cast %add3A_708 : i32 to index
        %get3A_729 = arith.constant 16 : index
        %get3A_730 = tpu.vector_load %arg7[%get3A_727, %get3A_728, %get3A_729] {strides = array<i32>} : memref<3x32x32xf32, #tpu.memory_space<vmem>>, vector<16xf32>,
        %sub3A_731 = arith.subf %get3A_713, %get3A_725 : vector<16xf32>
        %sub3A_732 = arith.subf %get3A_720, %get3A_730 : vector<16xf32>
        %mul3A_733 = arith.mulf %sub3A_731, %sub3A_731 : vector<16xf32>
        %mul3A_734 = arith.mulf %sub3A_732, %sub3A_732 : vector<16xf32>
        %add3A_735 = arith.addf %mul3A_733, %mul3A_734 : vector<16xf32>
        %add3A_736 = arith.addf %add3A_702, %add3A_735 : vector<16xf32>
        scf.yield %add3A_736 : vector<16xf32>
      }
      %scan3A_276 = arith.constant 8 : i32
      %broadcast_in_dim3A_277 = arith.constant 0.000000e+00 : f32
      %broadcast_in_dim3A_278 = vector.broadcast %broadcast_in_dim3A_277 : f32 to vector<16xf32>
      %scan3A_279 = arith.constant 0 : i32
      %scan3A_280 = arith.constant 8 : i32
      %scan3A_281 = arith.addi %scan3A_279, %scan3A_280 : i32
      %scan3A_282 = arith.constant 1 : i32
      %scan3A_283 = scf.for %scan3A_667 = %scan3A_279 to %scan3A_281 step %scan3A_282 iter_args(%scan3A_668 = %broadcast_in_dim3A_278) -> (vector<16xf32>)  : i32 {
        %mul3A_669 = arith.constant 2 : i32
        %mul3A_670 = arith.muli %mul3A_669, %scan3A_667 : i32
        %add3A_671 = arith.constant 16 : i32
        %add3A_672 = arith.addi %add3A_671, %mul3A_670 : i32
        %add3A_673 = arith.constant 0 : i32
        %add3A_674 = arith.addi %add3A_672, %add3A_673 : i32
        %get3A_675 = arith.constant 0 : i32
        %get3A_676 = arith.index_cast %get3A_675 : i32 to index
        %get3A_677 = arith.index_cast %add3A_674 : i32 to index
        %get3A_678 = arith.index_cast %sub3A_268 : i32 to index
        %get3A_679 = tpu.vector_load %arg8[%get3A_676, %get3A_677, %get3A_678] {strides = array<i32>} : memref<3x32x40xf32, #tpu.memory_space<vmem>>, vector<16xf32>,
        %add3A_680 = arith.constant 16 : i32
        %add3A_681 = arith.addi %sub3A_268, %add3A_680 : i32
        %get3A_682 = arith.constant 0 : i32
        %get3A_683 = arith.index_cast %get3A_682 : i32 to index
        %get3A_684 = arith.index_cast %add3A_674 : i32 to index
        %get3A_685 = arith.index_cast %add3A_681 : i32 to index
        %get3A_686 = tpu.vector_load %arg8[%get3A_683, %get3A_684, %get3A_685] {strides = array<i32>} : memref<3x32x40xf32, #tpu.memory_space<vmem>>, vector<16xf32>,
        %get3A_687 = arith.constant 0 : i32
        %get3A_688 = arith.index_cast %get3A_687 : i32 to index
        %get3A_689 = arith.index_cast %add3A_674 : i32 to index
        %get3A_690 = arith.constant 0 : index
        %get3A_691 = tpu.vector_load %arg7[%get3A_688, %get3A_689, %get3A_690] {strides = array<i32>} : memref<3x32x32xf32, #tpu.memory_space<vmem>>, vector<16xf32>,
        %get3A_692 = arith.constant 0 : i32
        %get3A_693 = arith.index_cast %get3A_692 : i32 to index
        %get3A_694 = arith.index_cast %add3A_674 : i32 to index
        %get3A_695 = arith.constant 16 : index
        %get3A_696 = tpu.vector_load %arg7[%get3A_693, %get3A_694, %get3A_695] {strides = array<i32>} : memref<3x32x32xf32, #tpu.memory_space<vmem>>, vector<16xf32>,
        %sub3A_697 = arith.subf %get3A_679, %get3A_691 : vector<16xf32>
        %sub3A_698 = arith.subf %get3A_686, %get3A_696 : vector<16xf32>
        %mul3A_699 = arith.mulf %sub3A_697, %sub3A_697 : vector<16xf32>
        %mul3A_700 = arith.mulf %sub3A_698, %sub3A_698 : vector<16xf32>
        %add3A_701 = arith.addf %mul3A_699, %mul3A_700 : vector<16xf32>
        %add3A_702 = arith.addf %scan3A_668, %add3A_701 : vector<16xf32>
        %mul3A_703 = arith.constant 2 : i32
        %mul3A_704 = arith.muli %mul3A_703, %scan3A_667 : i32
        %add3A_705 = arith.constant 16 : i32
        %add3A_706 = arith.addi %add3A_705, %mul3A_704 : i32
        %add3A_707 = arith.constant 1 : i32
        %add3A_708 = arith.addi %add3A_706, %add3A_707 : i32
        %get3A_709 = arith.constant 0 : i32
        %get3A_710 = arith.index_cast %get3A_709 : i32 to index
        %get3A_711 = arith.index_cast %add3A_708 : i32 to index
        %get3A_712 = arith.index_cast %sub3A_268 : i32 to index
        %get3A_713 = tpu.vector_load %arg8[%get3A_710, %get3A_711, %get3A_712] {strides = array<i32>} : memref<3x32x40xf32, #tpu.memory_space<vmem>>, vector<16xf32>,
        %add3A_714 = arith.constant 16 : i32
        %add3A_715 = arith.addi %sub3A_268, %add3A_714 : i32
        %get3A_716 = arith.constant 0 : i32
        %get3A_717 = arith.index_cast %get3A_716 : i32 to index
        %get3A_718 = arith.index_cast %add3A_708 : i32 to index
        %get3A_719 = arith.index_cast %add3A_715 : i32 to index
        %get3A_720 = tpu.vector_load %arg8[%get3A_717, %get3A_718, %get3A_719] {strides = array<i32>} : memref<3x32x40xf32, #tpu.memory_space<vmem>>, vector<16xf32>,
        %get3A_721 = arith.constant 0 : i32
        %get3A_722 = arith.index_cast %get3A_721 : i32 to index
        %get3A_723 = arith.index_cast %add3A_708 : i32 to index
        %get3A_724 = arith.constant 0 : index
        %get3A_725 = tpu.vector_load %arg7[%get3A_722, %get3A_723, %get3A_724] {strides = array<i32>} : memref<3x32x32xf32, #tpu.memory_space<vmem>>, vector<16xf32>,
        %get3A_726 = arith.constant 0 : i32
        %get3A_727 = arith.index_cast %get3A_726 : i32 to index
        %get3A_728 = arith.index_cast %add3A_708 : i32 to index
        %get3A_729 = arith.constant 16 : index
        %get3A_730 = tpu.vector_load %arg7[%get3A_727, %get3A_728, %get3A_729] {strides = array<i32>} : memref<3x32x32xf32, #tpu.memory_space<vmem>>, vector<16xf32>,
        %sub3A_731 = arith.subf %get3A_713, %get3A_725 : vector<16xf32>
        %sub3A_732 = arith.subf %get3A_720, %get3A_730 : vector<16xf32>
        %mul3A_733 = arith.mulf %sub3A_731, %sub3A_731 : vector<16xf32>
        %mul3A_734 = arith.mulf %sub3A_732, %sub3A_732 : vector<16xf32>
        %add3A_735 = arith.addf %mul3A_733, %mul3A_734 : vector<16xf32>
        %add3A_736 = arith.addf %add3A_702, %add3A_735 : vector<16xf32>
        scf.yield %add3A_736 : vector<16xf32>
      }
      %scan3A_284 = arith.constant 8 : i32
      %broadcast_in_dim3A_285 = arith.constant 0.000000e+00 : f32
      %broadcast_in_dim3A_286 = vector.broadcast %broadcast_in_dim3A_285 : f32 to vector<16xf32>
      %scan3A_287 = arith.constant 0 : i32
      %scan3A_288 = arith.constant 8 : i32
      %scan3A_289 = arith.addi %scan3A_287, %scan3A_288 : i32
      %scan3A_290 = arith.constant 1 : i32
      %scan3A_291 = scf.for %scan3A_667 = %scan3A_287 to %scan3A_289 step %scan3A_290 iter_args(%scan3A_668 = %broadcast_in_dim3A_286) -> (vector<16xf32>)  : i32 {
        %mul3A_669 = arith.constant 2 : i32
        %mul3A_670 = arith.muli %mul3A_669, %scan3A_667 : i32
        %add3A_671 = arith.constant 0 : i32
        %add3A_672 = arith.addi %add3A_671, %mul3A_670 : i32
        %add3A_673 = arith.constant 0 : i32
        %add3A_674 = arith.addi %add3A_672, %add3A_673 : i32
        %get3A_675 = arith.constant 1 : i32
        %get3A_676 = arith.index_cast %get3A_675 : i32 to index
        %get3A_677 = arith.index_cast %add3A_674 : i32 to index
        %get3A_678 = arith.index_cast %sub3A_268 : i32 to index
        %get3A_679 = tpu.vector_load %arg8[%get3A_676, %get3A_677, %get3A_678] {strides = array<i32>} : memref<3x32x40xf32, #tpu.memory_space<vmem>>, vector<16xf32>,
        %add3A_680 = arith.constant 16 : i32
        %add3A_681 = arith.addi %sub3A_268, %add3A_680 : i32
        %get3A_682 = arith.constant 1 : i32
        %get3A_683 = arith.index_cast %get3A_682 : i32 to index
        %get3A_684 = arith.index_cast %add3A_674 : i32 to index
        %get3A_685 = arith.index_cast %add3A_681 : i32 to index
        %get3A_686 = tpu.vector_load %arg8[%get3A_683, %get3A_684, %get3A_685] {strides = array<i32>} : memref<3x32x40xf32, #tpu.memory_space<vmem>>, vector<16xf32>,
        %get3A_687 = arith.constant 1 : i32
        %get3A_688 = arith.index_cast %get3A_687 : i32 to index
        %get3A_689 = arith.index_cast %add3A_674 : i32 to index
        %get3A_690 = arith.constant 0 : index
        %get3A_691 = tpu.vector_load %arg7[%get3A_688, %get3A_689, %get3A_690] {strides = array<i32>} : memref<3x32x32xf32, #tpu.memory_space<vmem>>, vector<16xf32>,
        %get3A_692 = arith.constant 1 : i32
        %get3A_693 = arith.index_cast %get3A_692 : i32 to index
        %get3A_694 = arith.index_cast %add3A_674 : i32 to index
        %get3A_695 = arith.constant 16 : index
        %get3A_696 = tpu.vector_load %arg7[%get3A_693, %get3A_694, %get3A_695] {strides = array<i32>} : memref<3x32x32xf32, #tpu.memory_space<vmem>>, vector<16xf32>,
        %sub3A_697 = arith.subf %get3A_679, %get3A_691 : vector<16xf32>
        %sub3A_698 = arith.subf %get3A_686, %get3A_696 : vector<16xf32>
        %mul3A_699 = arith.mulf %sub3A_697, %sub3A_697 : vector<16xf32>
        %mul3A_700 = arith.mulf %sub3A_698, %sub3A_698 : vector<16xf32>
        %add3A_701 = arith.addf %mul3A_699, %mul3A_700 : vector<16xf32>
        %add3A_702 = arith.addf %scan3A_668, %add3A_701 : vector<16xf32>
        %mul3A_703 = arith.constant 2 : i32
        %mul3A_704 = arith.muli %mul3A_703, %scan3A_667 : i32
        %add3A_705 = arith.constant 0 : i32
        %add3A_706 = arith.addi %add3A_705, %mul3A_704 : i32
        %add3A_707 = arith.constant 1 : i32
        %add3A_708 = arith.addi %add3A_706, %add3A_707 : i32
        %get3A_709 = arith.constant 1 : i32
        %get3A_710 = arith.index_cast %get3A_709 : i32 to index
        %get3A_711 = arith.index_cast %add3A_708 : i32 to index
        %get3A_712 = arith.index_cast %sub3A_268 : i32 to index
        %get3A_713 = tpu.vector_load %arg8[%get3A_710, %get3A_711, %get3A_712] {strides = array<i32>} : memref<3x32x40xf32, #tpu.memory_space<vmem>>, vector<16xf32>,
        %add3A_714 = arith.constant 16 : i32
        %add3A_715 = arith.addi %sub3A_268, %add3A_714 : i32
        %get3A_716 = arith.constant 1 : i32
        %get3A_717 = arith.index_cast %get3A_716 : i32 to index
        %get3A_718 = arith.index_cast %add3A_708 : i32 to index
        %get3A_719 = arith.index_cast %add3A_715 : i32 to index
        %get3A_720 = tpu.vector_load %arg8[%get3A_717, %get3A_718, %get3A_719] {strides = array<i32>} : memref<3x32x40xf32, #tpu.memory_space<vmem>>, vector<16xf32>,
        %get3A_721 = arith.constant 1 : i32
        %get3A_722 = arith.index_cast %get3A_721 : i32 to index
        %get3A_723 = arith.index_cast %add3A_708 : i32 to index
        %get3A_724 = arith.constant 0 : index
        %get3A_725 = tpu.vector_load %arg7[%get3A_722, %get3A_723, %get3A_724] {strides = array<i32>} : memref<3x32x32xf32, #tpu.memory_space<vmem>>, vector<16xf32>,
        %get3A_726 = arith.constant 1 : i32
        %get3A_727 = arith.index_cast %get3A_726 : i32 to index
        %get3A_728 = arith.index_cast %add3A_708 : i32 to index
        %get3A_729 = arith.constant 16 : index
        %get3A_730 = tpu.vector_load %arg7[%get3A_727, %get3A_728, %get3A_729] {strides = array<i32>} : memref<3x32x32xf32, #tpu.memory_space<vmem>>, vector<16xf32>,
        %sub3A_731 = arith.subf %get3A_713, %get3A_725 : vector<16xf32>
        %sub3A_732 = arith.subf %get3A_720, %get3A_730 : vector<16xf32>
        %mul3A_733 = arith.mulf %sub3A_731, %sub3A_731 : vector<16xf32>
        %mul3A_734 = arith.mulf %sub3A_732, %sub3A_732 : vector<16xf32>
        %add3A_735 = arith.addf %mul3A_733, %mul3A_734 : vector<16xf32>
        %add3A_736 = arith.addf %add3A_702, %add3A_735 : vector<16xf32>
        scf.yield %add3A_736 : vector<16xf32>
      }
      %scan3A_292 = arith.constant 8 : i32
      %broadcast_in_dim3A_293 = arith.constant 0.000000e+00 : f32
      %broadcast_in_dim3A_294 = vector.broadcast %broadcast_in_dim3A_293 : f32 to vector<16xf32>
      %scan3A_295 = arith.constant 0 : i32
      %scan3A_296 = arith.constant 8 : i32
      %scan3A_297 = arith.addi %scan3A_295, %scan3A_296 : i32
      %scan3A_298 = arith.constant 1 : i32
      %scan3A_299 = scf.for %scan3A_667 = %scan3A_295 to %scan3A_297 step %scan3A_298 iter_args(%scan3A_668 = %broadcast_in_dim3A_294) -> (vector<16xf32>)  : i32 {
        %mul3A_669 = arith.constant 2 : i32
        %mul3A_670 = arith.muli %mul3A_669, %scan3A_667 : i32
        %add3A_671 = arith.constant 16 : i32
        %add3A_672 = arith.addi %add3A_671, %mul3A_670 : i32
        %add3A_673 = arith.constant 0 : i32
        %add3A_674 = arith.addi %add3A_672, %add3A_673 : i32
        %get3A_675 = arith.constant 1 : i32
        %get3A_676 = arith.index_cast %get3A_675 : i32 to index
        %get3A_677 = arith.index_cast %add3A_674 : i32 to index
        %get3A_678 = arith.index_cast %sub3A_268 : i32 to index
        %get3A_679 = tpu.vector_load %arg8[%get3A_676, %get3A_677, %get3A_678] {strides = array<i32>} : memref<3x32x40xf32, #tpu.memory_space<vmem>>, vector<16xf32>,
        %add3A_680 = arith.constant 16 : i32
        %add3A_681 = arith.addi %sub3A_268, %add3A_680 : i32
        %get3A_682 = arith.constant 1 : i32
        %get3A_683 = arith.index_cast %get3A_682 : i32 to index
        %get3A_684 = arith.index_cast %add3A_674 : i32 to index
        %get3A_685 = arith.index_cast %add3A_681 : i32 to index
        %get3A_686 = tpu.vector_load %arg8[%get3A_683, %get3A_684, %get3A_685] {strides = array<i32>} : memref<3x32x40xf32, #tpu.memory_space<vmem>>, vector<16xf32>,
        %get3A_687 = arith.constant 1 : i32
        %get3A_688 = arith.index_cast %get3A_687 : i32 to index
        %get3A_689 = arith.index_cast %add3A_674 : i32 to index
        %get3A_690 = arith.constant 0 : index
        %get3A_691 = tpu.vector_load %arg7[%get3A_688, %get3A_689, %get3A_690] {strides = array<i32>} : memref<3x32x32xf32, #tpu.memory_space<vmem>>, vector<16xf32>,
        %get3A_692 = arith.constant 1 : i32
        %get3A_693 = arith.index_cast %get3A_692 : i32 to index
        %get3A_694 = arith.index_cast %add3A_674 : i32 to index
        %get3A_695 = arith.constant 16 : index
        %get3A_696 = tpu.vector_load %arg7[%get3A_693, %get3A_694, %get3A_695] {strides = array<i32>} : memref<3x32x32xf32, #tpu.memory_space<vmem>>, vector<16xf32>,
        %sub3A_697 = arith.subf %get3A_679, %get3A_691 : vector<16xf32>
        %sub3A_698 = arith.subf %get3A_686, %get3A_696 : vector<16xf32>
        %mul3A_699 = arith.mulf %sub3A_697, %sub3A_697 : vector<16xf32>
        %mul3A_700 = arith.mulf %sub3A_698, %sub3A_698 : vector<16xf32>
        %add3A_701 = arith.addf %mul3A_699, %mul3A_700 : vector<16xf32>
        %add3A_702 = arith.addf %scan3A_668, %add3A_701 : vector<16xf32>
        %mul3A_703 = arith.constant 2 : i32
        %mul3A_704 = arith.muli %mul3A_703, %scan3A_667 : i32
        %add3A_705 = arith.constant 16 : i32
        %add3A_706 = arith.addi %add3A_705, %mul3A_704 : i32
        %add3A_707 = arith.constant 1 : i32
        %add3A_708 = arith.addi %add3A_706, %add3A_707 : i32
        %get3A_709 = arith.constant 1 : i32
        %get3A_710 = arith.index_cast %get3A_709 : i32 to index
        %get3A_711 = arith.index_cast %add3A_708 : i32 to index
        %get3A_712 = arith.index_cast %sub3A_268 : i32 to index
        %get3A_713 = tpu.vector_load %arg8[%get3A_710, %get3A_711, %get3A_712] {strides = array<i32>} : memref<3x32x40xf32, #tpu.memory_space<vmem>>, vector<16xf32>,
        %add3A_714 = arith.constant 16 : i32
        %add3A_715 = arith.addi %sub3A_268, %add3A_714 : i32
        %get3A_716 = arith.constant 1 : i32
        %get3A_717 = arith.index_cast %get3A_716 : i32 to index
        %get3A_718 = arith.index_cast %add3A_708 : i32 to index
        %get3A_719 = arith.index_cast %add3A_715 : i32 to index
        %get3A_720 = tpu.vector_load %arg8[%get3A_717, %get3A_718, %get3A_719] {strides = array<i32>} : memref<3x32x40xf32, #tpu.memory_space<vmem>>, vector<16xf32>,
        %get3A_721 = arith.constant 1 : i32
        %get3A_722 = arith.index_cast %get3A_721 : i32 to index
        %get3A_723 = arith.index_cast %add3A_708 : i32 to index
        %get3A_724 = arith.constant 0 : index
        %get3A_725 = tpu.vector_load %arg7[%get3A_722, %get3A_723, %get3A_724] {strides = array<i32>} : memref<3x32x32xf32, #tpu.memory_space<vmem>>, vector<16xf32>,
        %get3A_726 = arith.constant 1 : i32
        %get3A_727 = arith.index_cast %get3A_726 : i32 to index
        %get3A_728 = arith.index_cast %add3A_708 : i32 to index
        %get3A_729 = arith.constant 16 : index
        %get3A_730 = tpu.vector_load %arg7[%get3A_727, %get3A_728, %get3A_729] {strides = array<i32>} : memref<3x32x32xf32, #tpu.memory_space<vmem>>, vector<16xf32>,
        %sub3A_731 = arith.subf %get3A_713, %get3A_725 : vector<16xf32>
        %sub3A_732 = arith.subf %get3A_720, %get3A_730 : vector<16xf32>
        %mul3A_733 = arith.mulf %sub3A_731, %sub3A_731 : vector<16xf32>
        %mul3A_734 = arith.mulf %sub3A_732, %sub3A_732 : vector<16xf32>
        %add3A_735 = arith.addf %mul3A_733, %mul3A_734 : vector<16xf32>
        %add3A_736 = arith.addf %add3A_702, %add3A_735 : vector<16xf32>
        scf.yield %add3A_736 : vector<16xf32>
      }
      %scan3A_300 = arith.constant 8 : i32
      %broadcast_in_dim3A_301 = arith.constant 0.000000e+00 : f32
      %broadcast_in_dim3A_302 = vector.broadcast %broadcast_in_dim3A_301 : f32 to vector<16xf32>
      %scan3A_303 = arith.constant 0 : i32
      %scan3A_304 = arith.constant 8 : i32
      %scan3A_305 = arith.addi %scan3A_303, %scan3A_304 : i32
      %scan3A_306 = arith.constant 1 : i32
      %scan3A_307 = scf.for %scan3A_667 = %scan3A_303 to %scan3A_305 step %scan3A_306 iter_args(%scan3A_668 = %broadcast_in_dim3A_302) -> (vector<16xf32>)  : i32 {
        %mul3A_669 = arith.constant 2 : i32
        %mul3A_670 = arith.muli %mul3A_669, %scan3A_667 : i32
        %add3A_671 = arith.constant 0 : i32
        %add3A_672 = arith.addi %add3A_671, %mul3A_670 : i32
        %add3A_673 = arith.constant 0 : i32
        %add3A_674 = arith.addi %add3A_672, %add3A_673 : i32
        %get3A_675 = arith.constant 2 : i32
        %get3A_676 = arith.index_cast %get3A_675 : i32 to index
        %get3A_677 = arith.index_cast %add3A_674 : i32 to index
        %get3A_678 = arith.index_cast %sub3A_268 : i32 to index
        %get3A_679 = tpu.vector_load %arg8[%get3A_676, %get3A_677, %get3A_678] {strides = array<i32>} : memref<3x32x40xf32, #tpu.memory_space<vmem>>, vector<16xf32>,
        %add3A_680 = arith.constant 16 : i32
        %add3A_681 = arith.addi %sub3A_268, %add3A_680 : i32
        %get3A_682 = arith.constant 2 : i32
        %get3A_683 = arith.index_cast %get3A_682 : i32 to index
        %get3A_684 = arith.index_cast %add3A_674 : i32 to index
        %get3A_685 = arith.index_cast %add3A_681 : i32 to index
        %get3A_686 = tpu.vector_load %arg8[%get3A_683, %get3A_684, %get3A_685] {strides = array<i32>} : memref<3x32x40xf32, #tpu.memory_space<vmem>>, vector<16xf32>,
        %get3A_687 = arith.constant 2 : i32
        %get3A_688 = arith.index_cast %get3A_687 : i32 to index
        %get3A_689 = arith.index_cast %add3A_674 : i32 to index
        %get3A_690 = arith.constant 0 : index
        %get3A_691 = tpu.vector_load %arg7[%get3A_688, %get3A_689, %get3A_690] {strides = array<i32>} : memref<3x32x32xf32, #tpu.memory_space<vmem>>, vector<16xf32>,
        %get3A_692 = arith.constant 2 : i32
        %get3A_693 = arith.index_cast %get3A_692 : i32 to index
        %get3A_694 = arith.index_cast %add3A_674 : i32 to index
        %get3A_695 = arith.constant 16 : index
        %get3A_696 = tpu.vector_load %arg7[%get3A_693, %get3A_694, %get3A_695] {strides = array<i32>} : memref<3x32x32xf32, #tpu.memory_space<vmem>>, vector<16xf32>,
        %sub3A_697 = arith.subf %get3A_679, %get3A_691 : vector<16xf32>
        %sub3A_698 = arith.subf %get3A_686, %get3A_696 : vector<16xf32>
        %mul3A_699 = arith.mulf %sub3A_697, %sub3A_697 : vector<16xf32>
        %mul3A_700 = arith.mulf %sub3A_698, %sub3A_698 : vector<16xf32>
        %add3A_701 = arith.addf %mul3A_699, %mul3A_700 : vector<16xf32>
        %add3A_702 = arith.addf %scan3A_668, %add3A_701 : vector<16xf32>
        %mul3A_703 = arith.constant 2 : i32
        %mul3A_704 = arith.muli %mul3A_703, %scan3A_667 : i32
        %add3A_705 = arith.constant 0 : i32
        %add3A_706 = arith.addi %add3A_705, %mul3A_704 : i32
        %add3A_707 = arith.constant 1 : i32
        %add3A_708 = arith.addi %add3A_706, %add3A_707 : i32
        %get3A_709 = arith.constant 2 : i32
        %get3A_710 = arith.index_cast %get3A_709 : i32 to index
        %get3A_711 = arith.index_cast %add3A_708 : i32 to index
        %get3A_712 = arith.index_cast %sub3A_268 : i32 to index
        %get3A_713 = tpu.vector_load %arg8[%get3A_710, %get3A_711, %get3A_712] {strides = array<i32>} : memref<3x32x40xf32, #tpu.memory_space<vmem>>, vector<16xf32>,
        %add3A_714 = arith.constant 16 : i32
        %add3A_715 = arith.addi %sub3A_268, %add3A_714 : i32
        %get3A_716 = arith.constant 2 : i32
        %get3A_717 = arith.index_cast %get3A_716 : i32 to index
        %get3A_718 = arith.index_cast %add3A_708 : i32 to index
        %get3A_719 = arith.index_cast %add3A_715 : i32 to index
        %get3A_720 = tpu.vector_load %arg8[%get3A_717, %get3A_718, %get3A_719] {strides = array<i32>} : memref<3x32x40xf32, #tpu.memory_space<vmem>>, vector<16xf32>,
        %get3A_721 = arith.constant 2 : i32
        %get3A_722 = arith.index_cast %get3A_721 : i32 to index
        %get3A_723 = arith.index_cast %add3A_708 : i32 to index
        %get3A_724 = arith.constant 0 : index
        %get3A_725 = tpu.vector_load %arg7[%get3A_722, %get3A_723, %get3A_724] {strides = array<i32>} : memref<3x32x32xf32, #tpu.memory_space<vmem>>, vector<16xf32>,
        %get3A_726 = arith.constant 2 : i32
        %get3A_727 = arith.index_cast %get3A_726 : i32 to index
        %get3A_728 = arith.index_cast %add3A_708 : i32 to index
        %get3A_729 = arith.constant 16 : index
        %get3A_730 = tpu.vector_load %arg7[%get3A_727, %get3A_728, %get3A_729] {strides = array<i32>} : memref<3x32x32xf32, #tpu.memory_space<vmem>>, vector<16xf32>,
        %sub3A_731 = arith.subf %get3A_713, %get3A_725 : vector<16xf32>
        %sub3A_732 = arith.subf %get3A_720, %get3A_730 : vector<16xf32>
        %mul3A_733 = arith.mulf %sub3A_731, %sub3A_731 : vector<16xf32>
        %mul3A_734 = arith.mulf %sub3A_732, %sub3A_732 : vector<16xf32>
        %add3A_735 = arith.addf %mul3A_733, %mul3A_734 : vector<16xf32>
        %add3A_736 = arith.addf %add3A_702, %add3A_735 : vector<16xf32>
        scf.yield %add3A_736 : vector<16xf32>
      }
      %scan3A_308 = arith.constant 8 : i32
      %broadcast_in_dim3A_309 = arith.constant 0.000000e+00 : f32
      %broadcast_in_dim3A_310 = vector.broadcast %broadcast_in_dim3A_309 : f32 to vector<16xf32>
      %scan3A_311 = arith.constant 0 : i32
      %scan3A_312 = arith.constant 8 : i32
      %scan3A_313 = arith.addi %scan3A_311, %scan3A_312 : i32
      %scan3A_314 = arith.constant 1 : i32
      %scan3A_315 = scf.for %scan3A_667 = %scan3A_311 to %scan3A_313 step %scan3A_314 iter_args(%scan3A_668 = %broadcast_in_dim3A_310) -> (vector<16xf32>)  : i32 {
        %mul3A_669 = arith.constant 2 : i32
        %mul3A_670 = arith.muli %mul3A_669, %scan3A_667 : i32
        %add3A_671 = arith.constant 16 : i32
        %add3A_672 = arith.addi %add3A_671, %mul3A_670 : i32
        %add3A_673 = arith.constant 0 : i32
        %add3A_674 = arith.addi %add3A_672, %add3A_673 : i32
        %get3A_675 = arith.constant 2 : i32
        %get3A_676 = arith.index_cast %get3A_675 : i32 to index
        %get3A_677 = arith.index_cast %add3A_674 : i32 to index
        %get3A_678 = arith.index_cast %sub3A_268 : i32 to index
        %get3A_679 = tpu.vector_load %arg8[%get3A_676, %get3A_677, %get3A_678] {strides = array<i32>} : memref<3x32x40xf32, #tpu.memory_space<vmem>>, vector<16xf32>,
        %add3A_680 = arith.constant 16 : i32
        %add3A_681 = arith.addi %sub3A_268, %add3A_680 : i32
        %get3A_682 = arith.constant 2 : i32
        %get3A_683 = arith.index_cast %get3A_682 : i32 to index
        %get3A_684 = arith.index_cast %add3A_674 : i32 to index
        %get3A_685 = arith.index_cast %add3A_681 : i32 to index
        %get3A_686 = tpu.vector_load %arg8[%get3A_683, %get3A_684, %get3A_685] {strides = array<i32>} : memref<3x32x40xf32, #tpu.memory_space<vmem>>, vector<16xf32>,
        %get3A_687 = arith.constant 2 : i32
        %get3A_688 = arith.index_cast %get3A_687 : i32 to index
        %get3A_689 = arith.index_cast %add3A_674 : i32 to index
        %get3A_690 = arith.constant 0 : index
        %get3A_691 = tpu.vector_load %arg7[%get3A_688, %get3A_689, %get3A_690] {strides = array<i32>} : memref<3x32x32xf32, #tpu.memory_space<vmem>>, vector<16xf32>,
        %get3A_692 = arith.constant 2 : i32
        %get3A_693 = arith.index_cast %get3A_692 : i32 to index
        %get3A_694 = arith.index_cast %add3A_674 : i32 to index
        %get3A_695 = arith.constant 16 : index
        %get3A_696 = tpu.vector_load %arg7[%get3A_693, %get3A_694, %get3A_695] {strides = array<i32>} : memref<3x32x32xf32, #tpu.memory_space<vmem>>, vector<16xf32>,
        %sub3A_697 = arith.subf %get3A_679, %get3A_691 : vector<16xf32>
        %sub3A_698 = arith.subf %get3A_686, %get3A_696 : vector<16xf32>
        %mul3A_699 = arith.mulf %sub3A_697, %sub3A_697 : vector<16xf32>
        %mul3A_700 = arith.mulf %sub3A_698, %sub3A_698 : vector<16xf32>
        %add3A_701 = arith.addf %mul3A_699, %mul3A_700 : vector<16xf32>
        %add3A_702 = arith.addf %scan3A_668, %add3A_701 : vector<16xf32>
        %mul3A_703 = arith.constant 2 : i32
        %mul3A_704 = arith.muli %mul3A_703, %scan3A_667 : i32
        %add3A_705 = arith.constant 16 : i32
        %add3A_706 = arith.addi %add3A_705, %mul3A_704 : i32
        %add3A_707 = arith.constant 1 : i32
        %add3A_708 = arith.addi %add3A_706, %add3A_707 : i32
        %get3A_709 = arith.constant 2 : i32
        %get3A_710 = arith.index_cast %get3A_709 : i32 to index
        %get3A_711 = arith.index_cast %add3A_708 : i32 to index
        %get3A_712 = arith.index_cast %sub3A_268 : i32 to index
        %get3A_713 = tpu.vector_load %arg8[%get3A_710, %get3A_711, %get3A_712] {strides = array<i32>} : memref<3x32x40xf32, #tpu.memory_space<vmem>>, vector<16xf32>,
        %add3A_714 = arith.constant 16 : i32
        %add3A_715 = arith.addi %sub3A_268, %add3A_714 : i32
        %get3A_716 = arith.constant 2 : i32
        %get3A_717 = arith.index_cast %get3A_716 : i32 to index
        %get3A_718 = arith.index_cast %add3A_708 : i32 to index
        %get3A_719 = arith.index_cast %add3A_715 : i32 to index
        %get3A_720 = tpu.vector_load %arg8[%get3A_717, %get3A_718, %get3A_719] {strides = array<i32>} : memref<3x32x40xf32, #tpu.memory_space<vmem>>, vector<16xf32>,
        %get3A_721 = arith.constant 2 : i32
        %get3A_722 = arith.index_cast %get3A_721 : i32 to index
        %get3A_723 = arith.index_cast %add3A_708 : i32 to index
        %get3A_724 = arith.constant 0 : index
        %get3A_725 = tpu.vector_load %arg7[%get3A_722, %get3A_723, %get3A_724] {strides = array<i32>} : memref<3x32x32xf32, #tpu.memory_space<vmem>>, vector<16xf32>,
        %get3A_726 = arith.constant 2 : i32
        %get3A_727 = arith.index_cast %get3A_726 : i32 to index
        %get3A_728 = arith.index_cast %add3A_708 : i32 to index
        %get3A_729 = arith.constant 16 : index
        %get3A_730 = tpu.vector_load %arg7[%get3A_727, %get3A_728, %get3A_729] {strides = array<i32>} : memref<3x32x32xf32, #tpu.memory_space<vmem>>, vector<16xf32>,
        %sub3A_731 = arith.subf %get3A_713, %get3A_725 : vector<16xf32>
        %sub3A_732 = arith.subf %get3A_720, %get3A_730 : vector<16xf32>
        %mul3A_733 = arith.mulf %sub3A_731, %sub3A_731 : vector<16xf32>
        %mul3A_734 = arith.mulf %sub3A_732, %sub3A_732 : vector<16xf32>
        %add3A_735 = arith.addf %mul3A_733, %mul3A_734 : vector<16xf32>
        %add3A_736 = arith.addf %add3A_702, %add3A_735 : vector<16xf32>
        scf.yield %add3A_736 : vector<16xf32>
      }
      %scan3A_316 = arith.constant 8 : i32
      %add3A_317 = arith.addf %scan3A_275, %scan3A_283 : vector<16xf32>
      %add3A_318 = arith.addf %scan3A_291, %scan3A_299 : vector<16xf32>
      %add3A_319 = arith.addf %add3A_317, %add3A_318 : vector<16xf32>
      %add3A_320 = arith.addf %scan3A_307, %scan3A_315 : vector<16xf32>
      %add3A_321 = arith.addf %add3A_319, %add3A_320 : vector<16xf32>
      %mul3A_322 = arith.constant 1.280000e+02 : f32
      %mul3A_323 = vector.broadcast %mul3A_322 : f32 to vector<16xf32>
      %mul3A_324 = arith.mulf %add3A_321, %mul3A_323 : vector<16xf32>
      %convert_element_type3A = arith.fptosi %mul3A_324 : vector<16xf32> to vector<16xi32>
      %convert_element_type3A_325 = arith.sitofp %convert_element_type3A : vector<16xi32> to vector<16xf32>
      %mul3A_326 = arith.constant 7.812500e-03 : f32
      %mul3A_327 = vector.broadcast %mul3A_326 : f32 to vector<16xf32>
      %mul3A_328 = arith.mulf %convert_element_type3A_325, %mul3A_327 : vector<16xf32>
      %sub3A_329 = arith.subf %add3A_321, %mul3A_328 : vector<16xf32>
      %reduce_sum3A = arith.constant true
      %reduce_sum3A_330 = vector.broadcast %reduce_sum3A : i1 to vector<16xi1>
      %reduce_sum3A_331 = tpu.scan <sum>, %convert_element_type3A masked %reduce_sum3A_330 : vector<16xi32>, vector<16xi1> -> vector<16xi32>
      %reduce_sum3A_332 = vector.extract %reduce_sum3A_331[15] : i32 from vector<16xi32>
      %convert_element_type3A_333 = arith.sitofp %reduce_sum3A_332 : i32 to f32
      %mul3A_334 = arith.constant 7.812500e-03 : f32
      %mul3A_335 = arith.mulf %convert_element_type3A_333, %mul3A_334 : f32
      %reduce_sum3A_336 = arith.constant true
      %reduce_sum3A_337 = vector.broadcast %reduce_sum3A_336 : i1 to vector<16xi1>
      %reduce_sum3A_338 = tpu.scan <sum>, %sub3A_329 masked %reduce_sum3A_337 : vector<16xf32>, vector<16xi1> -> vector<16xf32>
      %reduce_sum3A_339 = vector.extract %reduce_sum3A_338[15] : f32 from vector<16xf32>
      %add3A_340 = arith.addf %mul3A_335, %reduce_sum3A_339 : f32
      %sub3A_341 = arith.constant 3.072000e+03 : f32
      %sub3A_342 = arith.subf %sub3A_341, %add3A_340 : f32
      %jit3A_343 = arith.constant 16 : i32
      %div3A_344 = arith.divsi %mul3A_226, %jit3A_343 : i32
      %sign3A_345 = arith.constant 0 : i32
      %sign3A_346 = arith.cmpi sgt, %mul3A_226, %sign3A_345 : i32
      %sign3A_347 = arith.extui %sign3A_346 : i1 to i32
      %sign3A_348 = arith.constant 0 : i32
      %sign3A_349 = arith.cmpi slt, %mul3A_226, %sign3A_348 : i32
      %sign3A_350 = arith.extui %sign3A_349 : i1 to i32
      %sign3A_351 = arith.subi %sign3A_347, %sign3A_350 : i32
      %sign3A_352 = arith.constant 0 : i32
      %sign3A_353 = arith.cmpi sgt, %jit3A_343, %sign3A_352 : i32
      %sign3A_354 = arith.extui %sign3A_353 : i1 to i32
      %sign3A_355 = arith.constant 0 : i32
      %sign3A_356 = arith.cmpi slt, %jit3A_343, %sign3A_355 : i32
      %sign3A_357 = arith.extui %sign3A_356 : i1 to i32
      %sign3A_358 = arith.subi %sign3A_354, %sign3A_357 : i32
      %ne3A_359 = arith.cmpi ne, %sign3A_351, %sign3A_358 : i32
      %rem3A_360 = arith.remsi %mul3A_226, %jit3A_343 : i32
      %ne3A_361 = arith.constant 0 : i32
      %ne3A_362 = arith.cmpi ne, %rem3A_360, %ne3A_361 : i32
      %and3A_363 = arith.andi %ne3A_359, %ne3A_362 : i1
      %sub3A_364 = arith.constant 1 : i32
      %sub3A_365 = arith.subi %div3A_344, %sub3A_364 : i32
      %select_n3A_366 = arith.select %and3A_363, %sub3A_365, %div3A_344 : i32
      %jit3A_367 = arith.constant 16 : i32
      %eq3A = arith.constant 0 : i32
      %eq3A_368 = arith.cmpi eq, %jit3A_367, %eq3A : i32
      %jit3A_369 = arith.constant 1 : i32
      %select_n3A_370 = arith.select %eq3A_368, %jit3A_369, %jit3A_367 : i32
      %rem3A_371 = arith.remsi %mul3A_226, %select_n3A_370 : i32
      %ne3A_372 = arith.constant 0 : i32
      %ne3A_373 = arith.cmpi ne, %rem3A_371, %ne3A_372 : i32
      %lt3A = arith.constant 0 : i32
      %lt3A_374 = arith.cmpi slt, %rem3A_371, %lt3A : i32
      %lt3A_375 = arith.constant 0 : i32
      %lt3A_376 = arith.cmpi slt, %select_n3A_370, %lt3A_375 : i32
      %ne3A_377 = arith.xori %lt3A_374, %lt3A_376 : i1
      %and3A_378 = arith.andi %ne3A_377, %ne3A_373 : i1
      %add3A_379 = arith.addi %rem3A_371, %select_n3A_370 : i32
      %select_n3A_380 = arith.select %and3A_378, %add3A_379, %rem3A_371 : i32
      %eq3A_381 = arith.constant 0 : i32
      %eq3A_382 = arith.cmpi eq, %select_n3A_366, %eq3A_381 : i32
      %eq3A_383 = vector.broadcast %select_n3A_380 : i32 to vector<16xi32>
      %eq3A_384 = arith.cmpi eq, %iota3A, %eq3A_383 : vector<16xi32>
      %and3A_385 = vector.broadcast %eq3A_382 : i1 to vector<16xi1>
      %and3A_386 = arith.andi %and3A_385, %eq3A_384 : vector<16xi1>
      %broadcast_in_dim3A_387 = vector.broadcast %sub3A_342 : f32 to vector<16xf32>
      %select_n3A_388 = arith.select %and3A_386, %broadcast_in_dim3A_387, %scan3A_82 : vector<16xi1>, vector<16xf32>
      %eq3A_389 = arith.constant 1 : i32
      %eq3A_390 = arith.cmpi eq, %select_n3A_366, %eq3A_389 : i32
      %eq3A_391 = vector.broadcast %select_n3A_380 : i32 to vector<16xi32>
      %eq3A_392 = arith.cmpi eq, %iota3A, %eq3A_391 : vector<16xi32>
      %and3A_393 = vector.broadcast %eq3A_390 : i1 to vector<16xi1>
      %and3A_394 = arith.andi %and3A_393, %eq3A_392 : vector<16xi1>
      %broadcast_in_dim3A_395 = vector.broadcast %sub3A_342 : f32 to vector<16xf32>
      %select_n3A_396 = arith.select %and3A_394, %broadcast_in_dim3A_395, %scan3A_83 : vector<16xi1>, vector<16xf32>
      %eq3A_397 = arith.constant 2 : i32
      %eq3A_398 = arith.cmpi eq, %select_n3A_366, %eq3A_397 : i32
      %eq3A_399 = vector.broadcast %select_n3A_380 : i32 to vector<16xi32>
      %eq3A_400 = arith.cmpi eq, %iota3A, %eq3A_399 : vector<16xi32>
      %and3A_401 = vector.broadcast %eq3A_398 : i1 to vector<16xi1>
      %and3A_402 = arith.andi %and3A_401, %eq3A_400 : vector<16xi1>
      %broadcast_in_dim3A_403 = vector.broadcast %sub3A_342 : f32 to vector<16xf32>
      %select_n3A_404 = arith.select %and3A_402, %broadcast_in_dim3A_403, %scan3A_84 : vector<16xi1>, vector<16xf32>
      %eq3A_405 = arith.constant 3 : i32
      %eq3A_406 = arith.cmpi eq, %select_n3A_366, %eq3A_405 : i32
      %eq3A_407 = vector.broadcast %select_n3A_380 : i32 to vector<16xi32>
      %eq3A_408 = arith.cmpi eq, %iota3A, %eq3A_407 : vector<16xi32>
      %and3A_409 = vector.broadcast %eq3A_406 : i1 to vector<16xi1>
      %and3A_410 = arith.andi %and3A_409, %eq3A_408 : vector<16xi1>
      %broadcast_in_dim3A_411 = vector.broadcast %sub3A_342 : f32 to vector<16xf32>
      %select_n3A_412 = arith.select %and3A_410, %broadcast_in_dim3A_411, %scan3A_85 : vector<16xi1>, vector<16xf32>
      %lt3A_413 = arith.constant 24 : i32
      %lt3A_414 = arith.cmpi slt, %scan3A_81, %lt3A_413 : i32
      %convert_element_type3A_415 = arith.extui %lt3A_414 : i1 to i32
      %cond3A = arith.constant 0 : i32
      %cond3A_416 = arith.cmpi ne, %convert_element_type3A_415, %cond3A : i32
      scf.if %cond3A_416 {
        %mul3A_667 = arith.constant 2 : i32
        %mul3A_668 = arith.muli %mul3A_667, %scan3A_81 : i32
        %add3A_669 = arith.constant 2 : i32
        %add3A_670 = arith.addi %mul3A_668, %add3A_669 : i32
        %mul3A_671 = arith.constant 2 : i32
        %mul3A_672 = arith.muli %mul3A_671, %add3A_670 : i32
        %get3A_673 = arith.index_cast %mul3A_672 : i32 to index
        %get3A_674 = tpu.vector_load %arg6[%get3A_673] {strides = array<i32>} : memref<120xi32, #tpu.memory_space<vmem>>, vector<16xi32>,
        %slice3A_675 = vector.extract_strided_slice %get3A_674 {offsets = [0], sizes = [1], strides = [1]} : vector<16xi32> to vector<1xi32>
        %squeeze3A_676 = vector.extract %slice3A_675[0] : i32 from vector<1xi32>
        %sub3A_677 = arith.constant 16 : i32
        %sub3A_678 = arith.subi %squeeze3A_676, %sub3A_677 : i32
        %slice3A_679 = vector.extract_strided_slice %get3A_674 {offsets = [1], sizes = [1], strides = [1]} : vector<16xi32> to vector<1xi32>
        %squeeze3A_680 = vector.extract %slice3A_679[0] : i32 from vector<1xi32>
        %sub3A_681 = arith.constant 16 : i32
        %sub3A_682 = arith.subi %squeeze3A_680, %sub3A_681 : i32
        %jit3A_683 = arith.constant 8 : i32
        %div3A_684 = arith.divsi %sub3A_682, %jit3A_683 : i32
        %sign3A_685 = arith.constant 0 : i32
        %sign3A_686 = arith.cmpi sgt, %sub3A_682, %sign3A_685 : i32
        %sign3A_687 = arith.extui %sign3A_686 : i1 to i32
        %sign3A_688 = arith.constant 0 : i32
        %sign3A_689 = arith.cmpi slt, %sub3A_682, %sign3A_688 : i32
        %sign3A_690 = arith.extui %sign3A_689 : i1 to i32
        %sign3A_691 = arith.subi %sign3A_687, %sign3A_690 : i32
        %sign3A_692 = arith.constant 0 : i32
        %sign3A_693 = arith.cmpi sgt, %jit3A_683, %sign3A_692 : i32
        %sign3A_694 = arith.extui %sign3A_693 : i1 to i32
        %sign3A_695 = arith.constant 0 : i32
        %sign3A_696 = arith.cmpi slt, %jit3A_683, %sign3A_695 : i32
        %sign3A_697 = arith.extui %sign3A_696 : i1 to i32
        %sign3A_698 = arith.subi %sign3A_694, %sign3A_697 : i32
        %ne3A_699 = arith.cmpi ne, %sign3A_691, %sign3A_698 : i32
        %rem3A_700 = arith.remsi %sub3A_682, %jit3A_683 : i32
        %ne3A_701 = arith.constant 0 : i32
        %ne3A_702 = arith.cmpi ne, %rem3A_700, %ne3A_701 : i32
        %and3A_703 = arith.andi %ne3A_699, %ne3A_702 : i1
        %sub3A_704 = arith.constant 1 : i32
        %sub3A_705 = arith.subi %div3A_684, %sub3A_704 : i32
        %select_n3A_706 = arith.select %and3A_703, %sub3A_705, %div3A_684 : i32
        %mul3A_707 = arith.constant 8 : i32
        %mul3A_708 = arith.muli %select_n3A_706, %mul3A_707 : i32
        %multiple_of3A_709 = tpu.assume_multiple %mul3A_708, 8 : i32
        %sub3A_710 = arith.subi %sub3A_682, %multiple_of3A_709 : i32
        %dma_start3A_711 = arith.constant 0 : i32
        %dma_start3A_712 = arith.constant 0 : i32
        %dma_start3A_713 = arith.constant 0 : i32
        %dma_start3A_714 = arith.constant 0 : i32
        %dma_start3A_715 = tpu.memref_slice %arg8[%dma_start3A_712, %dma_start3A_713, %dma_start3A_714] : memref<3x32x40xf32, #tpu.memory_space<vmem>> -> memref<1x32x40xf32, #tpu.memory_space<vmem>>
        %dma_start3A_716 = tpu.memref_squeeze %dma_start3A_715 : memref<1x32x40xf32, #tpu.memory_space<vmem>> -> memref<32x40xf32, #tpu.memory_space<vmem>>
        %dma_start3A_717 = tpu.memref_slice %arg2[%dma_start3A_711, %sub3A_678, %multiple_of3A_709] : memref<3x512x512xf32, #tpu.memory_space<hbm>> -> memref<1x32x40xf32, #tpu.memory_space<hbm>>
        %dma_start3A_718 = tpu.memref_squeeze %dma_start3A_717 : memref<1x32x40xf32, #tpu.memory_space<hbm>> -> memref<32x40xf32, #tpu.memory_space<hbm>>
        %dma_start3A_719 = arith.constant 0 : i32
        %dma_start3A_720 = arith.constant 0 : i32
        %dma_start3A_721 = tpu.memref_slice %arg8[%dma_start3A_712, %dma_start3A_719, %dma_start3A_720] : memref<3x32x40xf32, #tpu.memory_space<vmem>> -> memref<1x32x40xf32, #tpu.memory_space<vmem>>
        %dma_start3A_722 = tpu.memref_squeeze %dma_start3A_721 : memref<1x32x40xf32, #tpu.memory_space<vmem>> -> memref<32x40xf32, #tpu.memory_space<vmem>>
        %dma_start3A_723 = tpu.memref_slice %arg2[%dma_start3A_711, %sub3A_678, %multiple_of3A_709] : memref<3x512x512xf32, #tpu.memory_space<hbm>> -> memref<1x32x40xf32, #tpu.memory_space<hbm>>
        %dma_start3A_724 = tpu.memref_squeeze %dma_start3A_723 : memref<1x32x40xf32, #tpu.memory_space<hbm>> -> memref<32x40xf32, #tpu.memory_space<hbm>>
        tpu.enqueue_dma source(%dma_start3A_724 : memref<32x40xf32, #tpu.memory_space<hbm>>) target(%dma_start3A_722 : memref<32x40xf32, #tpu.memory_space<vmem>>) target_semaphore(%arg11 : memref<!tpu.dma_semaphore, #tpu.memory_space<semaphore_mem>>)
        %dma_start3A_725 = arith.constant 1 : i32
        %dma_start3A_726 = arith.constant 1 : i32
        %dma_start3A_727 = arith.constant 0 : i32
        %dma_start3A_728 = arith.constant 0 : i32
        %dma_start3A_729 = tpu.memref_slice %arg8[%dma_start3A_726, %dma_start3A_727, %dma_start3A_728] : memref<3x32x40xf32, #tpu.memory_space<vmem>> -> memref<1x32x40xf32, #tpu.memory_space<vmem>>
        %dma_start3A_730 = tpu.memref_squeeze %dma_start3A_729 : memref<1x32x40xf32, #tpu.memory_space<vmem>> -> memref<32x40xf32, #tpu.memory_space<vmem>>
        %dma_start3A_731 = tpu.memref_slice %arg2[%dma_start3A_725, %sub3A_678, %multiple_of3A_709] : memref<3x512x512xf32, #tpu.memory_space<hbm>> -> memref<1x32x40xf32, #tpu.memory_space<hbm>>
        %dma_start3A_732 = tpu.memref_squeeze %dma_start3A_731 : memref<1x32x40xf32, #tpu.memory_space<hbm>> -> memref<32x40xf32, #tpu.memory_space<hbm>>
        %dma_start3A_733 = arith.constant 0 : i32
        %dma_start3A_734 = arith.constant 0 : i32
        %dma_start3A_735 = tpu.memref_slice %arg8[%dma_start3A_726, %dma_start3A_733, %dma_start3A_734] : memref<3x32x40xf32, #tpu.memory_space<vmem>> -> memref<1x32x40xf32, #tpu.memory_space<vmem>>
        %dma_start3A_736 = tpu.memref_squeeze %dma_start3A_735 : memref<1x32x40xf32, #tpu.memory_space<vmem>> -> memref<32x40xf32, #tpu.memory_space<vmem>>
        %dma_start3A_737 = tpu.memref_slice %arg2[%dma_start3A_725, %sub3A_678, %multiple_of3A_709] : memref<3x512x512xf32, #tpu.memory_space<hbm>> -> memref<1x32x40xf32, #tpu.memory_space<hbm>>
        %dma_start3A_738 = tpu.memref_squeeze %dma_start3A_737 : memref<1x32x40xf32, #tpu.memory_space<hbm>> -> memref<32x40xf32, #tpu.memory_space<hbm>>
        tpu.enqueue_dma source(%dma_start3A_738 : memref<32x40xf32, #tpu.memory_space<hbm>>) target(%dma_start3A_736 : memref<32x40xf32, #tpu.memory_space<vmem>>) target_semaphore(%arg11 : memref<!tpu.dma_semaphore, #tpu.memory_space<semaphore_mem>>)
        %dma_start3A_739 = arith.constant 2 : i32
        %dma_start3A_740 = arith.constant 2 : i32
        %dma_start3A_741 = arith.constant 0 : i32
        %dma_start3A_742 = arith.constant 0 : i32
        %dma_start3A_743 = tpu.memref_slice %arg8[%dma_start3A_740, %dma_start3A_741, %dma_start3A_742] : memref<3x32x40xf32, #tpu.memory_space<vmem>> -> memref<1x32x40xf32, #tpu.memory_space<vmem>>
        %dma_start3A_744 = tpu.memref_squeeze %dma_start3A_743 : memref<1x32x40xf32, #tpu.memory_space<vmem>> -> memref<32x40xf32, #tpu.memory_space<vmem>>
        %dma_start3A_745 = tpu.memref_slice %arg2[%dma_start3A_739, %sub3A_678, %multiple_of3A_709] : memref<3x512x512xf32, #tpu.memory_space<hbm>> -> memref<1x32x40xf32, #tpu.memory_space<hbm>>
        %dma_start3A_746 = tpu.memref_squeeze %dma_start3A_745 : memref<1x32x40xf32, #tpu.memory_space<hbm>> -> memref<32x40xf32, #tpu.memory_space<hbm>>
        %dma_start3A_747 = arith.constant 0 : i32
        %dma_start3A_748 = arith.constant 0 : i32
        %dma_start3A_749 = tpu.memref_slice %arg8[%dma_start3A_740, %dma_start3A_747, %dma_start3A_748] : memref<3x32x40xf32, #tpu.memory_space<vmem>> -> memref<1x32x40xf32, #tpu.memory_space<vmem>>
        %dma_start3A_750 = tpu.memref_squeeze %dma_start3A_749 : memref<1x32x40xf32, #tpu.memory_space<vmem>> -> memref<32x40xf32, #tpu.memory_space<vmem>>
        %dma_start3A_751 = tpu.memref_slice %arg2[%dma_start3A_739, %sub3A_678, %multiple_of3A_709] : memref<3x512x512xf32, #tpu.memory_space<hbm>> -> memref<1x32x40xf32, #tpu.memory_space<hbm>>
        %dma_start3A_752 = tpu.memref_squeeze %dma_start3A_751 : memref<1x32x40xf32, #tpu.memory_space<hbm>> -> memref<32x40xf32, #tpu.memory_space<hbm>>
        tpu.enqueue_dma source(%dma_start3A_752 : memref<32x40xf32, #tpu.memory_space<hbm>>) target(%dma_start3A_750 : memref<32x40xf32, #tpu.memory_space<vmem>>) target_semaphore(%arg11 : memref<!tpu.dma_semaphore, #tpu.memory_space<semaphore_mem>>)
      } else {
      }
      %dma_wait3A_417 = arith.constant 0 : i32
      %dma_wait3A_418 = arith.constant 0 : i32
      %dma_wait3A_419 = arith.constant 0 : i32
      %dma_wait3A_420 = arith.constant 0 : i32
      %dma_wait3A_421 = tpu.memref_slice %arg9[%dma_wait3A_418, %dma_wait3A_419, %dma_wait3A_420] : memref<3x32x40xf32, #tpu.memory_space<vmem>> -> memref<1x32x40xf32, #tpu.memory_space<vmem>>
      %dma_wait3A_422 = tpu.memref_squeeze %dma_wait3A_421 : memref<1x32x40xf32, #tpu.memory_space<vmem>> -> memref<32x40xf32, #tpu.memory_space<vmem>>
      %dma_wait3A_423 = arith.constant 0 : i32
      %dma_wait3A_424 = arith.constant 0 : i32
      %dma_wait3A_425 = tpu.memref_slice %arg2[%dma_wait3A_417, %dma_wait3A_423, %dma_wait3A_424] : memref<3x512x512xf32, #tpu.memory_space<hbm>> -> memref<1x32x40xf32, #tpu.memory_space<hbm>>
      %dma_wait3A_426 = tpu.memref_squeeze %dma_wait3A_425 : memref<1x32x40xf32, #tpu.memory_space<hbm>> -> memref<32x40xf32, #tpu.memory_space<hbm>>
      %dma_wait3A_427 = arith.constant 0 : i32
      %dma_wait3A_428 = arith.constant 0 : i32
      %dma_wait3A_429 = tpu.memref_slice %arg9[%dma_wait3A_418, %dma_wait3A_427, %dma_wait3A_428] : memref<3x32x40xf32, #tpu.memory_space<vmem>> -> memref<1x32x40xf32, #tpu.memory_space<vmem>>
      %dma_wait3A_430 = tpu.memref_squeeze %dma_wait3A_429 : memref<1x32x40xf32, #tpu.memory_space<vmem>> -> memref<32x40xf32, #tpu.memory_space<vmem>>
      %dma_wait3A_431 = arith.constant 0 : i32
      %dma_wait3A_432 = arith.constant 0 : i32
      %dma_wait3A_433 = tpu.memref_slice %arg2[%dma_wait3A_417, %dma_wait3A_431, %dma_wait3A_432] : memref<3x512x512xf32, #tpu.memory_space<hbm>> -> memref<1x32x40xf32, #tpu.memory_space<hbm>>
      %dma_wait3A_434 = tpu.memref_squeeze %dma_wait3A_433 : memref<1x32x40xf32, #tpu.memory_space<hbm>> -> memref<32x40xf32, #tpu.memory_space<hbm>>
      tpu.wait_dma2 semaphore(%arg12 : memref<!tpu.dma_semaphore, #tpu.memory_space<semaphore_mem>>) src(%dma_wait3A_434 : memref<32x40xf32, #tpu.memory_space<hbm>>) dst(%dma_wait3A_430 : memref<32x40xf32, #tpu.memory_space<vmem>>)
      %dma_wait3A_435 = arith.constant 1 : i32
      %dma_wait3A_436 = arith.constant 1 : i32
      %dma_wait3A_437 = arith.constant 0 : i32
      %dma_wait3A_438 = arith.constant 0 : i32
      %dma_wait3A_439 = tpu.memref_slice %arg9[%dma_wait3A_436, %dma_wait3A_437, %dma_wait3A_438] : memref<3x32x40xf32, #tpu.memory_space<vmem>> -> memref<1x32x40xf32, #tpu.memory_space<vmem>>
      %dma_wait3A_440 = tpu.memref_squeeze %dma_wait3A_439 : memref<1x32x40xf32, #tpu.memory_space<vmem>> -> memref<32x40xf32, #tpu.memory_space<vmem>>
      %dma_wait3A_441 = arith.constant 0 : i32
      %dma_wait3A_442 = arith.constant 0 : i32
      %dma_wait3A_443 = tpu.memref_slice %arg2[%dma_wait3A_435, %dma_wait3A_441, %dma_wait3A_442] : memref<3x512x512xf32, #tpu.memory_space<hbm>> -> memref<1x32x40xf32, #tpu.memory_space<hbm>>
      %dma_wait3A_444 = tpu.memref_squeeze %dma_wait3A_443 : memref<1x32x40xf32, #tpu.memory_space<hbm>> -> memref<32x40xf32, #tpu.memory_space<hbm>>
      %dma_wait3A_445 = arith.constant 0 : i32
      %dma_wait3A_446 = arith.constant 0 : i32
      %dma_wait3A_447 = tpu.memref_slice %arg9[%dma_wait3A_436, %dma_wait3A_445, %dma_wait3A_446] : memref<3x32x40xf32, #tpu.memory_space<vmem>> -> memref<1x32x40xf32, #tpu.memory_space<vmem>>
      %dma_wait3A_448 = tpu.memref_squeeze %dma_wait3A_447 : memref<1x32x40xf32, #tpu.memory_space<vmem>> -> memref<32x40xf32, #tpu.memory_space<vmem>>
      %dma_wait3A_449 = arith.constant 0 : i32
      %dma_wait3A_450 = arith.constant 0 : i32
      %dma_wait3A_451 = tpu.memref_slice %arg2[%dma_wait3A_435, %dma_wait3A_449, %dma_wait3A_450] : memref<3x512x512xf32, #tpu.memory_space<hbm>> -> memref<1x32x40xf32, #tpu.memory_space<hbm>>
      %dma_wait3A_452 = tpu.memref_squeeze %dma_wait3A_451 : memref<1x32x40xf32, #tpu.memory_space<hbm>> -> memref<32x40xf32, #tpu.memory_space<hbm>>
      tpu.wait_dma2 semaphore(%arg12 : memref<!tpu.dma_semaphore, #tpu.memory_space<semaphore_mem>>) src(%dma_wait3A_452 : memref<32x40xf32, #tpu.memory_space<hbm>>) dst(%dma_wait3A_448 : memref<32x40xf32, #tpu.memory_space<vmem>>)
      %dma_wait3A_453 = arith.constant 2 : i32
      %dma_wait3A_454 = arith.constant 2 : i32
      %dma_wait3A_455 = arith.constant 0 : i32
      %dma_wait3A_456 = arith.constant 0 : i32
      %dma_wait3A_457 = tpu.memref_slice %arg9[%dma_wait3A_454, %dma_wait3A_455, %dma_wait3A_456] : memref<3x32x40xf32, #tpu.memory_space<vmem>> -> memref<1x32x40xf32, #tpu.memory_space<vmem>>
      %dma_wait3A_458 = tpu.memref_squeeze %dma_wait3A_457 : memref<1x32x40xf32, #tpu.memory_space<vmem>> -> memref<32x40xf32, #tpu.memory_space<vmem>>
      %dma_wait3A_459 = arith.constant 0 : i32
      %dma_wait3A_460 = arith.constant 0 : i32
      %dma_wait3A_461 = tpu.memref_slice %arg2[%dma_wait3A_453, %dma_wait3A_459, %dma_wait3A_460] : memref<3x512x512xf32, #tpu.memory_space<hbm>> -> memref<1x32x40xf32, #tpu.memory_space<hbm>>
      %dma_wait3A_462 = tpu.memref_squeeze %dma_wait3A_461 : memref<1x32x40xf32, #tpu.memory_space<hbm>> -> memref<32x40xf32, #tpu.memory_space<hbm>>
      %dma_wait3A_463 = arith.constant 0 : i32
      %dma_wait3A_464 = arith.constant 0 : i32
      %dma_wait3A_465 = tpu.memref_slice %arg9[%dma_wait3A_454, %dma_wait3A_463, %dma_wait3A_464] : memref<3x32x40xf32, #tpu.memory_space<vmem>> -> memref<1x32x40xf32, #tpu.memory_space<vmem>>
      %dma_wait3A_466 = tpu.memref_squeeze %dma_wait3A_465 : memref<1x32x40xf32, #tpu.memory_space<vmem>> -> memref<32x40xf32, #tpu.memory_space<vmem>>
      %dma_wait3A_467 = arith.constant 0 : i32
      %dma_wait3A_468 = arith.constant 0 : i32
      %dma_wait3A_469 = tpu.memref_slice %arg2[%dma_wait3A_453, %dma_wait3A_467, %dma_wait3A_468] : memref<3x512x512xf32, #tpu.memory_space<hbm>> -> memref<1x32x40xf32, #tpu.memory_space<hbm>>
      %dma_wait3A_470 = tpu.memref_squeeze %dma_wait3A_469 : memref<1x32x40xf32, #tpu.memory_space<hbm>> -> memref<32x40xf32, #tpu.memory_space<hbm>>
      tpu.wait_dma2 semaphore(%arg12 : memref<!tpu.dma_semaphore, #tpu.memory_space<semaphore_mem>>) src(%dma_wait3A_470 : memref<32x40xf32, #tpu.memory_space<hbm>>) dst(%dma_wait3A_466 : memref<32x40xf32, #tpu.memory_space<vmem>>)
      %mul3A_471 = arith.constant 2 : i32
      %mul3A_472 = arith.muli %mul3A_471, %scan3A_81 : i32
      %add3A_473 = arith.constant 1 : i32
      %add3A_474 = arith.addi %mul3A_472, %add3A_473 : i32
      %mul3A_475 = arith.constant 2 : i32
      %mul3A_476 = arith.muli %mul3A_475, %scan3A_81 : i32
      %add3A_477 = arith.constant 1 : i32
      %add3A_478 = arith.addi %mul3A_476, %add3A_477 : i32
      %mul3A_479 = arith.constant 2 : i32
      %mul3A_480 = arith.muli %mul3A_479, %add3A_478 : i32
      %get3A_481 = arith.index_cast %mul3A_480 : i32 to index
      %get3A_482 = tpu.vector_load %arg6[%get3A_481] {strides = array<i32>} : memref<120xi32, #tpu.memory_space<vmem>>, vector<16xi32>,
      %slice3A_483 = vector.extract_strided_slice %get3A_482 {offsets = [0], sizes = [1], strides = [1]} : vector<16xi32> to vector<1xi32>
      %squeeze3A_484 = vector.extract %slice3A_483[0] : i32 from vector<1xi32>
      %sub3A_485 = arith.constant 16 : i32
      %sub3A_486 = arith.subi %squeeze3A_484, %sub3A_485 : i32
      %slice3A_487 = vector.extract_strided_slice %get3A_482 {offsets = [1], sizes = [1], strides = [1]} : vector<16xi32> to vector<1xi32>
      %squeeze3A_488 = vector.extract %slice3A_487[0] : i32 from vector<1xi32>
      %sub3A_489 = arith.constant 16 : i32
      %sub3A_490 = arith.subi %squeeze3A_488, %sub3A_489 : i32
      %jit3A_491 = arith.constant 8 : i32
      %div3A_492 = arith.divsi %sub3A_490, %jit3A_491 : i32
      %sign3A_493 = arith.constant 0 : i32
      %sign3A_494 = arith.cmpi sgt, %sub3A_490, %sign3A_493 : i32
      %sign3A_495 = arith.extui %sign3A_494 : i1 to i32
      %sign3A_496 = arith.constant 0 : i32
      %sign3A_497 = arith.cmpi slt, %sub3A_490, %sign3A_496 : i32
      %sign3A_498 = arith.extui %sign3A_497 : i1 to i32
      %sign3A_499 = arith.subi %sign3A_495, %sign3A_498 : i32
      %sign3A_500 = arith.constant 0 : i32
      %sign3A_501 = arith.cmpi sgt, %jit3A_491, %sign3A_500 : i32
      %sign3A_502 = arith.extui %sign3A_501 : i1 to i32
      %sign3A_503 = arith.constant 0 : i32
      %sign3A_504 = arith.cmpi slt, %jit3A_491, %sign3A_503 : i32
      %sign3A_505 = arith.extui %sign3A_504 : i1 to i32
      %sign3A_506 = arith.subi %sign3A_502, %sign3A_505 : i32
      %ne3A_507 = arith.cmpi ne, %sign3A_499, %sign3A_506 : i32
      %rem3A_508 = arith.remsi %sub3A_490, %jit3A_491 : i32
      %ne3A_509 = arith.constant 0 : i32
      %ne3A_510 = arith.cmpi ne, %rem3A_508, %ne3A_509 : i32
      %and3A_511 = arith.andi %ne3A_507, %ne3A_510 : i1
      %sub3A_512 = arith.constant 1 : i32
      %sub3A_513 = arith.subi %div3A_492, %sub3A_512 : i32
      %select_n3A_514 = arith.select %and3A_511, %sub3A_513, %div3A_492 : i32
      %mul3A_515 = arith.constant 8 : i32
      %mul3A_516 = arith.muli %select_n3A_514, %mul3A_515 : i32
      %multiple_of3A_517 = tpu.assume_multiple %mul3A_516, 8 : i32
      %sub3A_518 = arith.subi %sub3A_490, %multiple_of3A_517 : i32
      %broadcast_in_dim3A_519 = arith.constant 0.000000e+00 : f32
      %broadcast_in_dim3A_520 = vector.broadcast %broadcast_in_dim3A_519 : f32 to vector<16xf32>
      %scan3A_521 = arith.constant 0 : i32
      %scan3A_522 = arith.constant 8 : i32
      %scan3A_523 = arith.addi %scan3A_521, %scan3A_522 : i32
      %scan3A_524 = arith.constant 1 : i32
      %scan3A_525 = scf.for %scan3A_667 = %scan3A_521 to %scan3A_523 step %scan3A_524 iter_args(%scan3A_668 = %broadcast_in_dim3A_520) -> (vector<16xf32>)  : i32 {
        %mul3A_669 = arith.constant 2 : i32
        %mul3A_670 = arith.muli %mul3A_669, %scan3A_667 : i32
        %add3A_671 = arith.constant 0 : i32
        %add3A_672 = arith.addi %add3A_671, %mul3A_670 : i32
        %add3A_673 = arith.constant 0 : i32
        %add3A_674 = arith.addi %add3A_672, %add3A_673 : i32
        %get3A_675 = arith.constant 0 : i32
        %get3A_676 = arith.index_cast %get3A_675 : i32 to index
        %get3A_677 = arith.index_cast %add3A_674 : i32 to index
        %get3A_678 = arith.index_cast %sub3A_518 : i32 to index
        %get3A_679 = tpu.vector_load %arg9[%get3A_676, %get3A_677, %get3A_678] {strides = array<i32>} : memref<3x32x40xf32, #tpu.memory_space<vmem>>, vector<16xf32>,
        %add3A_680 = arith.constant 16 : i32
        %add3A_681 = arith.addi %sub3A_518, %add3A_680 : i32
        %get3A_682 = arith.constant 0 : i32
        %get3A_683 = arith.index_cast %get3A_682 : i32 to index
        %get3A_684 = arith.index_cast %add3A_674 : i32 to index
        %get3A_685 = arith.index_cast %add3A_681 : i32 to index
        %get3A_686 = tpu.vector_load %arg9[%get3A_683, %get3A_684, %get3A_685] {strides = array<i32>} : memref<3x32x40xf32, #tpu.memory_space<vmem>>, vector<16xf32>,
        %get3A_687 = arith.constant 0 : i32
        %get3A_688 = arith.index_cast %get3A_687 : i32 to index
        %get3A_689 = arith.index_cast %add3A_674 : i32 to index
        %get3A_690 = arith.constant 0 : index
        %get3A_691 = tpu.vector_load %arg7[%get3A_688, %get3A_689, %get3A_690] {strides = array<i32>} : memref<3x32x32xf32, #tpu.memory_space<vmem>>, vector<16xf32>,
        %get3A_692 = arith.constant 0 : i32
        %get3A_693 = arith.index_cast %get3A_692 : i32 to index
        %get3A_694 = arith.index_cast %add3A_674 : i32 to index
        %get3A_695 = arith.constant 16 : index
        %get3A_696 = tpu.vector_load %arg7[%get3A_693, %get3A_694, %get3A_695] {strides = array<i32>} : memref<3x32x32xf32, #tpu.memory_space<vmem>>, vector<16xf32>,
        %sub3A_697 = arith.subf %get3A_679, %get3A_691 : vector<16xf32>
        %sub3A_698 = arith.subf %get3A_686, %get3A_696 : vector<16xf32>
        %mul3A_699 = arith.mulf %sub3A_697, %sub3A_697 : vector<16xf32>
        %mul3A_700 = arith.mulf %sub3A_698, %sub3A_698 : vector<16xf32>
        %add3A_701 = arith.addf %mul3A_699, %mul3A_700 : vector<16xf32>
        %add3A_702 = arith.addf %scan3A_668, %add3A_701 : vector<16xf32>
        %mul3A_703 = arith.constant 2 : i32
        %mul3A_704 = arith.muli %mul3A_703, %scan3A_667 : i32
        %add3A_705 = arith.constant 0 : i32
        %add3A_706 = arith.addi %add3A_705, %mul3A_704 : i32
        %add3A_707 = arith.constant 1 : i32
        %add3A_708 = arith.addi %add3A_706, %add3A_707 : i32
        %get3A_709 = arith.constant 0 : i32
        %get3A_710 = arith.index_cast %get3A_709 : i32 to index
        %get3A_711 = arith.index_cast %add3A_708 : i32 to index
        %get3A_712 = arith.index_cast %sub3A_518 : i32 to index
        %get3A_713 = tpu.vector_load %arg9[%get3A_710, %get3A_711, %get3A_712] {strides = array<i32>} : memref<3x32x40xf32, #tpu.memory_space<vmem>>, vector<16xf32>,
        %add3A_714 = arith.constant 16 : i32
        %add3A_715 = arith.addi %sub3A_518, %add3A_714 : i32
        %get3A_716 = arith.constant 0 : i32
        %get3A_717 = arith.index_cast %get3A_716 : i32 to index
        %get3A_718 = arith.index_cast %add3A_708 : i32 to index
        %get3A_719 = arith.index_cast %add3A_715 : i32 to index
        %get3A_720 = tpu.vector_load %arg9[%get3A_717, %get3A_718, %get3A_719] {strides = array<i32>} : memref<3x32x40xf32, #tpu.memory_space<vmem>>, vector<16xf32>,
        %get3A_721 = arith.constant 0 : i32
        %get3A_722 = arith.index_cast %get3A_721 : i32 to index
        %get3A_723 = arith.index_cast %add3A_708 : i32 to index
        %get3A_724 = arith.constant 0 : index
        %get3A_725 = tpu.vector_load %arg7[%get3A_722, %get3A_723, %get3A_724] {strides = array<i32>} : memref<3x32x32xf32, #tpu.memory_space<vmem>>, vector<16xf32>,
        %get3A_726 = arith.constant 0 : i32
        %get3A_727 = arith.index_cast %get3A_726 : i32 to index
        %get3A_728 = arith.index_cast %add3A_708 : i32 to index
        %get3A_729 = arith.constant 16 : index
        %get3A_730 = tpu.vector_load %arg7[%get3A_727, %get3A_728, %get3A_729] {strides = array<i32>} : memref<3x32x32xf32, #tpu.memory_space<vmem>>, vector<16xf32>,
        %sub3A_731 = arith.subf %get3A_713, %get3A_725 : vector<16xf32>
        %sub3A_732 = arith.subf %get3A_720, %get3A_730 : vector<16xf32>
        %mul3A_733 = arith.mulf %sub3A_731, %sub3A_731 : vector<16xf32>
        %mul3A_734 = arith.mulf %sub3A_732, %sub3A_732 : vector<16xf32>
        %add3A_735 = arith.addf %mul3A_733, %mul3A_734 : vector<16xf32>
        %add3A_736 = arith.addf %add3A_702, %add3A_735 : vector<16xf32>
        scf.yield %add3A_736 : vector<16xf32>
      }
      %scan3A_526 = arith.constant 8 : i32
      %broadcast_in_dim3A_527 = arith.constant 0.000000e+00 : f32
      %broadcast_in_dim3A_528 = vector.broadcast %broadcast_in_dim3A_527 : f32 to vector<16xf32>
      %scan3A_529 = arith.constant 0 : i32
      %scan3A_530 = arith.constant 8 : i32
      %scan3A_531 = arith.addi %scan3A_529, %scan3A_530 : i32
      %scan3A_532 = arith.constant 1 : i32
      %scan3A_533 = scf.for %scan3A_667 = %scan3A_529 to %scan3A_531 step %scan3A_532 iter_args(%scan3A_668 = %broadcast_in_dim3A_528) -> (vector<16xf32>)  : i32 {
        %mul3A_669 = arith.constant 2 : i32
        %mul3A_670 = arith.muli %mul3A_669, %scan3A_667 : i32
        %add3A_671 = arith.constant 16 : i32
        %add3A_672 = arith.addi %add3A_671, %mul3A_670 : i32
        %add3A_673 = arith.constant 0 : i32
        %add3A_674 = arith.addi %add3A_672, %add3A_673 : i32
        %get3A_675 = arith.constant 0 : i32
        %get3A_676 = arith.index_cast %get3A_675 : i32 to index
        %get3A_677 = arith.index_cast %add3A_674 : i32 to index
        %get3A_678 = arith.index_cast %sub3A_518 : i32 to index
        %get3A_679 = tpu.vector_load %arg9[%get3A_676, %get3A_677, %get3A_678] {strides = array<i32>} : memref<3x32x40xf32, #tpu.memory_space<vmem>>, vector<16xf32>,
        %add3A_680 = arith.constant 16 : i32
        %add3A_681 = arith.addi %sub3A_518, %add3A_680 : i32
        %get3A_682 = arith.constant 0 : i32
        %get3A_683 = arith.index_cast %get3A_682 : i32 to index
        %get3A_684 = arith.index_cast %add3A_674 : i32 to index
        %get3A_685 = arith.index_cast %add3A_681 : i32 to index
        %get3A_686 = tpu.vector_load %arg9[%get3A_683, %get3A_684, %get3A_685] {strides = array<i32>} : memref<3x32x40xf32, #tpu.memory_space<vmem>>, vector<16xf32>,
        %get3A_687 = arith.constant 0 : i32
        %get3A_688 = arith.index_cast %get3A_687 : i32 to index
        %get3A_689 = arith.index_cast %add3A_674 : i32 to index
        %get3A_690 = arith.constant 0 : index
        %get3A_691 = tpu.vector_load %arg7[%get3A_688, %get3A_689, %get3A_690] {strides = array<i32>} : memref<3x32x32xf32, #tpu.memory_space<vmem>>, vector<16xf32>,
        %get3A_692 = arith.constant 0 : i32
        %get3A_693 = arith.index_cast %get3A_692 : i32 to index
        %get3A_694 = arith.index_cast %add3A_674 : i32 to index
        %get3A_695 = arith.constant 16 : index
        %get3A_696 = tpu.vector_load %arg7[%get3A_693, %get3A_694, %get3A_695] {strides = array<i32>} : memref<3x32x32xf32, #tpu.memory_space<vmem>>, vector<16xf32>,
        %sub3A_697 = arith.subf %get3A_679, %get3A_691 : vector<16xf32>
        %sub3A_698 = arith.subf %get3A_686, %get3A_696 : vector<16xf32>
        %mul3A_699 = arith.mulf %sub3A_697, %sub3A_697 : vector<16xf32>
        %mul3A_700 = arith.mulf %sub3A_698, %sub3A_698 : vector<16xf32>
        %add3A_701 = arith.addf %mul3A_699, %mul3A_700 : vector<16xf32>
        %add3A_702 = arith.addf %scan3A_668, %add3A_701 : vector<16xf32>
        %mul3A_703 = arith.constant 2 : i32
        %mul3A_704 = arith.muli %mul3A_703, %scan3A_667 : i32
        %add3A_705 = arith.constant 16 : i32
        %add3A_706 = arith.addi %add3A_705, %mul3A_704 : i32
        %add3A_707 = arith.constant 1 : i32
        %add3A_708 = arith.addi %add3A_706, %add3A_707 : i32
        %get3A_709 = arith.constant 0 : i32
        %get3A_710 = arith.index_cast %get3A_709 : i32 to index
        %get3A_711 = arith.index_cast %add3A_708 : i32 to index
        %get3A_712 = arith.index_cast %sub3A_518 : i32 to index
        %get3A_713 = tpu.vector_load %arg9[%get3A_710, %get3A_711, %get3A_712] {strides = array<i32>} : memref<3x32x40xf32, #tpu.memory_space<vmem>>, vector<16xf32>,
        %add3A_714 = arith.constant 16 : i32
        %add3A_715 = arith.addi %sub3A_518, %add3A_714 : i32
        %get3A_716 = arith.constant 0 : i32
        %get3A_717 = arith.index_cast %get3A_716 : i32 to index
        %get3A_718 = arith.index_cast %add3A_708 : i32 to index
        %get3A_719 = arith.index_cast %add3A_715 : i32 to index
        %get3A_720 = tpu.vector_load %arg9[%get3A_717, %get3A_718, %get3A_719] {strides = array<i32>} : memref<3x32x40xf32, #tpu.memory_space<vmem>>, vector<16xf32>,
        %get3A_721 = arith.constant 0 : i32
        %get3A_722 = arith.index_cast %get3A_721 : i32 to index
        %get3A_723 = arith.index_cast %add3A_708 : i32 to index
        %get3A_724 = arith.constant 0 : index
        %get3A_725 = tpu.vector_load %arg7[%get3A_722, %get3A_723, %get3A_724] {strides = array<i32>} : memref<3x32x32xf32, #tpu.memory_space<vmem>>, vector<16xf32>,
        %get3A_726 = arith.constant 0 : i32
        %get3A_727 = arith.index_cast %get3A_726 : i32 to index
        %get3A_728 = arith.index_cast %add3A_708 : i32 to index
        %get3A_729 = arith.constant 16 : index
        %get3A_730 = tpu.vector_load %arg7[%get3A_727, %get3A_728, %get3A_729] {strides = array<i32>} : memref<3x32x32xf32, #tpu.memory_space<vmem>>, vector<16xf32>,
        %sub3A_731 = arith.subf %get3A_713, %get3A_725 : vector<16xf32>
        %sub3A_732 = arith.subf %get3A_720, %get3A_730 : vector<16xf32>
        %mul3A_733 = arith.mulf %sub3A_731, %sub3A_731 : vector<16xf32>
        %mul3A_734 = arith.mulf %sub3A_732, %sub3A_732 : vector<16xf32>
        %add3A_735 = arith.addf %mul3A_733, %mul3A_734 : vector<16xf32>
        %add3A_736 = arith.addf %add3A_702, %add3A_735 : vector<16xf32>
        scf.yield %add3A_736 : vector<16xf32>
      }
      %scan3A_534 = arith.constant 8 : i32
      %broadcast_in_dim3A_535 = arith.constant 0.000000e+00 : f32
      %broadcast_in_dim3A_536 = vector.broadcast %broadcast_in_dim3A_535 : f32 to vector<16xf32>
      %scan3A_537 = arith.constant 0 : i32
      %scan3A_538 = arith.constant 8 : i32
      %scan3A_539 = arith.addi %scan3A_537, %scan3A_538 : i32
      %scan3A_540 = arith.constant 1 : i32
      %scan3A_541 = scf.for %scan3A_667 = %scan3A_537 to %scan3A_539 step %scan3A_540 iter_args(%scan3A_668 = %broadcast_in_dim3A_536) -> (vector<16xf32>)  : i32 {
        %mul3A_669 = arith.constant 2 : i32
        %mul3A_670 = arith.muli %mul3A_669, %scan3A_667 : i32
        %add3A_671 = arith.constant 0 : i32
        %add3A_672 = arith.addi %add3A_671, %mul3A_670 : i32
        %add3A_673 = arith.constant 0 : i32
        %add3A_674 = arith.addi %add3A_672, %add3A_673 : i32
        %get3A_675 = arith.constant 1 : i32
        %get3A_676 = arith.index_cast %get3A_675 : i32 to index
        %get3A_677 = arith.index_cast %add3A_674 : i32 to index
        %get3A_678 = arith.index_cast %sub3A_518 : i32 to index
        %get3A_679 = tpu.vector_load %arg9[%get3A_676, %get3A_677, %get3A_678] {strides = array<i32>} : memref<3x32x40xf32, #tpu.memory_space<vmem>>, vector<16xf32>,
        %add3A_680 = arith.constant 16 : i32
        %add3A_681 = arith.addi %sub3A_518, %add3A_680 : i32
        %get3A_682 = arith.constant 1 : i32
        %get3A_683 = arith.index_cast %get3A_682 : i32 to index
        %get3A_684 = arith.index_cast %add3A_674 : i32 to index
        %get3A_685 = arith.index_cast %add3A_681 : i32 to index
        %get3A_686 = tpu.vector_load %arg9[%get3A_683, %get3A_684, %get3A_685] {strides = array<i32>} : memref<3x32x40xf32, #tpu.memory_space<vmem>>, vector<16xf32>,
        %get3A_687 = arith.constant 1 : i32
        %get3A_688 = arith.index_cast %get3A_687 : i32 to index
        %get3A_689 = arith.index_cast %add3A_674 : i32 to index
        %get3A_690 = arith.constant 0 : index
        %get3A_691 = tpu.vector_load %arg7[%get3A_688, %get3A_689, %get3A_690] {strides = array<i32>} : memref<3x32x32xf32, #tpu.memory_space<vmem>>, vector<16xf32>,
        %get3A_692 = arith.constant 1 : i32
        %get3A_693 = arith.index_cast %get3A_692 : i32 to index
        %get3A_694 = arith.index_cast %add3A_674 : i32 to index
        %get3A_695 = arith.constant 16 : index
        %get3A_696 = tpu.vector_load %arg7[%get3A_693, %get3A_694, %get3A_695] {strides = array<i32>} : memref<3x32x32xf32, #tpu.memory_space<vmem>>, vector<16xf32>,
        %sub3A_697 = arith.subf %get3A_679, %get3A_691 : vector<16xf32>
        %sub3A_698 = arith.subf %get3A_686, %get3A_696 : vector<16xf32>
        %mul3A_699 = arith.mulf %sub3A_697, %sub3A_697 : vector<16xf32>
        %mul3A_700 = arith.mulf %sub3A_698, %sub3A_698 : vector<16xf32>
        %add3A_701 = arith.addf %mul3A_699, %mul3A_700 : vector<16xf32>
        %add3A_702 = arith.addf %scan3A_668, %add3A_701 : vector<16xf32>
        %mul3A_703 = arith.constant 2 : i32
        %mul3A_704 = arith.muli %mul3A_703, %scan3A_667 : i32
        %add3A_705 = arith.constant 0 : i32
        %add3A_706 = arith.addi %add3A_705, %mul3A_704 : i32
        %add3A_707 = arith.constant 1 : i32
        %add3A_708 = arith.addi %add3A_706, %add3A_707 : i32
        %get3A_709 = arith.constant 1 : i32
        %get3A_710 = arith.index_cast %get3A_709 : i32 to index
        %get3A_711 = arith.index_cast %add3A_708 : i32 to index
        %get3A_712 = arith.index_cast %sub3A_518 : i32 to index
        %get3A_713 = tpu.vector_load %arg9[%get3A_710, %get3A_711, %get3A_712] {strides = array<i32>} : memref<3x32x40xf32, #tpu.memory_space<vmem>>, vector<16xf32>,
        %add3A_714 = arith.constant 16 : i32
        %add3A_715 = arith.addi %sub3A_518, %add3A_714 : i32
        %get3A_716 = arith.constant 1 : i32
        %get3A_717 = arith.index_cast %get3A_716 : i32 to index
        %get3A_718 = arith.index_cast %add3A_708 : i32 to index
        %get3A_719 = arith.index_cast %add3A_715 : i32 to index
        %get3A_720 = tpu.vector_load %arg9[%get3A_717, %get3A_718, %get3A_719] {strides = array<i32>} : memref<3x32x40xf32, #tpu.memory_space<vmem>>, vector<16xf32>,
        %get3A_721 = arith.constant 1 : i32
        %get3A_722 = arith.index_cast %get3A_721 : i32 to index
        %get3A_723 = arith.index_cast %add3A_708 : i32 to index
        %get3A_724 = arith.constant 0 : index
        %get3A_725 = tpu.vector_load %arg7[%get3A_722, %get3A_723, %get3A_724] {strides = array<i32>} : memref<3x32x32xf32, #tpu.memory_space<vmem>>, vector<16xf32>,
        %get3A_726 = arith.constant 1 : i32
        %get3A_727 = arith.index_cast %get3A_726 : i32 to index
        %get3A_728 = arith.index_cast %add3A_708 : i32 to index
        %get3A_729 = arith.constant 16 : index
        %get3A_730 = tpu.vector_load %arg7[%get3A_727, %get3A_728, %get3A_729] {strides = array<i32>} : memref<3x32x32xf32, #tpu.memory_space<vmem>>, vector<16xf32>,
        %sub3A_731 = arith.subf %get3A_713, %get3A_725 : vector<16xf32>
        %sub3A_732 = arith.subf %get3A_720, %get3A_730 : vector<16xf32>
        %mul3A_733 = arith.mulf %sub3A_731, %sub3A_731 : vector<16xf32>
        %mul3A_734 = arith.mulf %sub3A_732, %sub3A_732 : vector<16xf32>
        %add3A_735 = arith.addf %mul3A_733, %mul3A_734 : vector<16xf32>
        %add3A_736 = arith.addf %add3A_702, %add3A_735 : vector<16xf32>
        scf.yield %add3A_736 : vector<16xf32>
      }
      %scan3A_542 = arith.constant 8 : i32
      %broadcast_in_dim3A_543 = arith.constant 0.000000e+00 : f32
      %broadcast_in_dim3A_544 = vector.broadcast %broadcast_in_dim3A_543 : f32 to vector<16xf32>
      %scan3A_545 = arith.constant 0 : i32
      %scan3A_546 = arith.constant 8 : i32
      %scan3A_547 = arith.addi %scan3A_545, %scan3A_546 : i32
      %scan3A_548 = arith.constant 1 : i32
      %scan3A_549 = scf.for %scan3A_667 = %scan3A_545 to %scan3A_547 step %scan3A_548 iter_args(%scan3A_668 = %broadcast_in_dim3A_544) -> (vector<16xf32>)  : i32 {
        %mul3A_669 = arith.constant 2 : i32
        %mul3A_670 = arith.muli %mul3A_669, %scan3A_667 : i32
        %add3A_671 = arith.constant 16 : i32
        %add3A_672 = arith.addi %add3A_671, %mul3A_670 : i32
        %add3A_673 = arith.constant 0 : i32
        %add3A_674 = arith.addi %add3A_672, %add3A_673 : i32
        %get3A_675 = arith.constant 1 : i32
        %get3A_676 = arith.index_cast %get3A_675 : i32 to index
        %get3A_677 = arith.index_cast %add3A_674 : i32 to index
        %get3A_678 = arith.index_cast %sub3A_518 : i32 to index
        %get3A_679 = tpu.vector_load %arg9[%get3A_676, %get3A_677, %get3A_678] {strides = array<i32>} : memref<3x32x40xf32, #tpu.memory_space<vmem>>, vector<16xf32>,
        %add3A_680 = arith.constant 16 : i32
        %add3A_681 = arith.addi %sub3A_518, %add3A_680 : i32
        %get3A_682 = arith.constant 1 : i32
        %get3A_683 = arith.index_cast %get3A_682 : i32 to index
        %get3A_684 = arith.index_cast %add3A_674 : i32 to index
        %get3A_685 = arith.index_cast %add3A_681 : i32 to index
        %get3A_686 = tpu.vector_load %arg9[%get3A_683, %get3A_684, %get3A_685] {strides = array<i32>} : memref<3x32x40xf32, #tpu.memory_space<vmem>>, vector<16xf32>,
        %get3A_687 = arith.constant 1 : i32
        %get3A_688 = arith.index_cast %get3A_687 : i32 to index
        %get3A_689 = arith.index_cast %add3A_674 : i32 to index
        %get3A_690 = arith.constant 0 : index
        %get3A_691 = tpu.vector_load %arg7[%get3A_688, %get3A_689, %get3A_690] {strides = array<i32>} : memref<3x32x32xf32, #tpu.memory_space<vmem>>, vector<16xf32>,
        %get3A_692 = arith.constant 1 : i32
        %get3A_693 = arith.index_cast %get3A_692 : i32 to index
        %get3A_694 = arith.index_cast %add3A_674 : i32 to index
        %get3A_695 = arith.constant 16 : index
        %get3A_696 = tpu.vector_load %arg7[%get3A_693, %get3A_694, %get3A_695] {strides = array<i32>} : memref<3x32x32xf32, #tpu.memory_space<vmem>>, vector<16xf32>,
        %sub3A_697 = arith.subf %get3A_679, %get3A_691 : vector<16xf32>
        %sub3A_698 = arith.subf %get3A_686, %get3A_696 : vector<16xf32>
        %mul3A_699 = arith.mulf %sub3A_697, %sub3A_697 : vector<16xf32>
        %mul3A_700 = arith.mulf %sub3A_698, %sub3A_698 : vector<16xf32>
        %add3A_701 = arith.addf %mul3A_699, %mul3A_700 : vector<16xf32>
        %add3A_702 = arith.addf %scan3A_668, %add3A_701 : vector<16xf32>
        %mul3A_703 = arith.constant 2 : i32
        %mul3A_704 = arith.muli %mul3A_703, %scan3A_667 : i32
        %add3A_705 = arith.constant 16 : i32
        %add3A_706 = arith.addi %add3A_705, %mul3A_704 : i32
        %add3A_707 = arith.constant 1 : i32
        %add3A_708 = arith.addi %add3A_706, %add3A_707 : i32
        %get3A_709 = arith.constant 1 : i32
        %get3A_710 = arith.index_cast %get3A_709 : i32 to index
        %get3A_711 = arith.index_cast %add3A_708 : i32 to index
        %get3A_712 = arith.index_cast %sub3A_518 : i32 to index
        %get3A_713 = tpu.vector_load %arg9[%get3A_710, %get3A_711, %get3A_712] {strides = array<i32>} : memref<3x32x40xf32, #tpu.memory_space<vmem>>, vector<16xf32>,
        %add3A_714 = arith.constant 16 : i32
        %add3A_715 = arith.addi %sub3A_518, %add3A_714 : i32
        %get3A_716 = arith.constant 1 : i32
        %get3A_717 = arith.index_cast %get3A_716 : i32 to index
        %get3A_718 = arith.index_cast %add3A_708 : i32 to index
        %get3A_719 = arith.index_cast %add3A_715 : i32 to index
        %get3A_720 = tpu.vector_load %arg9[%get3A_717, %get3A_718, %get3A_719] {strides = array<i32>} : memref<3x32x40xf32, #tpu.memory_space<vmem>>, vector<16xf32>,
        %get3A_721 = arith.constant 1 : i32
        %get3A_722 = arith.index_cast %get3A_721 : i32 to index
        %get3A_723 = arith.index_cast %add3A_708 : i32 to index
        %get3A_724 = arith.constant 0 : index
        %get3A_725 = tpu.vector_load %arg7[%get3A_722, %get3A_723, %get3A_724] {strides = array<i32>} : memref<3x32x32xf32, #tpu.memory_space<vmem>>, vector<16xf32>,
        %get3A_726 = arith.constant 1 : i32
        %get3A_727 = arith.index_cast %get3A_726 : i32 to index
        %get3A_728 = arith.index_cast %add3A_708 : i32 to index
        %get3A_729 = arith.constant 16 : index
        %get3A_730 = tpu.vector_load %arg7[%get3A_727, %get3A_728, %get3A_729] {strides = array<i32>} : memref<3x32x32xf32, #tpu.memory_space<vmem>>, vector<16xf32>,
        %sub3A_731 = arith.subf %get3A_713, %get3A_725 : vector<16xf32>
        %sub3A_732 = arith.subf %get3A_720, %get3A_730 : vector<16xf32>
        %mul3A_733 = arith.mulf %sub3A_731, %sub3A_731 : vector<16xf32>
        %mul3A_734 = arith.mulf %sub3A_732, %sub3A_732 : vector<16xf32>
        %add3A_735 = arith.addf %mul3A_733, %mul3A_734 : vector<16xf32>
        %add3A_736 = arith.addf %add3A_702, %add3A_735 : vector<16xf32>
        scf.yield %add3A_736 : vector<16xf32>
      }
      %scan3A_550 = arith.constant 8 : i32
      %broadcast_in_dim3A_551 = arith.constant 0.000000e+00 : f32
      %broadcast_in_dim3A_552 = vector.broadcast %broadcast_in_dim3A_551 : f32 to vector<16xf32>
      %scan3A_553 = arith.constant 0 : i32
      %scan3A_554 = arith.constant 8 : i32
      %scan3A_555 = arith.addi %scan3A_553, %scan3A_554 : i32
      %scan3A_556 = arith.constant 1 : i32
      %scan3A_557 = scf.for %scan3A_667 = %scan3A_553 to %scan3A_555 step %scan3A_556 iter_args(%scan3A_668 = %broadcast_in_dim3A_552) -> (vector<16xf32>)  : i32 {
        %mul3A_669 = arith.constant 2 : i32
        %mul3A_670 = arith.muli %mul3A_669, %scan3A_667 : i32
        %add3A_671 = arith.constant 0 : i32
        %add3A_672 = arith.addi %add3A_671, %mul3A_670 : i32
        %add3A_673 = arith.constant 0 : i32
        %add3A_674 = arith.addi %add3A_672, %add3A_673 : i32
        %get3A_675 = arith.constant 2 : i32
        %get3A_676 = arith.index_cast %get3A_675 : i32 to index
        %get3A_677 = arith.index_cast %add3A_674 : i32 to index
        %get3A_678 = arith.index_cast %sub3A_518 : i32 to index
        %get3A_679 = tpu.vector_load %arg9[%get3A_676, %get3A_677, %get3A_678] {strides = array<i32>} : memref<3x32x40xf32, #tpu.memory_space<vmem>>, vector<16xf32>,
        %add3A_680 = arith.constant 16 : i32
        %add3A_681 = arith.addi %sub3A_518, %add3A_680 : i32
        %get3A_682 = arith.constant 2 : i32
        %get3A_683 = arith.index_cast %get3A_682 : i32 to index
        %get3A_684 = arith.index_cast %add3A_674 : i32 to index
        %get3A_685 = arith.index_cast %add3A_681 : i32 to index
        %get3A_686 = tpu.vector_load %arg9[%get3A_683, %get3A_684, %get3A_685] {strides = array<i32>} : memref<3x32x40xf32, #tpu.memory_space<vmem>>, vector<16xf32>,
        %get3A_687 = arith.constant 2 : i32
        %get3A_688 = arith.index_cast %get3A_687 : i32 to index
        %get3A_689 = arith.index_cast %add3A_674 : i32 to index
        %get3A_690 = arith.constant 0 : index
        %get3A_691 = tpu.vector_load %arg7[%get3A_688, %get3A_689, %get3A_690] {strides = array<i32>} : memref<3x32x32xf32, #tpu.memory_space<vmem>>, vector<16xf32>,
        %get3A_692 = arith.constant 2 : i32
        %get3A_693 = arith.index_cast %get3A_692 : i32 to index
        %get3A_694 = arith.index_cast %add3A_674 : i32 to index
        %get3A_695 = arith.constant 16 : index
        %get3A_696 = tpu.vector_load %arg7[%get3A_693, %get3A_694, %get3A_695] {strides = array<i32>} : memref<3x32x32xf32, #tpu.memory_space<vmem>>, vector<16xf32>,
        %sub3A_697 = arith.subf %get3A_679, %get3A_691 : vector<16xf32>
        %sub3A_698 = arith.subf %get3A_686, %get3A_696 : vector<16xf32>
        %mul3A_699 = arith.mulf %sub3A_697, %sub3A_697 : vector<16xf32>
        %mul3A_700 = arith.mulf %sub3A_698, %sub3A_698 : vector<16xf32>
        %add3A_701 = arith.addf %mul3A_699, %mul3A_700 : vector<16xf32>
        %add3A_702 = arith.addf %scan3A_668, %add3A_701 : vector<16xf32>
        %mul3A_703 = arith.constant 2 : i32
        %mul3A_704 = arith.muli %mul3A_703, %scan3A_667 : i32
        %add3A_705 = arith.constant 0 : i32
        %add3A_706 = arith.addi %add3A_705, %mul3A_704 : i32
        %add3A_707 = arith.constant 1 : i32
        %add3A_708 = arith.addi %add3A_706, %add3A_707 : i32
        %get3A_709 = arith.constant 2 : i32
        %get3A_710 = arith.index_cast %get3A_709 : i32 to index
        %get3A_711 = arith.index_cast %add3A_708 : i32 to index
        %get3A_712 = arith.index_cast %sub3A_518 : i32 to index
        %get3A_713 = tpu.vector_load %arg9[%get3A_710, %get3A_711, %get3A_712] {strides = array<i32>} : memref<3x32x40xf32, #tpu.memory_space<vmem>>, vector<16xf32>,
        %add3A_714 = arith.constant 16 : i32
        %add3A_715 = arith.addi %sub3A_518, %add3A_714 : i32
        %get3A_716 = arith.constant 2 : i32
        %get3A_717 = arith.index_cast %get3A_716 : i32 to index
        %get3A_718 = arith.index_cast %add3A_708 : i32 to index
        %get3A_719 = arith.index_cast %add3A_715 : i32 to index
        %get3A_720 = tpu.vector_load %arg9[%get3A_717, %get3A_718, %get3A_719] {strides = array<i32>} : memref<3x32x40xf32, #tpu.memory_space<vmem>>, vector<16xf32>,
        %get3A_721 = arith.constant 2 : i32
        %get3A_722 = arith.index_cast %get3A_721 : i32 to index
        %get3A_723 = arith.index_cast %add3A_708 : i32 to index
        %get3A_724 = arith.constant 0 : index
        %get3A_725 = tpu.vector_load %arg7[%get3A_722, %get3A_723, %get3A_724] {strides = array<i32>} : memref<3x32x32xf32, #tpu.memory_space<vmem>>, vector<16xf32>,
        %get3A_726 = arith.constant 2 : i32
        %get3A_727 = arith.index_cast %get3A_726 : i32 to index
        %get3A_728 = arith.index_cast %add3A_708 : i32 to index
        %get3A_729 = arith.constant 16 : index
        %get3A_730 = tpu.vector_load %arg7[%get3A_727, %get3A_728, %get3A_729] {strides = array<i32>} : memref<3x32x32xf32, #tpu.memory_space<vmem>>, vector<16xf32>,
        %sub3A_731 = arith.subf %get3A_713, %get3A_725 : vector<16xf32>
        %sub3A_732 = arith.subf %get3A_720, %get3A_730 : vector<16xf32>
        %mul3A_733 = arith.mulf %sub3A_731, %sub3A_731 : vector<16xf32>
        %mul3A_734 = arith.mulf %sub3A_732, %sub3A_732 : vector<16xf32>
        %add3A_735 = arith.addf %mul3A_733, %mul3A_734 : vector<16xf32>
        %add3A_736 = arith.addf %add3A_702, %add3A_735 : vector<16xf32>
        scf.yield %add3A_736 : vector<16xf32>
      }
      %scan3A_558 = arith.constant 8 : i32
      %broadcast_in_dim3A_559 = arith.constant 0.000000e+00 : f32
      %broadcast_in_dim3A_560 = vector.broadcast %broadcast_in_dim3A_559 : f32 to vector<16xf32>
      %scan3A_561 = arith.constant 0 : i32
      %scan3A_562 = arith.constant 8 : i32
      %scan3A_563 = arith.addi %scan3A_561, %scan3A_562 : i32
      %scan3A_564 = arith.constant 1 : i32
      %scan3A_565 = scf.for %scan3A_667 = %scan3A_561 to %scan3A_563 step %scan3A_564 iter_args(%scan3A_668 = %broadcast_in_dim3A_560) -> (vector<16xf32>)  : i32 {
        %mul3A_669 = arith.constant 2 : i32
        %mul3A_670 = arith.muli %mul3A_669, %scan3A_667 : i32
        %add3A_671 = arith.constant 16 : i32
        %add3A_672 = arith.addi %add3A_671, %mul3A_670 : i32
        %add3A_673 = arith.constant 0 : i32
        %add3A_674 = arith.addi %add3A_672, %add3A_673 : i32
        %get3A_675 = arith.constant 2 : i32
        %get3A_676 = arith.index_cast %get3A_675 : i32 to index
        %get3A_677 = arith.index_cast %add3A_674 : i32 to index
        %get3A_678 = arith.index_cast %sub3A_518 : i32 to index
        %get3A_679 = tpu.vector_load %arg9[%get3A_676, %get3A_677, %get3A_678] {strides = array<i32>} : memref<3x32x40xf32, #tpu.memory_space<vmem>>, vector<16xf32>,
        %add3A_680 = arith.constant 16 : i32
        %add3A_681 = arith.addi %sub3A_518, %add3A_680 : i32
        %get3A_682 = arith.constant 2 : i32
        %get3A_683 = arith.index_cast %get3A_682 : i32 to index
        %get3A_684 = arith.index_cast %add3A_674 : i32 to index
        %get3A_685 = arith.index_cast %add3A_681 : i32 to index
        %get3A_686 = tpu.vector_load %arg9[%get3A_683, %get3A_684, %get3A_685] {strides = array<i32>} : memref<3x32x40xf32, #tpu.memory_space<vmem>>, vector<16xf32>,
        %get3A_687 = arith.constant 2 : i32
        %get3A_688 = arith.index_cast %get3A_687 : i32 to index
        %get3A_689 = arith.index_cast %add3A_674 : i32 to index
        %get3A_690 = arith.constant 0 : index
        %get3A_691 = tpu.vector_load %arg7[%get3A_688, %get3A_689, %get3A_690] {strides = array<i32>} : memref<3x32x32xf32, #tpu.memory_space<vmem>>, vector<16xf32>,
        %get3A_692 = arith.constant 2 : i32
        %get3A_693 = arith.index_cast %get3A_692 : i32 to index
        %get3A_694 = arith.index_cast %add3A_674 : i32 to index
        %get3A_695 = arith.constant 16 : index
        %get3A_696 = tpu.vector_load %arg7[%get3A_693, %get3A_694, %get3A_695] {strides = array<i32>} : memref<3x32x32xf32, #tpu.memory_space<vmem>>, vector<16xf32>,
        %sub3A_697 = arith.subf %get3A_679, %get3A_691 : vector<16xf32>
        %sub3A_698 = arith.subf %get3A_686, %get3A_696 : vector<16xf32>
        %mul3A_699 = arith.mulf %sub3A_697, %sub3A_697 : vector<16xf32>
        %mul3A_700 = arith.mulf %sub3A_698, %sub3A_698 : vector<16xf32>
        %add3A_701 = arith.addf %mul3A_699, %mul3A_700 : vector<16xf32>
        %add3A_702 = arith.addf %scan3A_668, %add3A_701 : vector<16xf32>
        %mul3A_703 = arith.constant 2 : i32
        %mul3A_704 = arith.muli %mul3A_703, %scan3A_667 : i32
        %add3A_705 = arith.constant 16 : i32
        %add3A_706 = arith.addi %add3A_705, %mul3A_704 : i32
        %add3A_707 = arith.constant 1 : i32
        %add3A_708 = arith.addi %add3A_706, %add3A_707 : i32
        %get3A_709 = arith.constant 2 : i32
        %get3A_710 = arith.index_cast %get3A_709 : i32 to index
        %get3A_711 = arith.index_cast %add3A_708 : i32 to index
        %get3A_712 = arith.index_cast %sub3A_518 : i32 to index
        %get3A_713 = tpu.vector_load %arg9[%get3A_710, %get3A_711, %get3A_712] {strides = array<i32>} : memref<3x32x40xf32, #tpu.memory_space<vmem>>, vector<16xf32>,
        %add3A_714 = arith.constant 16 : i32
        %add3A_715 = arith.addi %sub3A_518, %add3A_714 : i32
        %get3A_716 = arith.constant 2 : i32
        %get3A_717 = arith.index_cast %get3A_716 : i32 to index
        %get3A_718 = arith.index_cast %add3A_708 : i32 to index
        %get3A_719 = arith.index_cast %add3A_715 : i32 to index
        %get3A_720 = tpu.vector_load %arg9[%get3A_717, %get3A_718, %get3A_719] {strides = array<i32>} : memref<3x32x40xf32, #tpu.memory_space<vmem>>, vector<16xf32>,
        %get3A_721 = arith.constant 2 : i32
        %get3A_722 = arith.index_cast %get3A_721 : i32 to index
        %get3A_723 = arith.index_cast %add3A_708 : i32 to index
        %get3A_724 = arith.constant 0 : index
        %get3A_725 = tpu.vector_load %arg7[%get3A_722, %get3A_723, %get3A_724] {strides = array<i32>} : memref<3x32x32xf32, #tpu.memory_space<vmem>>, vector<16xf32>,
        %get3A_726 = arith.constant 2 : i32
        %get3A_727 = arith.index_cast %get3A_726 : i32 to index
        %get3A_728 = arith.index_cast %add3A_708 : i32 to index
        %get3A_729 = arith.constant 16 : index
        %get3A_730 = tpu.vector_load %arg7[%get3A_727, %get3A_728, %get3A_729] {strides = array<i32>} : memref<3x32x32xf32, #tpu.memory_space<vmem>>, vector<16xf32>,
        %sub3A_731 = arith.subf %get3A_713, %get3A_725 : vector<16xf32>
        %sub3A_732 = arith.subf %get3A_720, %get3A_730 : vector<16xf32>
        %mul3A_733 = arith.mulf %sub3A_731, %sub3A_731 : vector<16xf32>
        %mul3A_734 = arith.mulf %sub3A_732, %sub3A_732 : vector<16xf32>
        %add3A_735 = arith.addf %mul3A_733, %mul3A_734 : vector<16xf32>
        %add3A_736 = arith.addf %add3A_702, %add3A_735 : vector<16xf32>
        scf.yield %add3A_736 : vector<16xf32>
      }
      %scan3A_566 = arith.constant 8 : i32
      %add3A_567 = arith.addf %scan3A_525, %scan3A_533 : vector<16xf32>
      %add3A_568 = arith.addf %scan3A_541, %scan3A_549 : vector<16xf32>
      %add3A_569 = arith.addf %add3A_567, %add3A_568 : vector<16xf32>
      %add3A_570 = arith.addf %scan3A_557, %scan3A_565 : vector<16xf32>
      %add3A_571 = arith.addf %add3A_569, %add3A_570 : vector<16xf32>
      %mul3A_572 = arith.constant 1.280000e+02 : f32
      %mul3A_573 = vector.broadcast %mul3A_572 : f32 to vector<16xf32>
      %mul3A_574 = arith.mulf %add3A_571, %mul3A_573 : vector<16xf32>
      %convert_element_type3A_575 = arith.fptosi %mul3A_574 : vector<16xf32> to vector<16xi32>
      %convert_element_type3A_576 = arith.sitofp %convert_element_type3A_575 : vector<16xi32> to vector<16xf32>
      %mul3A_577 = arith.constant 7.812500e-03 : f32
      %mul3A_578 = vector.broadcast %mul3A_577 : f32 to vector<16xf32>
      %mul3A_579 = arith.mulf %convert_element_type3A_576, %mul3A_578 : vector<16xf32>
      %sub3A_580 = arith.subf %add3A_571, %mul3A_579 : vector<16xf32>
      %reduce_sum3A_581 = arith.constant true
      %reduce_sum3A_582 = vector.broadcast %reduce_sum3A_581 : i1 to vector<16xi1>
      %reduce_sum3A_583 = tpu.scan <sum>, %convert_element_type3A_575 masked %reduce_sum3A_582 : vector<16xi32>, vector<16xi1> -> vector<16xi32>
      %reduce_sum3A_584 = vector.extract %reduce_sum3A_583[15] : i32 from vector<16xi32>
      %convert_element_type3A_585 = arith.sitofp %reduce_sum3A_584 : i32 to f32
      %mul3A_586 = arith.constant 7.812500e-03 : f32
      %mul3A_587 = arith.mulf %convert_element_type3A_585, %mul3A_586 : f32
      %reduce_sum3A_588 = arith.constant true
      %reduce_sum3A_589 = vector.broadcast %reduce_sum3A_588 : i1 to vector<16xi1>
      %reduce_sum3A_590 = tpu.scan <sum>, %sub3A_580 masked %reduce_sum3A_589 : vector<16xf32>, vector<16xi1> -> vector<16xf32>
      %reduce_sum3A_591 = vector.extract %reduce_sum3A_590[15] : f32 from vector<16xf32>
      %add3A_592 = arith.addf %mul3A_587, %reduce_sum3A_591 : f32
      %sub3A_593 = arith.constant 3.072000e+03 : f32
      %sub3A_594 = arith.subf %sub3A_593, %add3A_592 : f32
      %jit3A_595 = arith.constant 16 : i32
      %div3A_596 = arith.divsi %add3A_474, %jit3A_595 : i32
      %sign3A_597 = arith.constant 0 : i32
      %sign3A_598 = arith.cmpi sgt, %add3A_474, %sign3A_597 : i32
      %sign3A_599 = arith.extui %sign3A_598 : i1 to i32
      %sign3A_600 = arith.constant 0 : i32
      %sign3A_601 = arith.cmpi slt, %add3A_474, %sign3A_600 : i32
      %sign3A_602 = arith.extui %sign3A_601 : i1 to i32
      %sign3A_603 = arith.subi %sign3A_599, %sign3A_602 : i32
      %sign3A_604 = arith.constant 0 : i32
      %sign3A_605 = arith.cmpi sgt, %jit3A_595, %sign3A_604 : i32
      %sign3A_606 = arith.extui %sign3A_605 : i1 to i32
      %sign3A_607 = arith.constant 0 : i32
      %sign3A_608 = arith.cmpi slt, %jit3A_595, %sign3A_607 : i32
      %sign3A_609 = arith.extui %sign3A_608 : i1 to i32
      %sign3A_610 = arith.subi %sign3A_606, %sign3A_609 : i32
      %ne3A_611 = arith.cmpi ne, %sign3A_603, %sign3A_610 : i32
      %rem3A_612 = arith.remsi %add3A_474, %jit3A_595 : i32
      %ne3A_613 = arith.constant 0 : i32
      %ne3A_614 = arith.cmpi ne, %rem3A_612, %ne3A_613 : i32
      %and3A_615 = arith.andi %ne3A_611, %ne3A_614 : i1
      %sub3A_616 = arith.constant 1 : i32
      %sub3A_617 = arith.subi %div3A_596, %sub3A_616 : i32
      %select_n3A_618 = arith.select %and3A_615, %sub3A_617, %div3A_596 : i32
      %jit3A_619 = arith.constant 16 : i32
      %eq3A_620 = arith.constant 0 : i32
      %eq3A_621 = arith.cmpi eq, %jit3A_619, %eq3A_620 : i32
      %jit3A_622 = arith.constant 1 : i32
      %select_n3A_623 = arith.select %eq3A_621, %jit3A_622, %jit3A_619 : i32
      %rem3A_624 = arith.remsi %add3A_474, %select_n3A_623 : i32
      %ne3A_625 = arith.constant 0 : i32
      %ne3A_626 = arith.cmpi ne, %rem3A_624, %ne3A_625 : i32
      %lt3A_627 = arith.constant 0 : i32
      %lt3A_628 = arith.cmpi slt, %rem3A_624, %lt3A_627 : i32
      %lt3A_629 = arith.constant 0 : i32
      %lt3A_630 = arith.cmpi slt, %select_n3A_623, %lt3A_629 : i32
      %ne3A_631 = arith.xori %lt3A_628, %lt3A_630 : i1
      %and3A_632 = arith.andi %ne3A_631, %ne3A_626 : i1
      %add3A_633 = arith.addi %rem3A_624, %select_n3A_623 : i32
      %select_n3A_634 = arith.select %and3A_632, %add3A_633, %rem3A_624 : i32
      %eq3A_635 = arith.constant 0 : i32
      %eq3A_636 = arith.cmpi eq, %select_n3A_618, %eq3A_635 : i32
      %eq3A_637 = vector.broadcast %select_n3A_634 : i32 to vector<16xi32>
      %eq3A_638 = arith.cmpi eq, %iota3A, %eq3A_637 : vector<16xi32>
      %and3A_639 = vector.broadcast %eq3A_636 : i1 to vector<16xi1>
      %and3A_640 = arith.andi %and3A_639, %eq3A_638 : vector<16xi1>
      %broadcast_in_dim3A_641 = vector.broadcast %sub3A_594 : f32 to vector<16xf32>
      %select_n3A_642 = arith.select %and3A_640, %broadcast_in_dim3A_641, %select_n3A_388 : vector<16xi1>, vector<16xf32>
      %eq3A_643 = arith.constant 1 : i32
      %eq3A_644 = arith.cmpi eq, %select_n3A_618, %eq3A_643 : i32
      %eq3A_645 = vector.broadcast %select_n3A_634 : i32 to vector<16xi32>
      %eq3A_646 = arith.cmpi eq, %iota3A, %eq3A_645 : vector<16xi32>
      %and3A_647 = vector.broadcast %eq3A_644 : i1 to vector<16xi1>
      %and3A_648 = arith.andi %and3A_647, %eq3A_646 : vector<16xi1>
      %broadcast_in_dim3A_649 = vector.broadcast %sub3A_594 : f32 to vector<16xf32>
      %select_n3A_650 = arith.select %and3A_648, %broadcast_in_dim3A_649, %select_n3A_396 : vector<16xi1>, vector<16xf32>
      %eq3A_651 = arith.constant 2 : i32
      %eq3A_652 = arith.cmpi eq, %select_n3A_618, %eq3A_651 : i32
      %eq3A_653 = vector.broadcast %select_n3A_634 : i32 to vector<16xi32>
      %eq3A_654 = arith.cmpi eq, %iota3A, %eq3A_653 : vector<16xi32>
      %and3A_655 = vector.broadcast %eq3A_652 : i1 to vector<16xi1>
      %and3A_656 = arith.andi %and3A_655, %eq3A_654 : vector<16xi1>
      %broadcast_in_dim3A_657 = vector.broadcast %sub3A_594 : f32 to vector<16xf32>
      %select_n3A_658 = arith.select %and3A_656, %broadcast_in_dim3A_657, %select_n3A_404 : vector<16xi1>, vector<16xf32>
      %eq3A_659 = arith.constant 3 : i32
      %eq3A_660 = arith.cmpi eq, %select_n3A_618, %eq3A_659 : i32
      %eq3A_661 = vector.broadcast %select_n3A_634 : i32 to vector<16xi32>
      %eq3A_662 = arith.cmpi eq, %iota3A, %eq3A_661 : vector<16xi32>
      %and3A_663 = vector.broadcast %eq3A_660 : i1 to vector<16xi1>
      %and3A_664 = arith.andi %and3A_663, %eq3A_662 : vector<16xi1>
      %broadcast_in_dim3A_665 = vector.broadcast %sub3A_594 : f32 to vector<16xf32>
      %select_n3A_666 = arith.select %and3A_664, %broadcast_in_dim3A_665, %select_n3A_412 : vector<16xi1>, vector<16xf32>
      scf.yield %select_n3A_642, %select_n3A_650, %select_n3A_658, %select_n3A_666 : vector<16xf32>, vector<16xf32>, vector<16xf32>, vector<16xf32>
    }
    %scan3A_73 = arith.constant 25 : i32
    %swap3A = arith.constant 0 : index
    %swap3A_74 = tpu.vector_load %arg10[%swap3A] {strides = array<i32>} : memref<64xf32, #tpu.memory_space<vmem>>, vector<16xf32>,
    tpu.vector_store %arg10[%swap3A], %scan3A_72#0 {strides = array<i32>} : memref<64xf32, #tpu.memory_space<vmem>>, vector<16xf32>,
    %swap3A_75 = arith.constant 16 : index
    %swap3A_76 = tpu.vector_load %arg10[%swap3A_75] {strides = array<i32>} : memref<64xf32, #tpu.memory_space<vmem>>, vector<16xf32>,
    tpu.vector_store %arg10[%swap3A_75], %scan3A_72#1 {strides = array<i32>} : memref<64xf32, #tpu.memory_space<vmem>>, vector<16xf32>,
    %swap3A_77 = arith.constant 32 : index
    %swap3A_78 = tpu.vector_load %arg10[%swap3A_77] {strides = array<i32>} : memref<64xf32, #tpu.memory_space<vmem>>, vector<16xf32>,
    tpu.vector_store %arg10[%swap3A_77], %scan3A_72#2 {strides = array<i32>} : memref<64xf32, #tpu.memory_space<vmem>>, vector<16xf32>,
    %swap3A_79 = arith.constant 48 : index
    %swap3A_80 = tpu.vector_load %arg10[%swap3A_79] {strides = array<i32>} : memref<64xf32, #tpu.memory_space<vmem>>, vector<16xf32>,
    tpu.vector_store %arg10[%swap3A_79], %scan3A_72#3 {strides = array<i32>} : memref<64xf32, #tpu.memory_space<vmem>>, vector<16xf32>,
    "tpu.region"() ({
      %run_scoped3A = tpu.sem_alloc : memref<!tpu.dma_semaphore, #tpu.memory_space<semaphore_mem>>
      %dma_start3A_81 = arith.constant 0 : i32
      %dma_start3A_82 = tpu.memref_slice %arg5[%add3A, %dma_start3A_81] : memref<32x64xf32, #tpu.memory_space<hbm>> -> memref<1x64xf32, #tpu.memory_space<hbm>>
      %dma_start3A_83 = tpu.memref_squeeze %dma_start3A_82 : memref<1x64xf32, #tpu.memory_space<hbm>> -> memref<64xf32, #tpu.memory_space<hbm>>
      %dma_start3A_84 = arith.constant 0 : i32
      %dma_start3A_85 = tpu.memref_slice %arg5[%add3A, %dma_start3A_84] : memref<32x64xf32, #tpu.memory_space<hbm>> -> memref<1x64xf32, #tpu.memory_space<hbm>>
      %dma_start3A_86 = tpu.memref_squeeze %dma_start3A_85 : memref<1x64xf32, #tpu.memory_space<hbm>> -> memref<64xf32, #tpu.memory_space<hbm>>
      tpu.enqueue_dma source(%arg10 : memref<64xf32, #tpu.memory_space<vmem>>) target(%dma_start3A_86 : memref<64xf32, #tpu.memory_space<hbm>>) target_semaphore(%run_scoped3A : memref<!tpu.dma_semaphore, #tpu.memory_space<semaphore_mem>>)
      %dma_wait3A = arith.constant 0 : i32
      %dma_wait3A_87 = tpu.memref_slice %arg5[%add3A, %dma_wait3A] : memref<32x64xf32, #tpu.memory_space<hbm>> -> memref<1x64xf32, #tpu.memory_space<hbm>>
      %dma_wait3A_88 = tpu.memref_squeeze %dma_wait3A_87 : memref<1x64xf32, #tpu.memory_space<hbm>> -> memref<64xf32, #tpu.memory_space<hbm>>
      %dma_wait3A_89 = arith.constant 0 : i32
      %dma_wait3A_90 = tpu.memref_slice %arg5[%add3A, %dma_wait3A_89] : memref<32x64xf32, #tpu.memory_space<hbm>> -> memref<1x64xf32, #tpu.memory_space<hbm>>
      %dma_wait3A_91 = tpu.memref_squeeze %dma_wait3A_90 : memref<1x64xf32, #tpu.memory_space<hbm>> -> memref<64xf32, #tpu.memory_space<hbm>>
      tpu.wait_dma2 semaphore(%run_scoped3A : memref<!tpu.dma_semaphore, #tpu.memory_space<semaphore_mem>>) src(%arg10 : memref<64xf32, #tpu.memory_space<vmem>>) dst(%dma_wait3A_91 : memref<64xf32, #tpu.memory_space<hbm>>)
      tpu.yield
    }) : () -> ()
    return
  }
}

module attributes {stable_mosaic.version = 14 : i64} {
  func.func @_tc_body(%arg0: memref<1664xf32, #tpu.memory_space<vmem>>, %arg1: memref<1664xi32, #tpu.memory_space<vmem>>, %arg2: memref<1664xi32, #tpu.memory_space<vmem>>, %arg3: memref<256x4096xf32, #tpu.memory_space<vmem>>, %arg4: memref<512x1024xf32, #tpu.memory_space<vmem>>, %arg5: memref<256x256xf32, #tpu.memory_space<vmem>>, %arg6: memref<256xf32, #tpu.memory_space<vmem>>, %arg7: memref<256x256xf32, #tpu.memory_space<vmem>>, %arg8: memref<256xf32, #tpu.memory_space<vmem>>, %arg9: memref<512x256xf32, #tpu.memory_space<vmem>>, %arg10: memref<256xf32, #tpu.memory_space<vmem>>, %arg11: memref<256x256xf32, #tpu.memory_space<vmem>>, %arg12: memref<256xf32, #tpu.memory_space<vmem>>, %arg13: memref<256x256xf32, #tpu.memory_space<vmem>>, %arg14: memref<256x256xf32, #tpu.memory_space<vmem>>, %arg15: memref<256x2xi32, #tpu.memory_space<vmem>>, %arg16: memref<1664xf32, #tpu.memory_space<vmem>>) attributes {dimension_semantics = [], scalar_prefetch = 0 : i64, scratch_operands = 1 : i64, tpu.core_type = #tpu.core_type<tc>} {
    %get3A = arith.constant 0 : index
    %get3A_0 = vector.load %arg0[%get3A] : memref<1664xf32, #tpu.memory_space<vmem>>, vector<1664xf32>
    %iota3A = tpu.iota {dimensions = array<i32: 1>} : vector<16x1664xi32>
    %scan3A = arith.constant 0 : i32
    %scan3A_1 = arith.constant 13 : i32
    %scan3A_2 = arith.addi %scan3A, %scan3A_1 : i32
    %scan3A_3 = arith.constant 1 : i32
    scf.for %scan3A_231 = %scan3A to %scan3A_2 step %scan3A_3  : i32 {
      %mul3A_232 = arith.constant 128 : i32
      %mul3A_233 = arith.muli %scan3A_231, %mul3A_232 : i32
      %multiple_of3A = tpu.assume_multiple %mul3A_233, 128 : i32
      %get3A_234 = arith.index_cast %multiple_of3A : i32 to index
      %get3A_235 = vector.load %arg0[%get3A_234] : memref<1664xf32, #tpu.memory_space<vmem>>, vector<128xf32>
      %slice3A = vector.extract_strided_slice %get3A_235 {offsets = [0], sizes = [16], strides = [1]} : vector<128xf32> to vector<16xf32>
      %broadcast_in_dim3A_236 = vector.shape_cast %slice3A : vector<16xf32> to vector<16x1xf32>
      %mul3A_237 = arith.constant 128 : i32
      %mul3A_238 = arith.muli %scan3A_231, %mul3A_237 : i32
      %add3A_239 = arith.constant 0 : i32
      %add3A_240 = arith.addi %mul3A_238, %add3A_239 : i32
      %iota3A_241 = tpu.iota {dimensions = array<i32: 0>} : vector<16x1xi32>
      %add3A_242 = vector.broadcast %add3A_240 : i32 to vector<16x1xi32>
      %add3A_243 = arith.addi %add3A_242, %iota3A_241 : vector<16x1xi32>
      %broadcast_in_dim3A_244 = vector.shape_cast %get3A_0 : vector<1664xf32> to vector<1x1664xf32>
      %lt3A = vector.broadcast %broadcast_in_dim3A_244 : vector<1x1664xf32> to vector<16x1664xf32>
      %lt3A_245 = vector.broadcast %broadcast_in_dim3A_236 : vector<16x1xf32> to vector<16x1664xf32>
      %lt3A_246 = arith.cmpf olt, %lt3A, %lt3A_245 : vector<16x1664xf32>
      %broadcast_in_dim3A_247 = vector.shape_cast %get3A_0 : vector<1664xf32> to vector<1x1664xf32>
      %eq3A_248 = vector.broadcast %broadcast_in_dim3A_247 : vector<1x1664xf32> to vector<16x1664xf32>
      %eq3A_249 = vector.broadcast %broadcast_in_dim3A_236 : vector<16x1xf32> to vector<16x1664xf32>
      %eq3A_250 = arith.cmpf oeq, %eq3A_248, %eq3A_249 : vector<16x1664xf32>
      %lt3A_251 = vector.broadcast %add3A_243 : vector<16x1xi32> to vector<16x1664xi32>
      %lt3A_252 = arith.cmpi slt, %iota3A, %lt3A_251 : vector<16x1664xi32>
      %and3A_253 = arith.andi %eq3A_250, %lt3A_252 : vector<16x1664xi1>
      %or3A = arith.ori %lt3A_246, %and3A_253 : vector<16x1664xi1>
      %convert_element_type3A_254 = arith.extui %or3A : vector<16x1664xi1> to vector<16x1664xi32>
      %convert_element_type3A_255 = arith.sitofp %convert_element_type3A_254 : vector<16x1664xi32> to vector<16x1664xf32>
      %reduce_sum3A_256 = arith.constant dense<0.000000e+00> : vector<16xf32>
      %reduce_sum3A_257 = vector.multi_reduction <add>, %convert_element_type3A_255, %reduce_sum3A_256 [1] : vector<16x1664xf32> to vector<16xf32>
      %slice3A_258 = vector.extract_strided_slice %get3A_235 {offsets = [16], sizes = [16], strides = [1]} : vector<128xf32> to vector<16xf32>
      %broadcast_in_dim3A_259 = vector.shape_cast %slice3A_258 : vector<16xf32> to vector<16x1xf32>
      %mul3A_260 = arith.constant 128 : i32
      %mul3A_261 = arith.muli %scan3A_231, %mul3A_260 : i32
      %add3A_262 = arith.constant 16 : i32
      %add3A_263 = arith.addi %mul3A_261, %add3A_262 : i32
      %iota3A_264 = tpu.iota {dimensions = array<i32: 0>} : vector<16x1xi32>
      %add3A_265 = vector.broadcast %add3A_263 : i32 to vector<16x1xi32>
      %add3A_266 = arith.addi %add3A_265, %iota3A_264 : vector<16x1xi32>
      %broadcast_in_dim3A_267 = vector.shape_cast %get3A_0 : vector<1664xf32> to vector<1x1664xf32>
      %lt3A_268 = vector.broadcast %broadcast_in_dim3A_267 : vector<1x1664xf32> to vector<16x1664xf32>
      %lt3A_269 = vector.broadcast %broadcast_in_dim3A_259 : vector<16x1xf32> to vector<16x1664xf32>
      %lt3A_270 = arith.cmpf olt, %lt3A_268, %lt3A_269 : vector<16x1664xf32>
      %broadcast_in_dim3A_271 = vector.shape_cast %get3A_0 : vector<1664xf32> to vector<1x1664xf32>
      %eq3A_272 = vector.broadcast %broadcast_in_dim3A_271 : vector<1x1664xf32> to vector<16x1664xf32>
      %eq3A_273 = vector.broadcast %broadcast_in_dim3A_259 : vector<16x1xf32> to vector<16x1664xf32>
      %eq3A_274 = arith.cmpf oeq, %eq3A_272, %eq3A_273 : vector<16x1664xf32>
      %lt3A_275 = vector.broadcast %add3A_266 : vector<16x1xi32> to vector<16x1664xi32>
      %lt3A_276 = arith.cmpi slt, %iota3A, %lt3A_275 : vector<16x1664xi32>
      %and3A_277 = arith.andi %eq3A_274, %lt3A_276 : vector<16x1664xi1>
      %or3A_278 = arith.ori %lt3A_270, %and3A_277 : vector<16x1664xi1>
      %convert_element_type3A_279 = arith.extui %or3A_278 : vector<16x1664xi1> to vector<16x1664xi32>
      %convert_element_type3A_280 = arith.sitofp %convert_element_type3A_279 : vector<16x1664xi32> to vector<16x1664xf32>
      %reduce_sum3A_281 = arith.constant dense<0.000000e+00> : vector<16xf32>
      %reduce_sum3A_282 = vector.multi_reduction <add>, %convert_element_type3A_280, %reduce_sum3A_281 [1] : vector<16x1664xf32> to vector<16xf32>
      %slice3A_283 = vector.extract_strided_slice %get3A_235 {offsets = [32], sizes = [16], strides = [1]} : vector<128xf32> to vector<16xf32>
      %broadcast_in_dim3A_284 = vector.shape_cast %slice3A_283 : vector<16xf32> to vector<16x1xf32>
      %mul3A_285 = arith.constant 128 : i32
      %mul3A_286 = arith.muli %scan3A_231, %mul3A_285 : i32
      %add3A_287 = arith.constant 32 : i32
      %add3A_288 = arith.addi %mul3A_286, %add3A_287 : i32
      %iota3A_289 = tpu.iota {dimensions = array<i32: 0>} : vector<16x1xi32>
      %add3A_290 = vector.broadcast %add3A_288 : i32 to vector<16x1xi32>
      %add3A_291 = arith.addi %add3A_290, %iota3A_289 : vector<16x1xi32>
      %broadcast_in_dim3A_292 = vector.shape_cast %get3A_0 : vector<1664xf32> to vector<1x1664xf32>
      %lt3A_293 = vector.broadcast %broadcast_in_dim3A_292 : vector<1x1664xf32> to vector<16x1664xf32>
      %lt3A_294 = vector.broadcast %broadcast_in_dim3A_284 : vector<16x1xf32> to vector<16x1664xf32>
      %lt3A_295 = arith.cmpf olt, %lt3A_293, %lt3A_294 : vector<16x1664xf32>
      %broadcast_in_dim3A_296 = vector.shape_cast %get3A_0 : vector<1664xf32> to vector<1x1664xf32>
      %eq3A_297 = vector.broadcast %broadcast_in_dim3A_296 : vector<1x1664xf32> to vector<16x1664xf32>
      %eq3A_298 = vector.broadcast %broadcast_in_dim3A_284 : vector<16x1xf32> to vector<16x1664xf32>
      %eq3A_299 = arith.cmpf oeq, %eq3A_297, %eq3A_298 : vector<16x1664xf32>
      %lt3A_300 = vector.broadcast %add3A_291 : vector<16x1xi32> to vector<16x1664xi32>
      %lt3A_301 = arith.cmpi slt, %iota3A, %lt3A_300 : vector<16x1664xi32>
      %and3A_302 = arith.andi %eq3A_299, %lt3A_301 : vector<16x1664xi1>
      %or3A_303 = arith.ori %lt3A_295, %and3A_302 : vector<16x1664xi1>
      %convert_element_type3A_304 = arith.extui %or3A_303 : vector<16x1664xi1> to vector<16x1664xi32>
      %convert_element_type3A_305 = arith.sitofp %convert_element_type3A_304 : vector<16x1664xi32> to vector<16x1664xf32>
      %reduce_sum3A_306 = arith.constant dense<0.000000e+00> : vector<16xf32>
      %reduce_sum3A_307 = vector.multi_reduction <add>, %convert_element_type3A_305, %reduce_sum3A_306 [1] : vector<16x1664xf32> to vector<16xf32>
      %slice3A_308 = vector.extract_strided_slice %get3A_235 {offsets = [48], sizes = [16], strides = [1]} : vector<128xf32> to vector<16xf32>
      %broadcast_in_dim3A_309 = vector.shape_cast %slice3A_308 : vector<16xf32> to vector<16x1xf32>
      %mul3A_310 = arith.constant 128 : i32
      %mul3A_311 = arith.muli %scan3A_231, %mul3A_310 : i32
      %add3A_312 = arith.constant 48 : i32
      %add3A_313 = arith.addi %mul3A_311, %add3A_312 : i32
      %iota3A_314 = tpu.iota {dimensions = array<i32: 0>} : vector<16x1xi32>
      %add3A_315 = vector.broadcast %add3A_313 : i32 to vector<16x1xi32>
      %add3A_316 = arith.addi %add3A_315, %iota3A_314 : vector<16x1xi32>
      %broadcast_in_dim3A_317 = vector.shape_cast %get3A_0 : vector<1664xf32> to vector<1x1664xf32>
      %lt3A_318 = vector.broadcast %broadcast_in_dim3A_317 : vector<1x1664xf32> to vector<16x1664xf32>
      %lt3A_319 = vector.broadcast %broadcast_in_dim3A_309 : vector<16x1xf32> to vector<16x1664xf32>
      %lt3A_320 = arith.cmpf olt, %lt3A_318, %lt3A_319 : vector<16x1664xf32>
      %broadcast_in_dim3A_321 = vector.shape_cast %get3A_0 : vector<1664xf32> to vector<1x1664xf32>
      %eq3A_322 = vector.broadcast %broadcast_in_dim3A_321 : vector<1x1664xf32> to vector<16x1664xf32>
      %eq3A_323 = vector.broadcast %broadcast_in_dim3A_309 : vector<16x1xf32> to vector<16x1664xf32>
      %eq3A_324 = arith.cmpf oeq, %eq3A_322, %eq3A_323 : vector<16x1664xf32>
      %lt3A_325 = vector.broadcast %add3A_316 : vector<16x1xi32> to vector<16x1664xi32>
      %lt3A_326 = arith.cmpi slt, %iota3A, %lt3A_325 : vector<16x1664xi32>
      %and3A_327 = arith.andi %eq3A_324, %lt3A_326 : vector<16x1664xi1>
      %or3A_328 = arith.ori %lt3A_320, %and3A_327 : vector<16x1664xi1>
      %convert_element_type3A_329 = arith.extui %or3A_328 : vector<16x1664xi1> to vector<16x1664xi32>
      %convert_element_type3A_330 = arith.sitofp %convert_element_type3A_329 : vector<16x1664xi32> to vector<16x1664xf32>
      %reduce_sum3A_331 = arith.constant dense<0.000000e+00> : vector<16xf32>
      %reduce_sum3A_332 = vector.multi_reduction <add>, %convert_element_type3A_330, %reduce_sum3A_331 [1] : vector<16x1664xf32> to vector<16xf32>
      %slice3A_333 = vector.extract_strided_slice %get3A_235 {offsets = [64], sizes = [16], strides = [1]} : vector<128xf32> to vector<16xf32>
      %broadcast_in_dim3A_334 = vector.shape_cast %slice3A_333 : vector<16xf32> to vector<16x1xf32>
      %mul3A_335 = arith.constant 128 : i32
      %mul3A_336 = arith.muli %scan3A_231, %mul3A_335 : i32
      %add3A_337 = arith.constant 64 : i32
      %add3A_338 = arith.addi %mul3A_336, %add3A_337 : i32
      %iota3A_339 = tpu.iota {dimensions = array<i32: 0>} : vector<16x1xi32>
      %add3A_340 = vector.broadcast %add3A_338 : i32 to vector<16x1xi32>
      %add3A_341 = arith.addi %add3A_340, %iota3A_339 : vector<16x1xi32>
      %broadcast_in_dim3A_342 = vector.shape_cast %get3A_0 : vector<1664xf32> to vector<1x1664xf32>
      %lt3A_343 = vector.broadcast %broadcast_in_dim3A_342 : vector<1x1664xf32> to vector<16x1664xf32>
      %lt3A_344 = vector.broadcast %broadcast_in_dim3A_334 : vector<16x1xf32> to vector<16x1664xf32>
      %lt3A_345 = arith.cmpf olt, %lt3A_343, %lt3A_344 : vector<16x1664xf32>
      %broadcast_in_dim3A_346 = vector.shape_cast %get3A_0 : vector<1664xf32> to vector<1x1664xf32>
      %eq3A_347 = vector.broadcast %broadcast_in_dim3A_346 : vector<1x1664xf32> to vector<16x1664xf32>
      %eq3A_348 = vector.broadcast %broadcast_in_dim3A_334 : vector<16x1xf32> to vector<16x1664xf32>
      %eq3A_349 = arith.cmpf oeq, %eq3A_347, %eq3A_348 : vector<16x1664xf32>
      %lt3A_350 = vector.broadcast %add3A_341 : vector<16x1xi32> to vector<16x1664xi32>
      %lt3A_351 = arith.cmpi slt, %iota3A, %lt3A_350 : vector<16x1664xi32>
      %and3A_352 = arith.andi %eq3A_349, %lt3A_351 : vector<16x1664xi1>
      %or3A_353 = arith.ori %lt3A_345, %and3A_352 : vector<16x1664xi1>
      %convert_element_type3A_354 = arith.extui %or3A_353 : vector<16x1664xi1> to vector<16x1664xi32>
      %convert_element_type3A_355 = arith.sitofp %convert_element_type3A_354 : vector<16x1664xi32> to vector<16x1664xf32>
      %reduce_sum3A_356 = arith.constant dense<0.000000e+00> : vector<16xf32>
      %reduce_sum3A_357 = vector.multi_reduction <add>, %convert_element_type3A_355, %reduce_sum3A_356 [1] : vector<16x1664xf32> to vector<16xf32>
      %slice3A_358 = vector.extract_strided_slice %get3A_235 {offsets = [80], sizes = [16], strides = [1]} : vector<128xf32> to vector<16xf32>
      %broadcast_in_dim3A_359 = vector.shape_cast %slice3A_358 : vector<16xf32> to vector<16x1xf32>
      %mul3A_360 = arith.constant 128 : i32
      %mul3A_361 = arith.muli %scan3A_231, %mul3A_360 : i32
      %add3A_362 = arith.constant 80 : i32
      %add3A_363 = arith.addi %mul3A_361, %add3A_362 : i32
      %iota3A_364 = tpu.iota {dimensions = array<i32: 0>} : vector<16x1xi32>
      %add3A_365 = vector.broadcast %add3A_363 : i32 to vector<16x1xi32>
      %add3A_366 = arith.addi %add3A_365, %iota3A_364 : vector<16x1xi32>
      %broadcast_in_dim3A_367 = vector.shape_cast %get3A_0 : vector<1664xf32> to vector<1x1664xf32>
      %lt3A_368 = vector.broadcast %broadcast_in_dim3A_367 : vector<1x1664xf32> to vector<16x1664xf32>
      %lt3A_369 = vector.broadcast %broadcast_in_dim3A_359 : vector<16x1xf32> to vector<16x1664xf32>
      %lt3A_370 = arith.cmpf olt, %lt3A_368, %lt3A_369 : vector<16x1664xf32>
      %broadcast_in_dim3A_371 = vector.shape_cast %get3A_0 : vector<1664xf32> to vector<1x1664xf32>
      %eq3A_372 = vector.broadcast %broadcast_in_dim3A_371 : vector<1x1664xf32> to vector<16x1664xf32>
      %eq3A_373 = vector.broadcast %broadcast_in_dim3A_359 : vector<16x1xf32> to vector<16x1664xf32>
      %eq3A_374 = arith.cmpf oeq, %eq3A_372, %eq3A_373 : vector<16x1664xf32>
      %lt3A_375 = vector.broadcast %add3A_366 : vector<16x1xi32> to vector<16x1664xi32>
      %lt3A_376 = arith.cmpi slt, %iota3A, %lt3A_375 : vector<16x1664xi32>
      %and3A_377 = arith.andi %eq3A_374, %lt3A_376 : vector<16x1664xi1>
      %or3A_378 = arith.ori %lt3A_370, %and3A_377 : vector<16x1664xi1>
      %convert_element_type3A_379 = arith.extui %or3A_378 : vector<16x1664xi1> to vector<16x1664xi32>
      %convert_element_type3A_380 = arith.sitofp %convert_element_type3A_379 : vector<16x1664xi32> to vector<16x1664xf32>
      %reduce_sum3A_381 = arith.constant dense<0.000000e+00> : vector<16xf32>
      %reduce_sum3A_382 = vector.multi_reduction <add>, %convert_element_type3A_380, %reduce_sum3A_381 [1] : vector<16x1664xf32> to vector<16xf32>
      %slice3A_383 = vector.extract_strided_slice %get3A_235 {offsets = [96], sizes = [16], strides = [1]} : vector<128xf32> to vector<16xf32>
      %broadcast_in_dim3A_384 = vector.shape_cast %slice3A_383 : vector<16xf32> to vector<16x1xf32>
      %mul3A_385 = arith.constant 128 : i32
      %mul3A_386 = arith.muli %scan3A_231, %mul3A_385 : i32
      %add3A_387 = arith.constant 96 : i32
      %add3A_388 = arith.addi %mul3A_386, %add3A_387 : i32
      %iota3A_389 = tpu.iota {dimensions = array<i32: 0>} : vector<16x1xi32>
      %add3A_390 = vector.broadcast %add3A_388 : i32 to vector<16x1xi32>
      %add3A_391 = arith.addi %add3A_390, %iota3A_389 : vector<16x1xi32>
      %broadcast_in_dim3A_392 = vector.shape_cast %get3A_0 : vector<1664xf32> to vector<1x1664xf32>
      %lt3A_393 = vector.broadcast %broadcast_in_dim3A_392 : vector<1x1664xf32> to vector<16x1664xf32>
      %lt3A_394 = vector.broadcast %broadcast_in_dim3A_384 : vector<16x1xf32> to vector<16x1664xf32>
      %lt3A_395 = arith.cmpf olt, %lt3A_393, %lt3A_394 : vector<16x1664xf32>
      %broadcast_in_dim3A_396 = vector.shape_cast %get3A_0 : vector<1664xf32> to vector<1x1664xf32>
      %eq3A_397 = vector.broadcast %broadcast_in_dim3A_396 : vector<1x1664xf32> to vector<16x1664xf32>
      %eq3A_398 = vector.broadcast %broadcast_in_dim3A_384 : vector<16x1xf32> to vector<16x1664xf32>
      %eq3A_399 = arith.cmpf oeq, %eq3A_397, %eq3A_398 : vector<16x1664xf32>
      %lt3A_400 = vector.broadcast %add3A_391 : vector<16x1xi32> to vector<16x1664xi32>
      %lt3A_401 = arith.cmpi slt, %iota3A, %lt3A_400 : vector<16x1664xi32>
      %and3A_402 = arith.andi %eq3A_399, %lt3A_401 : vector<16x1664xi1>
      %or3A_403 = arith.ori %lt3A_395, %and3A_402 : vector<16x1664xi1>
      %convert_element_type3A_404 = arith.extui %or3A_403 : vector<16x1664xi1> to vector<16x1664xi32>
      %convert_element_type3A_405 = arith.sitofp %convert_element_type3A_404 : vector<16x1664xi32> to vector<16x1664xf32>
      %reduce_sum3A_406 = arith.constant dense<0.000000e+00> : vector<16xf32>
      %reduce_sum3A_407 = vector.multi_reduction <add>, %convert_element_type3A_405, %reduce_sum3A_406 [1] : vector<16x1664xf32> to vector<16xf32>
      %slice3A_408 = vector.extract_strided_slice %get3A_235 {offsets = [112], sizes = [16], strides = [1]} : vector<128xf32> to vector<16xf32>
      %broadcast_in_dim3A_409 = vector.shape_cast %slice3A_408 : vector<16xf32> to vector<16x1xf32>
      %mul3A_410 = arith.constant 128 : i32
      %mul3A_411 = arith.muli %scan3A_231, %mul3A_410 : i32
      %add3A_412 = arith.constant 112 : i32
      %add3A_413 = arith.addi %mul3A_411, %add3A_412 : i32
      %iota3A_414 = tpu.iota {dimensions = array<i32: 0>} : vector<16x1xi32>
      %add3A_415 = vector.broadcast %add3A_413 : i32 to vector<16x1xi32>
      %add3A_416 = arith.addi %add3A_415, %iota3A_414 : vector<16x1xi32>
      %broadcast_in_dim3A_417 = vector.shape_cast %get3A_0 : vector<1664xf32> to vector<1x1664xf32>
      %lt3A_418 = vector.broadcast %broadcast_in_dim3A_417 : vector<1x1664xf32> to vector<16x1664xf32>
      %lt3A_419 = vector.broadcast %broadcast_in_dim3A_409 : vector<16x1xf32> to vector<16x1664xf32>
      %lt3A_420 = arith.cmpf olt, %lt3A_418, %lt3A_419 : vector<16x1664xf32>
      %broadcast_in_dim3A_421 = vector.shape_cast %get3A_0 : vector<1664xf32> to vector<1x1664xf32>
      %eq3A_422 = vector.broadcast %broadcast_in_dim3A_421 : vector<1x1664xf32> to vector<16x1664xf32>
      %eq3A_423 = vector.broadcast %broadcast_in_dim3A_409 : vector<16x1xf32> to vector<16x1664xf32>
      %eq3A_424 = arith.cmpf oeq, %eq3A_422, %eq3A_423 : vector<16x1664xf32>
      %lt3A_425 = vector.broadcast %add3A_416 : vector<16x1xi32> to vector<16x1664xi32>
      %lt3A_426 = arith.cmpi slt, %iota3A, %lt3A_425 : vector<16x1664xi32>
      %and3A_427 = arith.andi %eq3A_424, %lt3A_426 : vector<16x1664xi1>
      %or3A_428 = arith.ori %lt3A_420, %and3A_427 : vector<16x1664xi1>
      %convert_element_type3A_429 = arith.extui %or3A_428 : vector<16x1664xi1> to vector<16x1664xi32>
      %convert_element_type3A_430 = arith.sitofp %convert_element_type3A_429 : vector<16x1664xi32> to vector<16x1664xf32>
      %reduce_sum3A_431 = arith.constant dense<0.000000e+00> : vector<16xf32>
      %reduce_sum3A_432 = vector.multi_reduction <add>, %convert_element_type3A_430, %reduce_sum3A_431 [1] : vector<16x1664xf32> to vector<16xf32>
      %concatenate3A = tpu.concatenate %reduce_sum3A_257, %reduce_sum3A_282, %reduce_sum3A_307, %reduce_sum3A_332, %reduce_sum3A_357, %reduce_sum3A_382, %reduce_sum3A_407, %reduce_sum3A_432 in 0 : vector<16xf32>, vector<16xf32>, vector<16xf32>, vector<16xf32>, vector<16xf32>, vector<16xf32>, vector<16xf32>, vector<16xf32> -> vector<128xf32>
      %swap3A_433 = arith.index_cast %multiple_of3A : i32 to index
      %swap3A_434 = vector.load %arg16[%swap3A_433] : memref<1664xf32, #tpu.memory_space<vmem>>, vector<128xf32>
      tpu.vector_store %arg16[%swap3A_433], %concatenate3A {strides = array<i32>} : memref<1664xf32, #tpu.memory_space<vmem>>, vector<128xf32>,
    }
    %scan3A_4 = arith.constant 13 : i32
    %iota3A_5 = tpu.iota {dimensions = array<i32: 0>} : vector<256x1xi32>
    %convert_element_type3A = arith.sitofp %iota3A_5 : vector<256x1xi32> to vector<256x1xf32>
    %broadcast_in_dim3A = arith.constant 0 : i32
    %broadcast_in_dim3A_6 = vector.broadcast %broadcast_in_dim3A : i32 to vector<256xi32>
    %scan3A_7 = arith.constant 0 : i32
    %scan3A_8 = arith.constant 13 : i32
    %scan3A_9 = arith.addi %scan3A_7, %scan3A_8 : i32
    %scan3A_10 = arith.constant 1 : i32
    %scan3A_11:2 = scf.for %scan3A_231 = %scan3A_7 to %scan3A_9 step %scan3A_10 iter_args(%scan3A_232 = %broadcast_in_dim3A_6, %scan3A_233 = %broadcast_in_dim3A_6) -> (vector<256xi32>, vector<256xi32>)  : i32 {
      %mul3A_234 = arith.constant 128 : i32
      %mul3A_235 = arith.muli %scan3A_231, %mul3A_234 : i32
      %multiple_of3A = tpu.assume_multiple %mul3A_235, 128 : i32
      %get3A_236 = arith.index_cast %multiple_of3A : i32 to index
      %get3A_237 = vector.load %arg16[%get3A_236] : memref<1664xf32, #tpu.memory_space<vmem>>, vector<128xf32>
      %broadcast_in_dim3A_238 = vector.shape_cast %get3A_237 : vector<128xf32> to vector<1x128xf32>
      %eq3A_239 = vector.broadcast %broadcast_in_dim3A_238 : vector<1x128xf32> to vector<256x128xf32>
      %eq3A_240 = vector.broadcast %convert_element_type3A : vector<256x1xf32> to vector<256x128xf32>
      %eq3A_241 = arith.cmpf oeq, %eq3A_239, %eq3A_240 : vector<256x128xf32>
      %convert_element_type3A_242 = arith.extui %eq3A_241 : vector<256x128xi1> to vector<256x128xi32>
      %get3A_243 = arith.index_cast %multiple_of3A : i32 to index
      %get3A_244 = vector.load %arg1[%get3A_243] : memref<1664xi32, #tpu.memory_space<vmem>>, vector<128xi32>
      %get3A_245 = arith.index_cast %multiple_of3A : i32 to index
      %get3A_246 = vector.load %arg2[%get3A_245] : memref<1664xi32, #tpu.memory_space<vmem>>, vector<128xi32>
      %broadcast_in_dim3A_247 = vector.shape_cast %get3A_244 : vector<128xi32> to vector<1x128xi32>
      %mul3A_248 = vector.broadcast %broadcast_in_dim3A_247 : vector<1x128xi32> to vector<256x128xi32>
      %mul3A_249 = arith.muli %convert_element_type3A_242, %mul3A_248 : vector<256x128xi32>
      %reduce_sum3A_250 = arith.constant dense<0> : vector<256xi32>
      %reduce_sum3A_251 = vector.multi_reduction <add>, %mul3A_249, %reduce_sum3A_250 [1] : vector<256x128xi32> to vector<256xi32>
      %add3A_252 = arith.addi %scan3A_232, %reduce_sum3A_251 : vector<256xi32>
      %broadcast_in_dim3A_253 = vector.shape_cast %get3A_246 : vector<128xi32> to vector<1x128xi32>
      %mul3A_254 = vector.broadcast %broadcast_in_dim3A_253 : vector<1x128xi32> to vector<256x128xi32>
      %mul3A_255 = arith.muli %convert_element_type3A_242, %mul3A_254 : vector<256x128xi32>
      %reduce_sum3A_256 = arith.constant dense<0> : vector<256xi32>
      %reduce_sum3A_257 = vector.multi_reduction <add>, %mul3A_255, %reduce_sum3A_256 [1] : vector<256x128xi32> to vector<256xi32>
      %add3A_258 = arith.addi %scan3A_233, %reduce_sum3A_257 : vector<256xi32>
      scf.yield %add3A_252, %add3A_258 : vector<256xi32>, vector<256xi32>
    }
    %scan3A_12 = arith.constant 13 : i32
    %broadcast_in_dim3A_13 = vector.shape_cast %scan3A_11#0 : vector<256xi32> to vector<256x1xi32>
    %swap3A = arith.constant 0 : index
    %swap3A_14 = arith.constant 0 : index
    %swap3A_15 = vector.load %arg15[%swap3A, %swap3A_14] : memref<256x2xi32, #tpu.memory_space<vmem>>, vector<256x1xi32>
    tpu.vector_store %arg15[%swap3A, %swap3A_14], %broadcast_in_dim3A_13 {strides = array<i32>} : memref<256x2xi32, #tpu.memory_space<vmem>>, vector<256x1xi32>,
    %broadcast_in_dim3A_16 = vector.shape_cast %scan3A_11#1 : vector<256xi32> to vector<256x1xi32>
    %swap3A_17 = arith.constant 0 : index
    %swap3A_18 = arith.constant 1 : index
    %swap3A_19 = vector.load %arg15[%swap3A_17, %swap3A_18] : memref<256x2xi32, #tpu.memory_space<vmem>>, vector<256x1xi32>
    tpu.vector_store %arg15[%swap3A_17, %swap3A_18], %broadcast_in_dim3A_16 {strides = array<i32>} : memref<256x2xi32, #tpu.memory_space<vmem>>, vector<256x1xi32>,
    %jit3A = arith.constant 8 : i32
    %div3A = vector.broadcast %jit3A : i32 to vector<256xi32>
    %div3A_20 = arith.divsi %scan3A_11#0, %div3A : vector<256xi32>
    %sign3A = arith.constant 0 : i32
    %sign3A_21 = vector.broadcast %sign3A : i32 to vector<256xi32>
    %sign3A_22 = arith.cmpi sgt, %scan3A_11#0, %sign3A_21 : vector<256xi32>
    %sign3A_23 = arith.extui %sign3A_22 : vector<256xi1> to vector<256xi32>
    %sign3A_24 = arith.constant 0 : i32
    %sign3A_25 = vector.broadcast %sign3A_24 : i32 to vector<256xi32>
    %sign3A_26 = arith.cmpi slt, %scan3A_11#0, %sign3A_25 : vector<256xi32>
    %sign3A_27 = arith.extui %sign3A_26 : vector<256xi1> to vector<256xi32>
    %sign3A_28 = arith.subi %sign3A_23, %sign3A_27 : vector<256xi32>
    %sign3A_29 = arith.constant 0 : i32
    %sign3A_30 = arith.cmpi sgt, %jit3A, %sign3A_29 : i32
    %sign3A_31 = arith.extui %sign3A_30 : i1 to i32
    %sign3A_32 = arith.constant 0 : i32
    %sign3A_33 = arith.cmpi slt, %jit3A, %sign3A_32 : i32
    %sign3A_34 = arith.extui %sign3A_33 : i1 to i32
    %sign3A_35 = arith.subi %sign3A_31, %sign3A_34 : i32
    %ne3A = vector.broadcast %sign3A_35 : i32 to vector<256xi32>
    %ne3A_36 = arith.cmpi ne, %sign3A_28, %ne3A : vector<256xi32>
    %rem3A = vector.broadcast %jit3A : i32 to vector<256xi32>
    %rem3A_37 = arith.remsi %scan3A_11#0, %rem3A : vector<256xi32>
    %ne3A_38 = arith.constant 0 : i32
    %ne3A_39 = vector.broadcast %ne3A_38 : i32 to vector<256xi32>
    %ne3A_40 = arith.cmpi ne, %rem3A_37, %ne3A_39 : vector<256xi32>
    %and3A = arith.andi %ne3A_36, %ne3A_40 : vector<256xi1>
    %sub3A = arith.constant 1 : i32
    %sub3A_41 = vector.broadcast %sub3A : i32 to vector<256xi32>
    %sub3A_42 = arith.subi %div3A_20, %sub3A_41 : vector<256xi32>
    %select_n3A = arith.select %and3A, %sub3A_42, %div3A_20 : vector<256xi1>, vector<256xi32>
    %mul3A = arith.constant 64 : i32
    %mul3A_43 = vector.broadcast %mul3A : i32 to vector<256xi32>
    %mul3A_44 = arith.muli %select_n3A, %mul3A_43 : vector<256xi32>
    %jit3A_45 = arith.constant 8 : i32
    %div3A_46 = vector.broadcast %jit3A_45 : i32 to vector<256xi32>
    %div3A_47 = arith.divsi %scan3A_11#1, %div3A_46 : vector<256xi32>
    %sign3A_48 = arith.constant 0 : i32
    %sign3A_49 = vector.broadcast %sign3A_48 : i32 to vector<256xi32>
    %sign3A_50 = arith.cmpi sgt, %scan3A_11#1, %sign3A_49 : vector<256xi32>
    %sign3A_51 = arith.extui %sign3A_50 : vector<256xi1> to vector<256xi32>
    %sign3A_52 = arith.constant 0 : i32
    %sign3A_53 = vector.broadcast %sign3A_52 : i32 to vector<256xi32>
    %sign3A_54 = arith.cmpi slt, %scan3A_11#1, %sign3A_53 : vector<256xi32>
    %sign3A_55 = arith.extui %sign3A_54 : vector<256xi1> to vector<256xi32>
    %sign3A_56 = arith.subi %sign3A_51, %sign3A_55 : vector<256xi32>
    %sign3A_57 = arith.constant 0 : i32
    %sign3A_58 = arith.cmpi sgt, %jit3A_45, %sign3A_57 : i32
    %sign3A_59 = arith.extui %sign3A_58 : i1 to i32
    %sign3A_60 = arith.constant 0 : i32
    %sign3A_61 = arith.cmpi slt, %jit3A_45, %sign3A_60 : i32
    %sign3A_62 = arith.extui %sign3A_61 : i1 to i32
    %sign3A_63 = arith.subi %sign3A_59, %sign3A_62 : i32
    %ne3A_64 = vector.broadcast %sign3A_63 : i32 to vector<256xi32>
    %ne3A_65 = arith.cmpi ne, %sign3A_56, %ne3A_64 : vector<256xi32>
    %rem3A_66 = vector.broadcast %jit3A_45 : i32 to vector<256xi32>
    %rem3A_67 = arith.remsi %scan3A_11#1, %rem3A_66 : vector<256xi32>
    %ne3A_68 = arith.constant 0 : i32
    %ne3A_69 = vector.broadcast %ne3A_68 : i32 to vector<256xi32>
    %ne3A_70 = arith.cmpi ne, %rem3A_67, %ne3A_69 : vector<256xi32>
    %and3A_71 = arith.andi %ne3A_65, %ne3A_70 : vector<256xi1>
    %sub3A_72 = arith.constant 1 : i32
    %sub3A_73 = vector.broadcast %sub3A_72 : i32 to vector<256xi32>
    %sub3A_74 = arith.subi %div3A_47, %sub3A_73 : vector<256xi32>
    %select_n3A_75 = arith.select %and3A_71, %sub3A_74, %div3A_47 : vector<256xi1>, vector<256xi32>
    %add3A = arith.addi %mul3A_44, %select_n3A_75 : vector<256xi32>
    %jit3A_76 = arith.constant 16 : i32
    %div3A_77 = vector.broadcast %jit3A_76 : i32 to vector<256xi32>
    %div3A_78 = arith.divsi %scan3A_11#0, %div3A_77 : vector<256xi32>
    %sign3A_79 = arith.constant 0 : i32
    %sign3A_80 = vector.broadcast %sign3A_79 : i32 to vector<256xi32>
    %sign3A_81 = arith.cmpi sgt, %scan3A_11#0, %sign3A_80 : vector<256xi32>
    %sign3A_82 = arith.extui %sign3A_81 : vector<256xi1> to vector<256xi32>
    %sign3A_83 = arith.constant 0 : i32
    %sign3A_84 = vector.broadcast %sign3A_83 : i32 to vector<256xi32>
    %sign3A_85 = arith.cmpi slt, %scan3A_11#0, %sign3A_84 : vector<256xi32>
    %sign3A_86 = arith.extui %sign3A_85 : vector<256xi1> to vector<256xi32>
    %sign3A_87 = arith.subi %sign3A_82, %sign3A_86 : vector<256xi32>
    %sign3A_88 = arith.constant 0 : i32
    %sign3A_89 = arith.cmpi sgt, %jit3A_76, %sign3A_88 : i32
    %sign3A_90 = arith.extui %sign3A_89 : i1 to i32
    %sign3A_91 = arith.constant 0 : i32
    %sign3A_92 = arith.cmpi slt, %jit3A_76, %sign3A_91 : i32
    %sign3A_93 = arith.extui %sign3A_92 : i1 to i32
    %sign3A_94 = arith.subi %sign3A_90, %sign3A_93 : i32
    %ne3A_95 = vector.broadcast %sign3A_94 : i32 to vector<256xi32>
    %ne3A_96 = arith.cmpi ne, %sign3A_87, %ne3A_95 : vector<256xi32>
    %rem3A_97 = vector.broadcast %jit3A_76 : i32 to vector<256xi32>
    %rem3A_98 = arith.remsi %scan3A_11#0, %rem3A_97 : vector<256xi32>
    %ne3A_99 = arith.constant 0 : i32
    %ne3A_100 = vector.broadcast %ne3A_99 : i32 to vector<256xi32>
    %ne3A_101 = arith.cmpi ne, %rem3A_98, %ne3A_100 : vector<256xi32>
    %and3A_102 = arith.andi %ne3A_96, %ne3A_101 : vector<256xi1>
    %sub3A_103 = arith.constant 1 : i32
    %sub3A_104 = vector.broadcast %sub3A_103 : i32 to vector<256xi32>
    %sub3A_105 = arith.subi %div3A_78, %sub3A_104 : vector<256xi32>
    %select_n3A_106 = arith.select %and3A_102, %sub3A_105, %div3A_78 : vector<256xi1>, vector<256xi32>
    %mul3A_107 = arith.constant 32 : i32
    %mul3A_108 = vector.broadcast %mul3A_107 : i32 to vector<256xi32>
    %mul3A_109 = arith.muli %select_n3A_106, %mul3A_108 : vector<256xi32>
    %jit3A_110 = arith.constant 16 : i32
    %div3A_111 = vector.broadcast %jit3A_110 : i32 to vector<256xi32>
    %div3A_112 = arith.divsi %scan3A_11#1, %div3A_111 : vector<256xi32>
    %sign3A_113 = arith.constant 0 : i32
    %sign3A_114 = vector.broadcast %sign3A_113 : i32 to vector<256xi32>
    %sign3A_115 = arith.cmpi sgt, %scan3A_11#1, %sign3A_114 : vector<256xi32>
    %sign3A_116 = arith.extui %sign3A_115 : vector<256xi1> to vector<256xi32>
    %sign3A_117 = arith.constant 0 : i32
    %sign3A_118 = vector.broadcast %sign3A_117 : i32 to vector<256xi32>
    %sign3A_119 = arith.cmpi slt, %scan3A_11#1, %sign3A_118 : vector<256xi32>
    %sign3A_120 = arith.extui %sign3A_119 : vector<256xi1> to vector<256xi32>
    %sign3A_121 = arith.subi %sign3A_116, %sign3A_120 : vector<256xi32>
    %sign3A_122 = arith.constant 0 : i32
    %sign3A_123 = arith.cmpi sgt, %jit3A_110, %sign3A_122 : i32
    %sign3A_124 = arith.extui %sign3A_123 : i1 to i32
    %sign3A_125 = arith.constant 0 : i32
    %sign3A_126 = arith.cmpi slt, %jit3A_110, %sign3A_125 : i32
    %sign3A_127 = arith.extui %sign3A_126 : i1 to i32
    %sign3A_128 = arith.subi %sign3A_124, %sign3A_127 : i32
    %ne3A_129 = vector.broadcast %sign3A_128 : i32 to vector<256xi32>
    %ne3A_130 = arith.cmpi ne, %sign3A_121, %ne3A_129 : vector<256xi32>
    %rem3A_131 = vector.broadcast %jit3A_110 : i32 to vector<256xi32>
    %rem3A_132 = arith.remsi %scan3A_11#1, %rem3A_131 : vector<256xi32>
    %ne3A_133 = arith.constant 0 : i32
    %ne3A_134 = vector.broadcast %ne3A_133 : i32 to vector<256xi32>
    %ne3A_135 = arith.cmpi ne, %rem3A_132, %ne3A_134 : vector<256xi32>
    %and3A_136 = arith.andi %ne3A_130, %ne3A_135 : vector<256xi1>
    %sub3A_137 = arith.constant 1 : i32
    %sub3A_138 = vector.broadcast %sub3A_137 : i32 to vector<256xi32>
    %sub3A_139 = arith.subi %div3A_112, %sub3A_138 : vector<256xi32>
    %select_n3A_140 = arith.select %and3A_136, %sub3A_139, %div3A_112 : vector<256xi1>, vector<256xi32>
    %add3A_141 = arith.addi %mul3A_109, %select_n3A_140 : vector<256xi32>
    %iota3A_142 = tpu.iota {dimensions = array<i32: 1>} : vector<256x4096xi32>
    %broadcast_in_dim3A_143 = vector.shape_cast %add3A : vector<256xi32> to vector<256x1xi32>
    %eq3A = vector.broadcast %broadcast_in_dim3A_143 : vector<256x1xi32> to vector<256x4096xi32>
    %eq3A_144 = arith.cmpi eq, %eq3A, %iota3A_142 : vector<256x4096xi32>
    %convert_element_type3A_145 = arith.extui %eq3A_144 : vector<256x4096xi1> to vector<256x4096xi32>
    %convert_element_type3A_146 = arith.sitofp %convert_element_type3A_145 : vector<256x4096xi32> to vector<256x4096xf32>
    %iota3A_147 = tpu.iota {dimensions = array<i32: 1>} : vector<256x1024xi32>
    %broadcast_in_dim3A_148 = vector.shape_cast %add3A_141 : vector<256xi32> to vector<256x1xi32>
    %eq3A_149 = vector.broadcast %broadcast_in_dim3A_148 : vector<256x1xi32> to vector<256x1024xi32>
    %eq3A_150 = arith.cmpi eq, %eq3A_149, %iota3A_147 : vector<256x1024xi32>
    %convert_element_type3A_151 = arith.extui %eq3A_150 : vector<256x1024xi1> to vector<256x1024xi32>
    %convert_element_type3A_152 = arith.sitofp %convert_element_type3A_151 : vector<256x1024xi32> to vector<256x1024xf32>
    %get3A_153 = arith.constant 0 : index
    %get3A_154 = arith.constant 0 : index
    %get3A_155 = vector.load %arg3[%get3A_153, %get3A_154] : memref<256x4096xf32, #tpu.memory_space<vmem>>, vector<256x4096xf32>
    %dot_general3A = arith.constant dense<0.000000e+00> : vector<256x256xf32>
    %dot_general3A_156 = tpu.matmul %convert_element_type3A_146, %get3A_155, %dot_general3A {dimension_numbers = #tpu.dot_dimension_numbers<[1], [1], [0], [0], [0, 0, 1, 0], [], []>, transpose_lhs_hint = false} : vector<256x4096xf32>, vector<256x4096xf32>, vector<256x256xf32> -> vector<256x256xf32>
    %get3A_157 = arith.constant 0 : index
    %get3A_158 = arith.constant 0 : index
    %get3A_159 = vector.load %arg4[%get3A_157, %get3A_158] : memref<512x1024xf32, #tpu.memory_space<vmem>>, vector<512x1024xf32>
    %dot_general3A_160 = arith.constant dense<0.000000e+00> : vector<256x512xf32>
    %dot_general3A_161 = tpu.matmul %convert_element_type3A_152, %get3A_159, %dot_general3A_160 {dimension_numbers = #tpu.dot_dimension_numbers<[1], [1], [0], [0], [0, 0, 1, 0], [], []>, transpose_lhs_hint = false} : vector<256x1024xf32>, vector<512x1024xf32>, vector<256x512xf32> -> vector<256x512xf32>
    %get3A_162 = arith.constant 0 : index
    %get3A_163 = arith.constant 0 : index
    %get3A_164 = vector.load %arg5[%get3A_162, %get3A_163] : memref<256x256xf32, #tpu.memory_space<vmem>>, vector<256x256xf32>
    %dot_general3A_165 = arith.constant dense<0.000000e+00> : vector<256x256xf32>
    %dot_general3A_166 = tpu.matmul %dot_general3A_156, %get3A_164, %dot_general3A_165 {dimension_numbers = #tpu.dot_dimension_numbers<[1], [0], [0], [1], [0, 0, 1, 1], [], []>, precision = #tpu.contract_precision<fp32>, transpose_lhs_hint = false} : vector<256x256xf32>, vector<256x256xf32>, vector<256x256xf32> -> vector<256x256xf32>
    %get3A_167 = arith.constant 0 : index
    %get3A_168 = vector.load %arg6[%get3A_167] : memref<256xf32, #tpu.memory_space<vmem>>, vector<256xf32>
    %broadcast_in_dim3A_169 = vector.shape_cast %get3A_168 : vector<256xf32> to vector<1x256xf32>
    %add3A_170 = vector.broadcast %broadcast_in_dim3A_169 : vector<1x256xf32> to vector<256x256xf32>
    %add3A_171 = arith.addf %dot_general3A_166, %add3A_170 : vector<256x256xf32>
    %max3A = arith.constant 0.000000e+00 : f32
    %max3A_172 = vector.broadcast %max3A : f32 to vector<256x256xf32>
    %max3A_173 = arith.maximumf %add3A_171, %max3A_172 : vector<256x256xf32>
    %get3A_174 = arith.constant 0 : index
    %get3A_175 = arith.constant 0 : index
    %get3A_176 = vector.load %arg7[%get3A_174, %get3A_175] : memref<256x256xf32, #tpu.memory_space<vmem>>, vector<256x256xf32>
    %dot_general3A_177 = arith.constant dense<0.000000e+00> : vector<256x256xf32>
    %dot_general3A_178 = tpu.matmul %max3A_173, %get3A_176, %dot_general3A_177 {dimension_numbers = #tpu.dot_dimension_numbers<[1], [0], [0], [1], [0, 0, 1, 1], [], []>, precision = #tpu.contract_precision<fp32>, transpose_lhs_hint = false} : vector<256x256xf32>, vector<256x256xf32>, vector<256x256xf32> -> vector<256x256xf32>
    %get3A_179 = arith.constant 0 : index
    %get3A_180 = vector.load %arg8[%get3A_179] : memref<256xf32, #tpu.memory_space<vmem>>, vector<256xf32>
    %broadcast_in_dim3A_181 = vector.shape_cast %get3A_180 : vector<256xf32> to vector<1x256xf32>
    %add3A_182 = vector.broadcast %broadcast_in_dim3A_181 : vector<1x256xf32> to vector<256x256xf32>
    %add3A_183 = arith.addf %dot_general3A_178, %add3A_182 : vector<256x256xf32>
    %mul3A_184 = arith.mulf %add3A_183, %add3A_183 : vector<256x256xf32>
    %reduce_sum3A = arith.constant dense<0.000000e+00> : vector<256xf32>
    %reduce_sum3A_185 = vector.multi_reduction <add>, %mul3A_184, %reduce_sum3A [1] : vector<256x256xf32> to vector<256xf32>
    %broadcast_in_dim3A_186 = vector.shape_cast %reduce_sum3A_185 : vector<256xf32> to vector<256x1xf32>
    %sqrt3A = math.sqrt %broadcast_in_dim3A_186 : vector<256x1xf32>
    %max3A_187 = arith.constant 9.99999996E-13 : f32
    %max3A_188 = vector.broadcast %max3A_187 : f32 to vector<256x1xf32>
    %max3A_189 = arith.maximumf %sqrt3A, %max3A_188 : vector<256x1xf32>
    %div3A_190 = vector.broadcast %max3A_189 : vector<256x1xf32> to vector<256x256xf32>
    %div3A_191 = arith.divf %add3A_183, %div3A_190 : vector<256x256xf32>
    %swap3A_192 = arith.constant 0 : index
    %swap3A_193 = arith.constant 0 : index
    %swap3A_194 = vector.load %arg13[%swap3A_192, %swap3A_193] : memref<256x256xf32, #tpu.memory_space<vmem>>, vector<256x256xf32>
    tpu.vector_store %arg13[%swap3A_192, %swap3A_193], %div3A_191 {strides = array<i32>} : memref<256x256xf32, #tpu.memory_space<vmem>>, vector<256x256xf32>,
    %get3A_195 = arith.constant 0 : index
    %get3A_196 = arith.constant 0 : index
    %get3A_197 = vector.load %arg9[%get3A_195, %get3A_196] : memref<512x256xf32, #tpu.memory_space<vmem>>, vector<512x256xf32>
    %dot_general3A_198 = arith.constant dense<0.000000e+00> : vector<256x256xf32>
    %dot_general3A_199 = tpu.matmul %dot_general3A_161, %get3A_197, %dot_general3A_198 {dimension_numbers = #tpu.dot_dimension_numbers<[1], [0], [0], [1], [0, 0, 1, 1], [], []>, precision = #tpu.contract_precision<fp32>, transpose_lhs_hint = false} : vector<256x512xf32>, vector<512x256xf32>, vector<256x256xf32> -> vector<256x256xf32>
    %get3A_200 = arith.constant 0 : index
    %get3A_201 = vector.load %arg10[%get3A_200] : memref<256xf32, #tpu.memory_space<vmem>>, vector<256xf32>
    %broadcast_in_dim3A_202 = vector.shape_cast %get3A_201 : vector<256xf32> to vector<1x256xf32>
    %add3A_203 = vector.broadcast %broadcast_in_dim3A_202 : vector<1x256xf32> to vector<256x256xf32>
    %add3A_204 = arith.addf %dot_general3A_199, %add3A_203 : vector<256x256xf32>
    %max3A_205 = arith.constant 0.000000e+00 : f32
    %max3A_206 = vector.broadcast %max3A_205 : f32 to vector<256x256xf32>
    %max3A_207 = arith.maximumf %add3A_204, %max3A_206 : vector<256x256xf32>
    %get3A_208 = arith.constant 0 : index
    %get3A_209 = arith.constant 0 : index
    %get3A_210 = vector.load %arg11[%get3A_208, %get3A_209] : memref<256x256xf32, #tpu.memory_space<vmem>>, vector<256x256xf32>
    %dot_general3A_211 = arith.constant dense<0.000000e+00> : vector<256x256xf32>
    %dot_general3A_212 = tpu.matmul %max3A_207, %get3A_210, %dot_general3A_211 {dimension_numbers = #tpu.dot_dimension_numbers<[1], [0], [0], [1], [0, 0, 1, 1], [], []>, precision = #tpu.contract_precision<fp32>, transpose_lhs_hint = false} : vector<256x256xf32>, vector<256x256xf32>, vector<256x256xf32> -> vector<256x256xf32>
    %get3A_213 = arith.constant 0 : index
    %get3A_214 = vector.load %arg12[%get3A_213] : memref<256xf32, #tpu.memory_space<vmem>>, vector<256xf32>
    %broadcast_in_dim3A_215 = vector.shape_cast %get3A_214 : vector<256xf32> to vector<1x256xf32>
    %add3A_216 = vector.broadcast %broadcast_in_dim3A_215 : vector<1x256xf32> to vector<256x256xf32>
    %add3A_217 = arith.addf %dot_general3A_212, %add3A_216 : vector<256x256xf32>
    %mul3A_218 = arith.mulf %add3A_217, %add3A_217 : vector<256x256xf32>
    %reduce_sum3A_219 = arith.constant dense<0.000000e+00> : vector<256xf32>
    %reduce_sum3A_220 = vector.multi_reduction <add>, %mul3A_218, %reduce_sum3A_219 [1] : vector<256x256xf32> to vector<256xf32>
    %broadcast_in_dim3A_221 = vector.shape_cast %reduce_sum3A_220 : vector<256xf32> to vector<256x1xf32>
    %sqrt3A_222 = math.sqrt %broadcast_in_dim3A_221 : vector<256x1xf32>
    %max3A_223 = arith.constant 9.99999996E-13 : f32
    %max3A_224 = vector.broadcast %max3A_223 : f32 to vector<256x1xf32>
    %max3A_225 = arith.maximumf %sqrt3A_222, %max3A_224 : vector<256x1xf32>
    %div3A_226 = vector.broadcast %max3A_225 : vector<256x1xf32> to vector<256x256xf32>
    %div3A_227 = arith.divf %add3A_217, %div3A_226 : vector<256x256xf32>
    %swap3A_228 = arith.constant 0 : index
    %swap3A_229 = arith.constant 0 : index
    %swap3A_230 = vector.load %arg14[%swap3A_228, %swap3A_229] : memref<256x256xf32, #tpu.memory_space<vmem>>, vector<256x256xf32>
    tpu.vector_store %arg14[%swap3A_228, %swap3A_229], %div3A_227 {strides = array<i32>} : memref<256x256xf32, #tpu.memory_space<vmem>>, vector<256x256xf32>,
    return
  }
}

</mosaic_0001>

<sc_bundles>
// kernel: kernel.4.cloned.1.call-start
scs
__scs_entry_jumppad:
0x0: {  	(pc) =	sbr.rel $0x88, $3  }
0x1: {  	(tag) =	ssettag $0x0;
	lr =	simm.s32 $0x1  }
0x2: {  	[smem:$0x3F94] =	sst lr;
	_ =	strace $0xD0000000  }
0x3: {  	_ = 	snop  }
0x4: {  	_ = 	snop  }
0x5: {  	_ = 	snop  }
0x6: {  	_ = 	snop  }
0x7: {  	_ = 	snop  }
__scs_overlays_trampoline_lowered:
0x8: {  	[smem:$0x3FA3] =	sst s0  }
0x9: {  	[smem:$0x3FA4] =	sst s1  }
0xa: {  	[smem:$0x3FA5] =	sst s2  }
0xb: {  	[smem:$0x3FA6] =	sst s3  }
0xc: {  	[smem:$0x3FA7] =	sst s4  }
0xd: {  	[smem:$0x3FA8] =	sst s5  }
0xe: {  	[smem:$0x3FA9] =	sst s6  }
0xf: {  	[smem:$0x3FAA] =	sst s7  }
0x10: {  	[smem:$0x3FAB] =	sst s8  }
0x11: {  	[smem:$0x3FAC] =	sst s9;
	s0 =	simm.s32 @!p0 $0x0  }
0x12: {  	s1 =	sld [smem:$0x3F92];
	s0 =	simm.s32 @p0 $0x1  }
0x13: {  	[smem:$0x3FAD] =	sst s0;
	s0 =	simm.s32 @!p1 $0x0  }
0x14: {  	s2 =	sld [smem:$0x3F91];
	s0 =	simm.s32 @p1 $0x1  }
0x15: {  	[smem:$0x3FAE] =	sst s0;
	s0 =	simm.s32 @!p2 $0x0  }
0x16: {  	s3 =	sld [smem:$0x3FDB];
	s0 =	simm.s32 @p2 $0x1  }
0x17: {  	s4 =	simm.s32 $0x1BF5;
	[smem:$0x3FB0] =	sst s0  }
0x18: {  	s0 =	sld [smem:$0x3F93];
	_ =	swait.ge [sflag:s4], $0x0  }
0x19: {  	s7 =	sld [smem:$0x3F94]  }
0x1a: {  	s8 =	sadd.s32 $0xFFFFE003, lr  }
0x1b: {  	s9 =	sadd.s32 $0xFFFFFEF7, lr;
	s5 =	simm.s32 $0xFFFFFFFF;
	p2 =	slt.u32 s8, $0xFFFFF086  }
0x1c: {  	p1 =	slt.u32 s9, $0xF7A;
	s5 =	simm.s32 @!p2 $0x0  }
0x1d: {  	s5 =	simm.s32 @p1 $0x1;
	p0 =	seq.s32 s7, s2  }
0x1e: {  	s7 =	smul.u32 @!p0 $0xF7A, s2;
	p2 =	seq.s32 @!p0 s5, $0x0  }
0x1f: {  	s9 =	smul.u32 $0xF7A, s1;
	s8 =	simm.s32 @!p0 $0x1BF5;
	p2 =	por !p2, p0  }
0x20: {  	[sflag:s8] =	ssyncset.s32 @!p0 $0xFFFFF086;
	s6 =	sadd.s32 @!p0 s3, s7;
	s7 =	simm.s32 @!p0 $0x108  }
0x21: {  	s3 =	sadd.s32 s3, s9;
	s6 =	sadd.s32 @!p0 $0x88, s6;
	s7 =	simm.s32 @p2 $0x1082  }
0x22: {  	[simem:s7], [sflag:s8] =	dma.local @!p0 [hbm:s6], $0xF7A  }
0x23: {  	s9 =	sor.u32 $0xD0000000, s2;
	s6 =	simm.s32 $0x108;
	_ =	swait.ge @!p0 [sflag:s8], $0x0  }
0x24: {  	s3 =	sadd.s32 $0x88, s3;
	s6 =	simm.s32 @!p1 $0x1082;
	[sflag:s4] =	ssyncset.s32 $0xFFFFF086  }
0x25: {  	[simem:s6], [sflag:s4] =	dma.local [hbm:s3], $0xF7A  }
0x26: {  	[smem:$0x3F94] =	sst s1;
	(tag) =	ssettag s2;
	_ =	strace s9  }
0x27: {  	s1 =	sld [smem:$0x3FA4]  }
0x28: {  	s2 =	sld [smem:$0x3FA5]  }
0x29: {  	s4 =	sld [smem:$0x3FA7]  }
0x2a: {  	p0 =	seq.s32 s5, $0x0;
	s5 =	sld [smem:$0x3FA8]  }
0x2b: {  	s6 =	sld [smem:$0x3FA9]  }
0x2c: {  	s7 =	sld [smem:$0x3FAA]  }
0x2d: {  	s3 =	simm.s32 $0x108;
	s8 =	sld [smem:$0x3FAB]  }
0x2e: {  	s3 =	simm.s32 @!p0 $0x1082;
	s9 =	sld [smem:$0x3FAC]  }
0x2f: {  	lr =	sadd.s32 s0, s3;
	s0 =	sld [smem:$0x3FA3]  }
0x30: {  	s3 =	sld [smem:$0x3FA6]  }
0x31: {  	[smem:$0x3FAF] =	sst s10  }
0x32: {  	s10 =	sld [smem:$0x3FAD];
	_ =	sdelay $0x3  }
0x33: {  	p0 =	seq.s32 s10, $0x1;
	s10 =	sld [smem:$0x3FAF];
	_ =	sdelay $0x3  }
0x34: {  	[smem:$0x3FAF] =	sst s10  }
0x35: {  	s10 =	sld [smem:$0x3FAE];
	_ =	sdelay $0x3  }
0x36: {  	p1 =	seq.s32 s10, $0x1;
	s10 =	sld [smem:$0x3FAF];
	_ =	sdelay $0x3  }
0x37: {  	[smem:$0x3FAF] =	sst s10  }
0x38: {  	s10 =	sld [smem:$0x3FB0]  }
0x39: {  	_ = 	snop;
	(pc) =	sbr.ind lr, $3  }
0x3a: {  	_ = 	snop  }
0x3b: {  	_ = 	snop  }
0x3c: {  	p2 =	seq.s32 s10, $0x1;
	s10 =	sld [smem:$0x3FAF]  }
0x3d: {  	_ =	shalt  }
0x3e: {  	_ =	shalt  }
0x3f: {  	_ =	shalt  }
0x40: {  	_ =	shalt  }
0x41: {  	_ =	shalt  }
0x42: {  	_ =	shalt  }
0x43: {  	_ =	shalt  }
0x44: {  	_ =	shalt  }
0x45: {  	_ =	shalt  }
0x46: {  	_ =	shalt  }
0x47: {  	_ =	shalt  }
0x48: {  	_ =	shalt  }
0x49: {  	_ =	shalt  }
0x4a: {  	_ =	shalt  }
0x4b: {  	_ =	shalt  }
0x4c: {  	_ =	shalt  }
0x4d: {  	_ =	shalt  }
0x4e: {  	_ =	shalt  }
0x4f: {  	_ =	shalt  }
0x50: {  	_ =	shalt  }
0x51: {  	_ =	shalt  }
0x52: {  	_ =	shalt  }
0x53: {  	_ =	shalt  }
0x54: {  	_ =	shalt  }
0x55: {  	_ =	shalt  }
0x56: {  	_ =	shalt  }
0x57: {  	_ =	shalt  }
0x58: {  	_ =	shalt  }
0x59: {  	_ =	shalt  }
0x5a: {  	_ =	shalt  }
0x5b: {  	_ =	shalt  }
0x5c: {  	_ =	shalt  }
0x5d: {  	_ =	shalt  }
0x5e: {  	_ =	shalt  }
0x5f: {  	_ =	shalt  }
0x60: {  	_ =	shalt  }
0x61: {  	_ =	shalt  }
0x62: {  	_ =	shalt  }
0x63: {  	_ =	shalt  }
0x64: {  	_ =	shalt  }
0x65: {  	_ =	shalt  }
0x66: {  	_ =	shalt  }
0x67: {  	_ =	shalt  }
0x68: {  	_ =	shalt  }
0x69: {  	_ =	shalt  }
0x6a: {  	_ =	shalt  }
0x6b: {  	_ =	shalt  }
0x6c: {  	_ =	shalt  }
0x6d: {  	_ =	shalt  }
0x6e: {  	_ =	shalt  }
0x6f: {  	_ =	shalt  }
0x70: {  	_ =	shalt  }
0x71: {  	_ =	shalt  }
0x72: {  	_ =	shalt  }
0x73: {  	_ =	shalt  }
0x74: {  	_ =	shalt  }
0x75: {  	_ =	shalt  }
0x76: {  	_ =	shalt  }
0x77: {  	_ =	shalt  }
0x78: {  	_ =	shalt  }
0x79: {  	_ =	shalt  }
0x7a: {  	_ =	shalt  }
0x7b: {  	_ =	shalt  }
0x7c: {  	_ =	shalt  }
0x7d: {  	_ =	shalt  }
0x7e: {  	_ =	shalt  }
0x7f: {  	_ =	shalt  }
0x80: {  	_ =	shalt  }
0x81: {  	_ =	shalt  }
0x82: {  	_ =	shalt  }
0x83: {  	_ =	shalt  }
0x84: {  	_ =	shalt  }
0x85: {  	_ =	shalt  }
0x86: {  	_ =	shalt  }
0x87: {  	_ =	shalt  }
.Lfunc_end0:
.L_simem_size_0:
called_computation_lowered:
.L_overlay_start_0:
0x88: {  	s2 =	sld [smem:$0x3FD9]  }
0x89: {  	s3 =	sld [smem:$0x3FFE];
	_ =	sdelay $0x1  }
0x8a: {  	s1 =	srdreg.scid  }
0x8b: {  	s0 =	sand.u32 $0x1, s1  }
0x8c: {  	s14 =	sshll.u32 s0, $0xA;
	s2 =	sadd.s32 s3, s2  }
0x8d: {  	s2 =	sadd.s32 s2, s14  }
0x8e: {  	[smem:$0x3FBB] =	sst s2  }
0x8f: {  	_ = 	snop  }
0x90: {  	s2 =	sld [smem:$0x3FD0];
	_ =	sdelay $0x2  }
0x91: {  	s15 =	simm.s32 $0xA;
	s4 =	simm.s32 $0x10  }
0x92: {  	[smem:s4], [sflag:s15] =	dma.local [hbm:s2], $0x1  }
0x93: {  	_ =	swait.eq [sflag:s15], $0x1  }
0x94: {  	[sflag:s15] =	ssyncset.done $0x0  }
0x95: {  	s16 =	sld [smem:$0x10];
	[sflag:s15] =	ssyncadd.s32 $0xFFFFFFFF  }
0x96: {  	s17 =	sld [smem:$0x11];
	(tm) =	ssettm $0x1  }
0x97: {  	s18 =	sld [smem:$0x3FFB];
	_ =	sdelay $0x3  }
0x98: {  	_ =	strace s18  }
0x99: {  	s4 =	sld [smem:$0x3FFC];
	_ =	sdelay $0x3  }
0x9a: {  	_ =	strace s4  }
0x9b: {  	s4 =	sld [smem:$0x3FFD];
	_ =	sdelay $0x3  }
0x9c: {  	_ =	strace s4  }
0x9d: {  	_ =	strace $0x8FFFFFFF  }
0x9e: {  	s19 =	sld [smem:$0x3FDB];
	_ =	sdelay $0x1  }
0x9f: {  	s5 =	simm.s32 $_scs_section_size  }
0xa0: {  	s6 =	simm.s32 $_size__tile_overlayer_lowered;
	s7 =	simm.s32 $_tile_overlayer_lowered  }
0xa1: {  	s22 =	simm.s32 $0x1BFF;
	s21 =	sshll.u32 s7, $0x1;
	s4 =	sadd.s32 s5, s19  }
0xa2: {  	s8 =	simm.s32 $0x0;
	s20 =	sshll.u32 s6, $0x1;
	s6 =	sadd.s32 s21, s4  }
0xa3: {  	[timem:s8], [sflag:s22] =	dma.local [hbm:s6], s20  }
0xa4: {  	_ =	swait.ge [sflag:s22], s20  }
0xa5: {  	s5 =	ssub.s32 $0x0, s20;
	[sflag:s22] =	ssyncset.done $0x0  }
0xa6: {  	[sflag:s22] =	ssyncadd.s32 s5;
	_ =	sdelay $0x1  }
0xa7: {  	s23 =	simm.s32 $0x1B8B  }
0xa8: {  	_ =	swait.ge [sflag:s23], $0x1  }
0xa9: {  	[sflag:s23] =	ssyncset.done $0x0  }
0xaa: {  	s25 =	simm.s32 $0x1B8E;
	s24 =	sld [smem:$0x3FFE];
	[sflag:s23] =	ssyncadd.s32 $0xFFFFFFFF  }
0xab: {  	s26 =	simm.s32 $execute0_lowered;
	[smem:$0x3FD2] =	sst s25  }
0xac: {  	s6 =	sshll.u32 s26, $0x1;
	_ =	strace $0x80000046;
	[dreg:$0x1] =	wrdreg $0xFFFFFFFF  }
0xad: {  	s28 =	simm.s32 $_size_execute0_lowered;
	s4 =	sadd.s32 s4, s6;
	[dreg:$0x0] =	wrdreg $0x0  }
0xae: {  	s6 =	sshll.u32 s28, $0x1;
	[dreg:$0x2] =	wrdreg s4  }
0xaf: {  	[dreg:$0x3] =	wrdreg s6  }
0xb0: {  	[dreg:$0x4] =	wrdreg $0xC0  }
0xb1: {  	_ =	task [dreg:s8], $0x5FFFF  }
0xb2: {  	[dreg:$0x1] =	wrdreg $0xFFFFFFFF  }
0xb3: {  	[dreg:$0x0] =	wrdreg $0x60  }
0xb4: {  	[dreg:$0x2] =	wrdreg s24  }
0xb5: {  	[dreg:$0x3] =	wrdreg s17  }
0xb6: {  	[dreg:$0x4] =	wrdreg s16  }
0xb7: {  	[dreg:$0x5] =	wrdreg $0x9  }
0xb8: {  	_ =	task.clear_ibuf [dreg:s8], $0x6FFFF;
	_ =	strace $0x90000046  }
0xb9: {  	s29 =	simm.s32 $0x9;
	_ =	strace $0x80000048  }
0xba: {  	_ =	swait.ge [sflag:s29], $0x1  }
0xbb: {  	[sflag:s29] =	ssyncadd.s32 $0xFFFFFFFF  }
0xbc: {  	_ =	strace $0x90000048  }
0xbd: {  	_ =	sfence  }
0xbe: {  	s30 =	sld [smem:$0x0];
	_ =	sdelay $0x2  }
0xbf: {  	s31 =	sshll.u32 s1, $0xD;
	s1 =	sshrl.u32 s1, $0x2  }
0xc0: {  	s3 =	sand.u32 $0x4000, s31;
	s1 =	sadd.s32 s1, s30  }
0xc1: {  	s0 =	sor.u32 s3, s0;
	s1 =	sshll.u32 s1, $0x11  }
0xc2: {  	s0 =	sor.u32 s1, s0  }
0xc3: {  	s0 =	sadd.s32 $0x8F2B, s0  }
0xc4: {  	[sflag:s0] =	ssyncadd.remote.s32 $0x1  }
0xc5: {  	_ =	sfence.sel $0xFFFF  }
0xc6: {  	[dreg:$0x0] =	wrdreg $0xFFFFFFFF;
	(pc) =	sbr.abs _section_cstart, $3  }
0xc7: {  	[dreg:$0x1] =	wrdreg $0xFFFFFFFF  }
0xc8: {  	_ =	task.clear_ibuf [dreg:s8], $0x2FFFF;
	_ =	strace $0x9FFFFFFF  }
0xc9: {  	(tm) =	ssettm $0x7FFFFFFF  }
tec
execute0_lowered:
.L_overlay_start_1:
0x0: {  	(tag) =	ssettag $0x1  }
0x1: {  	s0 =	rddreg [dreg:$0x0]  }
0x2: {  	s5 =	rddreg [dreg:$0x1]  }
0x3: {  	s2 =	rddreg [dreg:$0x2];
	s3 =	simm.s32 $0x0;
	s4 =	srdreg.scid  }
0x4: {  	s1 =	stileid.u32;
	s9 =	simm.s32 $0x78;
	s10 =	simm.s32 $0x1  }
0x5: {  	s11 =	simm.s32 $0x28;
	s12 =	simm.s32 $0x200;
	s13 =	simm.s32 $0xC78  }
0x6: {  	s14 =	simm.s32 $0x1178;
	s15 =	simm.s32 $0x1678;
	s16 =	simm.s32 $0x1B78  }
0x7: {  	s17 =	simm.s32 $0x2078;
	s18 =	simm.s32 $0x2578;
	s19 =	simm.s32 $0x2  }
0x8: {  	s20 =	simm.s32 $0x2A78;
	s21 =	simm.s32 $0x0;
	[smem:$0x7FF] =	sst s3  }
0x9: {  	s4 =	sand.u32 $0x1, s4;
	s6 =	sshll.u32 s1, $0x1;
	_ =	strace $0x80000047  }
0xa: {  	s6 =	sor.u32 s4, s6;
	s8 =	ssub.s32 $0x2, s4;
	s4 =	sadd.s32 $0x1400, s0  }
0xb: {  	s7 =	sshll.u32 s6, $0x3;
	s6 =	smul.u32 $0xF, s6;
	s31 =	sshrl.u32 s8, $0x1  }
0xc: {  	s0 =	sadd.s32 s7, s0;
	s7 =	ssub.s32 s8, s31;
	s8 =	simm.s32 $0x3  }
0xd: {  	v0 =	vlaneseq.u32;
	vm0 =	vmxor vm0, vm0;
	s5 =	sadd.s32 s5, s6;
	s6 =	sadd.s32 $0x19400, s0;
	s7 =	smax.u32 s7, $0x1  }
.LBB2_1:
0xe: {  	[tilespmem:s3], [sflag:$0x3] =	stream.linear.gather [hbm4b:s5+s3], $0x78, $0x38;
	[tilespmem:$0x2AB8] =	vst v63  }
0xf: {  	_ =	swait.ge [sflag:s8], $0x78  }
0x10: {  	[sflag:s8] =	ssyncset.done $0x0  }
0x11: {  	[sflag:s8] =	ssyncadd.s32 $0xFFFFFF88  }
0x12: {  	[tilespmem:s9], [sflag:$0x3] =	stream.linear.gather [hbm4b:s2+s3], $0xC00, $0x38;
	[tilespmem:$0x2AB8] =	vst v63  }
0x13: {  	_ =	swait.ge [sflag:s8], $0xC00  }
0x14: {  	[sflag:s8] =	ssyncset.done $0x0  }
0x15: {  	[sflag:s8] =	ssyncadd.s32 $0xFFFFF400  }
0x16: {  	v1 =	vld [tilespmem:$0x0];
	_ =	sdelay $0x4  }
0x17: {  	(v2sf) =	vpush v1, $0x0  }
0x18: {  	(v2sf) =	vpush v1, $0x1;
	_ =	sdelay $0xd  }
0x19: {  	s0 =	spop (v2sf)  }
0x1a: {  	s22 =	spop (v2sf)  }
0x1b: {  	s23 =	sadd.s32 $0xFFFFFFF0, s22;
	s22 =	sand.u32 $0x7, s22  }
0x1c: {  	s24 =	sshra.s32 s23, $0x1F;
	p0 =	slt.s32 s23, $0x1;
	p1 =	sne.s32 s22, $0x0  }
0x1d: {  	s30 =	sshrl.u32 s24, $0x1D;
	p0 =	por !p0, !p1  }
0x1e: {  	s22 =	sadd.s32 s30, s23;
	p0 =	por !p0, !p0;
	s23 =	simm.s32 $0x1  }
0x1f: {  	s22 =	sshrl.u32 s22, $0x3;
	s23 =	simm.s32 @!p0 $0x0  }
0x20: {  	s22 =	ssub.s32 s22, s23  }
0x21: {  	s0 =	sshll.u32 s0, $0x9;
	s22 =	sshll.u32 s22, $0x3  }
0x22: {  	s0 =	sadd.s32 s22, s0  }
0x23: {  	s22 =	sadd.s32 $0xFFFFE000, s0  }
0x24: {  	s22 =	sshrl.u32 s22, $0x3  }
0x25: {  	s31 =	sadd.s32 $0x3E000, s0;
	s22 =	sadd.s32 s4, s22  }
0x26: {  	[tilespmem:s13], [sflag:$0x1] =	stream.strided.gather [hbm4b:s22+s11], $0x500, s12, s11, $0x38;
	[tilespmem:$0x2AB8] =	vst v63  }
0x27: {  	s0 =	sadd.s32 $0x7E000, s0;
	s22 =	sshrl.u32 s31, $0x3  }
0x28: {  	s0 =	sshrl.u32 s0, $0x3;
	s22 =	sadd.s32 s4, s22  }
0x29: {  	[tilespmem:s14], [sflag:$0x1] =	stream.strided.gather [hbm4b:s22+s11], $0x500, s12, s11, $0x38;
	[tilespmem:$0x2AB8] =	vst v63  }
0x2a: {  	v2 =	vimm.f32 $0.0e+00;
	s0 =	sadd.s32 s4, s0;
	s22 =	simm.s32 $0x0  }
0x2b: {  	v3 =	vimm.f32 $0.0e+00;
	v4 =	vimm.f32 $0.0e+00;
	v1 =	vimm.f32 $0.0e+00;
	[tilespmem:s15], [sflag:$0x1] =	stream.strided.gather [hbm4b:s0+s11], $0x500, s12, s11, $0x38;
	[tilespmem:$0x2AB8] =	vst v63  }
.LBB2_2:
0x2c: {  	s23 =	sshllo.u32 s22, $0x1  }
0x2d: {  	s0 =	sshll.u32 s23, $0x3  }
0x2e: {  	s24 =	sshrl.u32 s0, $0x2  }
0x2f: {  	v5 =	vld [tilespmem:s24+$0x0];
	_ =	sdelay $0x4  }
0x30: {  	(v2sf) =	vpush v5, $0x0  }
0x31: {  	(v2sf) =	vpush v5, $0x1;
	_ =	sdelay $0xd  }
0x32: {  	s0 =	spop (v2sf)  }
0x33: {  	s25 =	spop (v2sf)  }
0x34: {  	s26 =	sadd.s32 $0xFFFFFFF0, s25;
	s25 =	sand.u32 $0x7, s25  }
0x35: {  	s28 =	sshra.s32 s26, $0x1F;
	p0 =	slt.s32 s26, $0x1;
	p1 =	sne.s32 s25, $0x0  }
0x36: {  	s1 =	sshrl.u32 s28, $0x1D;
	p0 =	por !p0, !p1  }
0x37: {  	s25 =	sadd.s32 s1, s26;
	p0 =	por !p0, !p0;
	s26 =	simm.s32 $0x1  }
0x38: {  	s25 =	sshrl.u32 s25, $0x3;
	s26 =	simm.s32 @!p0 $0x0  }
0x39: {  	s25 =	ssub.s32 s25, s26  }
0x3a: {  	s0 =	sshll.u32 s0, $0x9;
	s25 =	sshll.u32 s25, $0x3  }
0x3b: {  	s0 =	sadd.s32 s25, s0  }
0x3c: {  	s25 =	sadd.s32 $0xFFFFE000, s0  }
0x3d: {  	s25 =	sshrl.u32 s25, $0x3  }
0x3e: {  	s1 =	sadd.s32 $0x3E000, s0;
	s25 =	sadd.s32 s4, s25  }
0x3f: {  	[tilespmem:s16], [sflag:$0x2] =	stream.strided.gather [hbm4b:s25+s11], $0x500, s12, s11, $0x38;
	[tilespmem:$0x2AB8] =	vst v63  }
0x40: {  	s0 =	sadd.s32 $0x7E000, s0;
	s25 =	sshrl.u32 s1, $0x3  }
0x41: {  	s0 =	sshrl.u32 s0, $0x3;
	s25 =	sadd.s32 s4, s25  }
0x42: {  	[tilespmem:s17], [sflag:$0x2] =	stream.strided.gather [hbm4b:s25+s11], $0x500, s12, s11, $0x38;
	[tilespmem:$0x2AB8] =	vst v63  }
0x43: {  	s0 =	sadd.s32 s4, s0  }
0x44: {  	[tilespmem:s18], [sflag:$0x2] =	stream.strided.gather [hbm4b:s0+s11], $0x500, s12, s11, $0x38;
	[tilespmem:$0x2AB8] =	vst v63  }
0x45: {  	_ =	swait.ge [sflag:s10], $0x500  }
0x46: {  	[sflag:s10] =	ssyncset.done $0x0  }
0x47: {  	[sflag:s10] =	ssyncadd.s32 $0xFFFFFB00  }
0x48: {  	_ =	swait.ge [sflag:s10], $0x500  }
0x49: {  	[sflag:s10] =	ssyncset.done $0x0  }
0x4a: {  	[sflag:s10] =	ssyncadd.s32 $0xFFFFFB00  }
0x4b: {  	_ =	swait.ge [sflag:s10], $0x500  }
0x4c: {  	s26 =	sshll.u32 s22, $0x2;
	[sflag:s10] =	ssyncset.done $0x0  }
0x4d: {  	s26 =	sand.u32 $0x3FFFFFFC, s26;
	[sflag:s10] =	ssyncadd.s32 $0xFFFFFB00  }
0x4e: {  	v5 =	vld [tilespmem:s26+$0x0];
	_ =	sdelay $0x4  }
0x4f: {  	(v2sf) =	vpush v5, $0x1;
	_ =	sdelay $0xe  }
0x50: {  	s0 =	spop (v2sf)  }
0x51: {  	s1 =	sadd.s32 $0xFFFFFFF0, s0;
	s28 =	sand.u32 $0x7, s0  }
0x52: {  	s29 =	sshra.s32 s1, $0x1F;
	p5 =	slt.s32 s1, $0x1;
	p6 =	sne.s32 s28, $0x0  }
0x53: {  	s29 =	sshrl.u32 s29, $0x1D;
	p0 =	por !p5, !p6  }
0x54: {  	s30 =	simm.s32 $0x1;
	s29 =	sadd.s32 s29, s1;
	p0 =	por !p0, !p0  }
0x55: {  	s29 =	sshrl.u32 s29, $0x3;
	s30 =	simm.s32 @!p0 $0x0  }
0x56: {  	s29 =	ssub.s32 s30, s29  }
0x57: {  	s29 =	sshll.u32 s29, $0x3  }
0x58: {  	s25 =	sadd.s32 s1, s29  }
0x59: {  	s0 =	sadd.s32 s0, s29;
	s25 =	sshll.u32 s25, $0x2  }
0x5a: {  	s28 =	sshll.u32 s28, $0x2;
	s0 =	sshll.u32 s0, $0x2;
	s25 =	sand.u32 $0xFFFFFFE0, s25  }
0x5b: {  	s0 =	sand.u32 $0xFFFFFFE0, s0;
	s25 =	sor.u32 s28, s25  }
0x5c: {  	s0 =	sor.u32 s28, s0;
	s29 =	sshra.s32 s25, $0x2  }
0x5d: {  	s28 =	sshra.s32 s0, $0x2;
	s25 =	sadd.s32 $0xC78, s29  }
0x5e: {  	s0 =	simm.s32 $0x98;
	s1 =	sadd.s32 $0xC78, s28;
	v5 =	vmov s25  }
0x5f: {  	v13 =	vld [tilespmem:s0+$0x0];
	v6 =	vmov s1  }
0x60: {  	v9 =	vld [tilespmem:s0+$0xFFFFFFE0]  }
0x61: {  	v11 =	vld [tilespmem:s0+$0xFFFFFFF0]  }
0x62: {  	v12 =	vld [tilespmem:s0+$0x10];
	s1 =	simm.s32 $0x28  }
0x63: {  	v14 =	vld.idx.msk [tilespmem:v5+s1+$0xFFFFFFD8 ss:$0x1], $0xffff  }
0x64: {  	v16 =	vld.idx.msk [tilespmem:v6+s1+$0xFFFFFFD8 ss:$0x1], $0xffff  }
0x65: {  	v17 =	vld.idx.msk [tilespmem:v5+s1+$0x0 ss:$0x1], $0xffff  }
0x66: {  	s30 =	simm.s32 $0xD8;
	v7 =	vld.idx.msk [tilespmem:v6+s1+$0x0 ss:$0x1], $0xffff  }
0x67: {  	v10 =	vld [tilespmem:s30+$0x0]  }
0x68: {  	v8 =	vld [tilespmem:s30+$0xFFFFFFE0]  }
0x69: {  	s0 =	simm.s32 $0x78;
	v15 =	vsub.f32 v14, v9;
	v9 =	vld [tilespmem:s30+$0xFFFFFFF0];
	v16 =	vsub.f32 v16, v11  }
0x6a: {  	s31 =	simm.s32 $0x320;
	s25 =	sshll.u32 s22, $0x1;
	v11 =	vld.idx.msk [tilespmem:v5+s0+$0xFFFFFFD8 ss:$0x1], $0xffff;
	v14 =	vsub.f32 v17, v13;
	v13 =	vimm.f32 $0.0e+00  }
.LBB2_3:
0x6b: {  	p0 =	sne.s32 s31, $0x960;
	v17 =	vld.idx.msk [tilespmem:v6+s0+$0xFFFFFFD8 ss:$0x1], $0xffff;
	v15 =	vmul.f32 v15, v15;
	v16 =	vmul.f32 v16, v16;
	v12 =	vsub.f32 v7, v12  }
0x6c: {  	v18 =	vld.idx.msk [tilespmem:v5+s0+$0x0 ss:$0x1], $0xffff;
	v19 =	vmov v10  }
0x6d: {  	v14 =	vmul.f32 v14, v14;
	v7 =	vld.idx.msk [tilespmem:v6+s0+$0x0 ss:$0x1], $0xffff;
	v15 =	vadd.f32 v16, v15;
	v16 =	vmul.f32 v12, v12  }
.Ltmp0:
0x6e: {  	v12 =	vld [tilespmem:s30+$0x10];
	s30 =	sadd.s32 $0x40, s30;
	(pc) =	sbr.rel @p0 .LBB2_3-.Ltmp0, $4  }
0x6f: {  	v10 =	vld [tilespmem:s30+$0x0];
	v13 =	vadd.f32 v15, v13;
	v14 =	vadd.f32 v16, v14  }
0x70: {  	v15 =	vsub.f32 v11, v8;
	v8 =	vld [tilespmem:s30+$0xFFFFFFE0]  }
0x71: {  	s0 =	sshra.s32 s31, $0x2;
	v16 =	vsub.f32 v17, v9;
	v9 =	vld [tilespmem:s30+$0xFFFFFFF0];
	v13 =	vadd.f32 v14, v13  }
0x72: {  	s31 =	sadd.s32 $0x140, s31;
	v14 =	vsub.f32 v18, v19;
	v11 =	vld.idx.msk [tilespmem:v5+s0+$0xFFFFFFD8 ss:$0x1], $0xffff  }
0x73: {  	_ =	sdelay $0x3  }
0x74: {  	v17 =	vld.idx.msk [tilespmem:v6+s0+$0xFFFFFFD8 ss:$0x1], $0xffff  }
0x75: {  	v15 =	vmul.f32 v15, v15;
	v16 =	vmul.f32 v16, v16;
	v5 =	vld.idx.msk [tilespmem:v5+s0+$0x0 ss:$0x1], $0xffff  }
0x76: {  	s31 =	sadd.s32 $0xF20, s29;
	v18 =	vld.idx.msk [tilespmem:v6+s0+$0x0 ss:$0x1], $0xffff;
	v12 =	vsub.f32 v7, v12  }
0x77: {  	s1 =	sadd.s32 $0xF20, s28;
	v6 =	vmov s31;
	v15 =	vadd.f32 v16, v15;
	v16 =	vld [tilespmem:s30+$0x10];
	s30 =	simm.s32 $0x2A8  }
0x78: {  	v7 =	vmov s1;
	v14 =	vmul.f32 v14, v14;
	v12 =	vmul.f32 v12, v12;
	v19 =	vld [tilespmem:s30+$0xFFFFFFF0]  }
0x79: {  	v13 =	vadd.f32 v15, v13;
	v15 =	vld [tilespmem:s30+$0xFFFFFFD0]  }
0x7a: {  	v8 =	vsub.f32 v11, v8;
	v11 =	vadd.f32 v12, v14;
	v12 =	vld [tilespmem:s30+$0x0]  }
0x7b: {  	s1 =	simm.s32 $0x0;
	v9 =	vsub.f32 v17, v9;
	v17 =	vld [tilespmem:s30+$0xFFFFFFE0]  }
0x7c: {  	v5 =	vsub.f32 v5, v10;
	v14 =	vld.idx.msk [tilespmem:v6+s1+$0xFFFFFFD8 ss:$0x1], $0xffff;
	v10 =	vsub.f32 v18, v16  }
0x7d: {  	v8 =	vmul.f32 v8, v8;
	v9 =	vmul.f32 v9, v9;
	v18 =	vld.idx.msk [tilespmem:v7+s1+$0xFFFFFFD8 ss:$0x1], $0xffff  }
0x7e: {  	v20 =	vld.idx.msk [tilespmem:v6+s1+$0x0 ss:$0x1], $0xffff;
	v5 =	vmul.f32 v5, v5;
	v10 =	vmul.f32 v10, v10  }
0x7f: {  	s30 =	simm.s32 $0x2E8;
	v11 =	vadd.f32 v11, v13;
	v9 =	vadd.f32 v9, v8;
	v8 =	vld.idx.msk [tilespmem:v7+s1+$0x0 ss:$0x1], $0xffff  }
0x80: {  	s0 =	simm.s32 $0x50;
	v5 =	vadd.f32 v10, v5;
	v10 =	vld [tilespmem:s30+$0xFFFFFFF0]  }
0x81: {  	v13 =	vld.idx.msk [tilespmem:v6+s0+$0xFFFFFFD8 ss:$0x1], $0xffff;
	v11 =	vadd.f32 v9, v11  }
0x82: {  	v9 =	vld [tilespmem:s30+$0xFFFFFFD0];
	v16 =	vsub.f32 v14, v15;
	v17 =	vsub.f32 v18, v17  }
0x83: {  	s31 =	simm.s32 $0x280;
	v14 =	vimm.f32 $0.0e+00;
	v15 =	vsub.f32 v20, v19;
	v5 =	vadd.f32 v5, v11;
	v11 =	vld [tilespmem:s30+$0xFFFFFFE0]  }
.LBB2_5:
0x84: {  	p0 =	sne.s32 s31, $0x8C0;
	v18 =	vld.idx.msk [tilespmem:v7+s0+$0xFFFFFFD8 ss:$0x1], $0xffff;
	v16 =	vmul.f32 v16, v16;
	v17 =	vmul.f32 v17, v17;
	v12 =	vsub.f32 v8, v12  }
0x85: {  	v19 =	vld.idx.msk [tilespmem:v6+s0+$0x0 ss:$0x1], $0xffff;
	v20 =	vmov v10  }
0x86: {  	v15 =	vmul.f32 v15, v15;
	v8 =	vld.idx.msk [tilespmem:v7+s0+$0x0 ss:$0x1], $0xffff;
	v16 =	vadd.f32 v17, v16;
	v17 =	vmul.f32 v12, v12  }
.Ltmp1:
0x87: {  	v12 =	vld [tilespmem:s30+$0x0];
	s30 =	sadd.s32 $0x40, s30;
	(pc) =	sbr.rel @p0 .LBB2_5-.Ltmp1, $4  }
0x88: {  	v10 =	vld [tilespmem:s30+$0xFFFFFFF0];
	v14 =	vadd.f32 v16, v14;
	v15 =	vadd.f32 v17, v15  }
0x89: {  	v16 =	vsub.f32 v13, v9;
	v9 =	vld [tilespmem:s30+$0xFFFFFFD0]  }
0x8a: {  	s0 =	sshra.s32 s31, $0x2;
	v17 =	vsub.f32 v18, v11;
	v11 =	vld [tilespmem:s30+$0xFFFFFFE0];
	v14 =	vadd.f32 v15, v14  }
0x8b: {  	s31 =	sadd.s32 $0x140, s31;
	v15 =	vsub.f32 v19, v20;
	v13 =	vld.idx.msk [tilespmem:v6+s0+$0xFFFFFFD8 ss:$0x1], $0xffff  }
0x8c: {  	_ =	sdelay $0x3  }
0x8d: {  	v18 =	vld.idx.msk [tilespmem:v7+s0+$0xFFFFFFD8 ss:$0x1], $0xffff  }
0x8e: {  	v16 =	vmul.f32 v16, v16;
	v17 =	vmul.f32 v17, v17;
	v6 =	vld.idx.msk [tilespmem:v6+s0+$0x0 ss:$0x1], $0xffff  }
0x8f: {  	s31 =	sadd.s32 $0x11A0, s29;
	v19 =	vld.idx.msk [tilespmem:v7+s0+$0x0 ss:$0x1], $0xffff  }
0x90: {  	s1 =	sadd.s32 $0x11A0, s28;
	v12 =	vsub.f32 v8, v12;
	v7 =	vmov s31;
	v16 =	vadd.f32 v17, v16;
	v17 =	vld [tilespmem:s30+$0x0];
	s30 =	simm.s32 $0x4A8  }
0x91: {  	v8 =	vmov s1;
	v20 =	vld [tilespmem:s30+$0xFFFFFFF0]  }
0x92: {  	v15 =	vmul.f32 v15, v15;
	v12 =	vmul.f32 v12, v12;
	v14 =	vadd.f32 v16, v14;
	v16 =	vld [tilespmem:s30+$0xFFFFFFD0]  }
0x93: {  	v9 =	vsub.f32 v13, v9;
	v13 =	vld [tilespmem:s30+$0x0];
	v11 =	vsub.f32 v18, v11  }
0x94: {  	s1 =	simm.s32 $0x0;
	v12 =	vadd.f32 v12, v15;
	v18 =	vld [tilespmem:s30+$0xFFFFFFE0]  }
0x95: {  	v6 =	vsub.f32 v6, v10;
	v15 =	vld.idx.msk [tilespmem:v7+s1+$0xFFFFFFD8 ss:$0x1], $0xffff;
	v10 =	vmul.f32 v11, v11;
	v11 =	vsub.f32 v19, v17  }
0x96: {  	v9 =	vmul.f32 v9, v9;
	v19 =	vld.idx.msk [tilespmem:v8+s1+$0xFFFFFFD8 ss:$0x1], $0xffff  }
0x97: {  	v21 =	vld.idx.msk [tilespmem:v7+s1+$0x0 ss:$0x1], $0xffff;
	v6 =	vmul.f32 v6, v6;
	v11 =	vmul.f32 v11, v11  }
0x98: {  	s30 =	simm.s32 $0x4E8;
	v12 =	vadd.f32 v12, v14;
	v10 =	vadd.f32 v10, v9;
	v9 =	vld.idx.msk [tilespmem:v8+s1+$0x0 ss:$0x1], $0xffff  }
0x99: {  	s0 =	simm.s32 $0x50;
	v6 =	vadd.f32 v11, v6;
	v11 =	vld [tilespmem:s30+$0xFFFFFFF0]  }
0x9a: {  	v14 =	vld.idx.msk [tilespmem:v7+s0+$0xFFFFFFD8 ss:$0x1], $0xffff;
	v12 =	vadd.f32 v10, v12  }
0x9b: {  	v10 =	vld [tilespmem:s30+$0xFFFFFFD0];
	v17 =	vsub.f32 v15, v16;
	v18 =	vsub.f32 v19, v18  }
0x9c: {  	s31 =	simm.s32 $0x280;
	v15 =	vimm.f32 $0.0e+00;
	v16 =	vsub.f32 v21, v20;
	v6 =	vadd.f32 v6, v12;
	v12 =	vld [tilespmem:s30+$0xFFFFFFE0]  }
.LBB2_7:
0x9d: {  	p0 =	sne.s32 s31, $0x8C0;
	v19 =	vld.idx.msk [tilespmem:v8+s0+$0xFFFFFFD8 ss:$0x1], $0xffff;
	v17 =	vmul.f32 v17, v17;
	v18 =	vmul.f32 v18, v18;
	v13 =	vsub.f32 v9, v13  }
0x9e: {  	v20 =	vld.idx.msk [tilespmem:v7+s0+$0x0 ss:$0x1], $0xffff;
	v21 =	vmov v11  }
0x9f: {  	v16 =	vmul.f32 v16, v16;
	v9 =	vld.idx.msk [tilespmem:v8+s0+$0x0 ss:$0x1], $0xffff;
	v17 =	vadd.f32 v18, v17;
	v18 =	vmul.f32 v13, v13  }
.Ltmp2:
0xa0: {  	v13 =	vld [tilespmem:s30+$0x0];
	s30 =	sadd.s32 $0x40, s30;
	(pc) =	sbr.rel @p0 .LBB2_7-.Ltmp2, $4  }
0xa1: {  	v11 =	vld [tilespmem:s30+$0xFFFFFFF0];
	v15 =	vadd.f32 v17, v15;
	v16 =	vadd.f32 v18, v16  }
0xa2: {  	v17 =	vsub.f32 v14, v10;
	v10 =	vld [tilespmem:s30+$0xFFFFFFD0]  }
0xa3: {  	s0 =	sshra.s32 s31, $0x2;
	v18 =	vsub.f32 v19, v12;
	v12 =	vld [tilespmem:s30+$0xFFFFFFE0];
	v15 =	vadd.f32 v16, v15  }
0xa4: {  	s31 =	sadd.s32 $0x140, s31;
	v16 =	vsub.f32 v20, v21;
	v14 =	vld.idx.msk [tilespmem:v7+s0+$0xFFFFFFD8 ss:$0x1], $0xffff  }
0xa5: {  	_ =	sdelay $0x3  }
0xa6: {  	v19 =	vld.idx.msk [tilespmem:v8+s0+$0xFFFFFFD8 ss:$0x1], $0xffff  }
0xa7: {  	v17 =	vmul.f32 v17, v17;
	v18 =	vmul.f32 v18, v18;
	v7 =	vld.idx.msk [tilespmem:v7+s0+$0x0 ss:$0x1], $0xffff  }
0xa8: {  	s31 =	sadd.s32 $0x1420, s29;
	v20 =	vld.idx.msk [tilespmem:v8+s0+$0x0 ss:$0x1], $0xffff  }
0xa9: {  	s1 =	sadd.s32 $0x1420, s28;
	v13 =	vsub.f32 v9, v13;
	v8 =	vmov s31;
	v17 =	vadd.f32 v18, v17;
	v18 =	vld [tilespmem:s30+$0x0];
	s30 =	simm.s32 $0x6A8  }
0xaa: {  	v9 =	vmov s1;
	v21 =	vld [tilespmem:s30+$0xFFFFFFF0]  }
0xab: {  	v16 =	vmul.f32 v16, v16;
	v13 =	vmul.f32 v13, v13;
	v15 =	vadd.f32 v17, v15;
	v17 =	vld [tilespmem:s30+$0xFFFFFFD0]  }
0xac: {  	v10 =	vsub.f32 v14, v10;
	v14 =	vld [tilespmem:s30+$0x0];
	v12 =	vsub.f32 v19, v12  }
0xad: {  	s1 =	simm.s32 $0x0;
	v13 =	vadd.f32 v13, v16;
	v19 =	vld [tilespmem:s30+$0xFFFFFFE0]  }
0xae: {  	v7 =	vsub.f32 v7, v11;
	v16 =	vld.idx.msk [tilespmem:v8+s1+$0xFFFFFFD8 ss:$0x1], $0xffff;
	v11 =	vmul.f32 v12, v12;
	v12 =	vsub.f32 v20, v18  }
0xaf: {  	v10 =	vmul.f32 v10, v10;
	v20 =	vld.idx.msk [tilespmem:v9+s1+$0xFFFFFFD8 ss:$0x1], $0xffff  }
0xb0: {  	v22 =	vld.idx.msk [tilespmem:v8+s1+$0x0 ss:$0x1], $0xffff;
	v7 =	vmul.f32 v7, v7;
	v12 =	vmul.f32 v12, v12  }
0xb1: {  	s30 =	simm.s32 $0x6E8;
	v13 =	vadd.f32 v13, v15;
	v11 =	vadd.f32 v11, v10;
	v10 =	vld.idx.msk [tilespmem:v9+s1+$0x0 ss:$0x1], $0xffff  }
0xb2: {  	s0 =	simm.s32 $0x50;
	v7 =	vadd.f32 v12, v7;
	v12 =	vld [tilespmem:s30+$0xFFFFFFF0]  }
0xb3: {  	v15 =	vld.idx.msk [tilespmem:v8+s0+$0xFFFFFFD8 ss:$0x1], $0xffff;
	v13 =	vadd.f32 v11, v13  }
0xb4: {  	v11 =	vld [tilespmem:s30+$0xFFFFFFD0];
	v18 =	vsub.f32 v16, v17;
	v19 =	vsub.f32 v20, v19  }
0xb5: {  	s31 =	simm.s32 $0x280;
	v16 =	vimm.f32 $0.0e+00;
	v17 =	vsub.f32 v22, v21;
	v7 =	vadd.f32 v7, v13;
	v13 =	vld [tilespmem:s30+$0xFFFFFFE0]  }
.LBB2_9:
0xb6: {  	p0 =	sne.s32 s31, $0x8C0;
	v20 =	vld.idx.msk [tilespmem:v9+s0+$0xFFFFFFD8 ss:$0x1], $0xffff;
	v18 =	vmul.f32 v18, v18;
	v19 =	vmul.f32 v19, v19;
	v14 =	vsub.f32 v10, v14  }
0xb7: {  	v21 =	vld.idx.msk [tilespmem:v8+s0+$0x0 ss:$0x1], $0xffff;
	v22 =	vmov v12  }
0xb8: {  	v17 =	vmul.f32 v17, v17;
	v10 =	vld.idx.msk [tilespmem:v9+s0+$0x0 ss:$0x1], $0xffff;
	v18 =	vadd.f32 v19, v18;
	v19 =	vmul.f32 v14, v14  }
.Ltmp3:
0xb9: {  	v14 =	vld [tilespmem:s30+$0x0];
	s30 =	sadd.s32 $0x40, s30;
	(pc) =	sbr.rel @p0 .LBB2_9-.Ltmp3, $4  }
0xba: {  	v12 =	vld [tilespmem:s30+$0xFFFFFFF0];
	v16 =	vadd.f32 v18, v16;
	v17 =	vadd.f32 v19, v17  }
0xbb: {  	v18 =	vsub.f32 v15, v11;
	v11 =	vld [tilespmem:s30+$0xFFFFFFD0]  }
0xbc: {  	s0 =	sshra.s32 s31, $0x2;
	v19 =	vsub.f32 v20, v13;
	v13 =	vld [tilespmem:s30+$0xFFFFFFE0];
	v16 =	vadd.f32 v17, v16  }
0xbd: {  	s31 =	sadd.s32 $0x140, s31;
	v17 =	vsub.f32 v21, v22;
	v15 =	vld.idx.msk [tilespmem:v8+s0+$0xFFFFFFD8 ss:$0x1], $0xffff  }
0xbe: {  	_ =	sdelay $0x3  }
0xbf: {  	v20 =	vld.idx.msk [tilespmem:v9+s0+$0xFFFFFFD8 ss:$0x1], $0xffff  }
0xc0: {  	v18 =	vmul.f32 v18, v18;
	v19 =	vmul.f32 v19, v19;
	v8 =	vld.idx.msk [tilespmem:v8+s0+$0x0 ss:$0x1], $0xffff  }
0xc1: {  	s31 =	sadd.s32 $0x16A0, s29;
	v21 =	vld.idx.msk [tilespmem:v9+s0+$0x0 ss:$0x1], $0xffff  }
0xc2: {  	s1 =	sadd.s32 $0x16A0, s28;
	v14 =	vsub.f32 v10, v14;
	v9 =	vmov s31;
	v18 =	vadd.f32 v19, v18;
	v19 =	vld [tilespmem:s30+$0x0];
	s30 =	simm.s32 $0x8A8  }
0xc3: {  	v10 =	vmov s1;
	v22 =	vld [tilespmem:s30+$0xFFFFFFF0]  }
0xc4: {  	v17 =	vmul.f32 v17, v17;
	v14 =	vmul.f32 v14, v14;
	v16 =	vadd.f32 v18, v16;
	v18 =	vld [tilespmem:s30+$0xFFFFFFD0]  }
0xc5: {  	v11 =	vsub.f32 v15, v11;
	v15 =	vld [tilespmem:s30+$0x0];
	v13 =	vsub.f32 v20, v13  }
0xc6: {  	s1 =	simm.s32 $0x0;
	v14 =	vadd.f32 v14, v17;
	v20 =	vld [tilespmem:s30+$0xFFFFFFE0];
	v8 =	vsub.f32 v8, v12  }
0xc7: {  	v17 =	vld.idx.msk [tilespmem:v9+s1+$0xFFFFFFD8 ss:$0x1], $0xffff;
	v11 =	vmul.f32 v11, v11;
	v12 =	vmul.f32 v13, v13;
	v13 =	vsub.f32 v21, v19  }
0xc8: {  	v21 =	vld.idx.msk [tilespmem:v10+s1+$0xFFFFFFD8 ss:$0x1], $0xffff  }
0xc9: {  	v23 =	vld.idx.msk [tilespmem:v9+s1+$0x0 ss:$0x1], $0xffff;
	v8 =	vmul.f32 v8, v8;
	v11 =	vadd.f32 v12, v11;
	v12 =	vmul.f32 v13, v13  }
0xca: {  	s30 =	simm.s32 $0x8E8;
	v16 =	vadd.f32 v14, v16;
	v14 =	vld.idx.msk [tilespmem:v10+s1+$0x0 ss:$0x1], $0xffff  }
0xcb: {  	v8 =	vadd.f32 v12, v8;
	v12 =	vld [tilespmem:s30+$0xFFFFFFF0]  }
0xcc: {  	s0 =	simm.s32 $0x50;
	v13 =	vadd.f32 v11, v16;
	v11 =	vld [tilespmem:s30+$0xFFFFFFD0]  }
0xcd: {  	v19 =	vsub.f32 v17, v18;
	v16 =	vld.idx.msk [tilespmem:v9+s0+$0xFFFFFFD8 ss:$0x1], $0xffff;
	v20 =	vsub.f32 v21, v20  }
0xce: {  	s31 =	simm.s32 $0x280;
	v17 =	vimm.f32 $0.0e+00;
	v18 =	vsub.f32 v23, v22;
	v8 =	vadd.f32 v8, v13;
	v13 =	vld [tilespmem:s30+$0xFFFFFFE0]  }
.LBB2_11:
0xcf: {  	p0 =	sne.s32 s31, $0x8C0;
	v21 =	vld.idx.msk [tilespmem:v10+s0+$0xFFFFFFD8 ss:$0x1], $0xffff;
	v19 =	vmul.f32 v19, v19;
	v20 =	vmul.f32 v20, v20;
	v15 =	vsub.f32 v14, v15  }
0xd0: {  	v22 =	vld.idx.msk [tilespmem:v9+s0+$0x0 ss:$0x1], $0xffff;
	v23 =	vmov v12  }
0xd1: {  	v18 =	vmul.f32 v18, v18;
	v14 =	vld.idx.msk [tilespmem:v10+s0+$0x0 ss:$0x1], $0xffff;
	v19 =	vadd.f32 v20, v19;
	v20 =	vmul.f32 v15, v15  }
.Ltmp4:
0xd2: {  	v15 =	vld [tilespmem:s30+$0x0];
	s30 =	sadd.s32 $0x40, s30;
	(pc) =	sbr.rel @p0 .LBB2_11-.Ltmp4, $4  }
0xd3: {  	v12 =	vld [tilespmem:s30+$0xFFFFFFF0];
	v17 =	vadd.f32 v19, v17;
	v18 =	vadd.f32 v20, v18  }
0xd4: {  	v19 =	vsub.f32 v16, v11;
	v11 =	vld [tilespmem:s30+$0xFFFFFFD0]  }
0xd5: {  	s0 =	sshra.s32 s31, $0x2;
	v20 =	vsub.f32 v21, v13;
	v13 =	vld [tilespmem:s30+$0xFFFFFFE0];
	v17 =	vadd.f32 v18, v17  }
0xd6: {  	s31 =	sadd.s32 $0x140, s31;
	v18 =	vsub.f32 v22, v23;
	v16 =	vld.idx.msk [tilespmem:v9+s0+$0xFFFFFFD8 ss:$0x1], $0xffff  }
0xd7: {  	_ =	sdelay $0x3  }
0xd8: {  	v21 =	vld.idx.msk [tilespmem:v10+s0+$0xFFFFFFD8 ss:$0x1], $0xffff  }
0xd9: {  	v19 =	vmul.f32 v19, v19;
	v20 =	vmul.f32 v20, v20;
	v22 =	vld.idx.msk [tilespmem:v9+s0+$0x0 ss:$0x1], $0xffff;
	s29 =	sadd.s32 $0x1920, s29  }
0xda: {  	v23 =	vld.idx.msk [tilespmem:v10+s0+$0x0 ss:$0x1], $0xffff;
	s1 =	sadd.s32 $0x1920, s28;
	v9 =	vmov s29  }
0xdb: {  	v14 =	vsub.f32 v14, v15;
	s28 =	simm.s32 $0xAA8;
	v10 =	vmov s1;
	v15 =	vadd.f32 v20, v19;
	v19 =	vld [tilespmem:s30+$0x0]  }
0xdc: {  	v20 =	vld [tilespmem:s28+$0xFFFFFFF0]  }
0xdd: {  	v18 =	vmul.f32 v18, v18;
	v14 =	vmul.f32 v14, v14;
	v15 =	vadd.f32 v15, v17;
	v17 =	vld [tilespmem:s28+$0xFFFFFFD0]  }
0xde: {  	s31 =	simm.s32 $0x0;
	v11 =	vsub.f32 v16, v11;
	v13 =	vsub.f32 v21, v13;
	v21 =	vld [tilespmem:s28+$0xFFFFFFE0]  }
0xdf: {  	v14 =	vadd.f32 v14, v18;
	v18 =	vld.idx.msk [tilespmem:v9+s31+$0xFFFFFFD8 ss:$0x1], $0xffff  }
0xe0: {  	v12 =	vsub.f32 v22, v12;
	v11 =	vmul.f32 v11, v11;
	v22 =	vld.idx.msk [tilespmem:v10+s31+$0xFFFFFFD8 ss:$0x1], $0xffff;
	v13 =	vmul.f32 v13, v13  }
0xe1: {  	v15 =	vadd.f32 v14, v15;
	v14 =	vld.idx.msk [tilespmem:v10+s31+$0x0 ss:$0x1], $0xffff;
	v16 =	vsub.f32 v23, v19  }
0xe2: {  	v23 =	vld.idx.msk [tilespmem:v9+s31+$0x0 ss:$0x1], $0xffff;
	v11 =	vadd.f32 v13, v11  }
0xe3: {  	v12 =	vmul.f32 v12, v12;
	v13 =	vmul.f32 v16, v16;
	v16 =	vld [tilespmem:s28+$0x0];
	s28 =	simm.s32 $0xAE8  }
0xe4: {  	v11 =	vadd.f32 v11, v15;
	v15 =	vld [tilespmem:s28+$0xFFFFFFF0]  }
0xe5: {  	s0 =	simm.s32 $0x50;
	v13 =	vadd.f32 v13, v12;
	v12 =	vld [tilespmem:s28+$0xFFFFFFD0]  }
0xe6: {  	v19 =	vsub.f32 v18, v17;
	v21 =	vsub.f32 v22, v21;
	v18 =	vld.idx.msk [tilespmem:v9+s0+$0xFFFFFFD8 ss:$0x1], $0xffff  }
0xe7: {  	s29 =	simm.s32 $0x280;
	v17 =	vimm.f32 $0.0e+00;
	v20 =	vsub.f32 v23, v20;
	v11 =	vadd.f32 v13, v11;
	v13 =	vld [tilespmem:s28+$0xFFFFFFE0]  }
.LBB2_13:
0xe8: {  	p0 =	sne.s32 s29, $0x8C0;
	v22 =	vld.idx.msk [tilespmem:v10+s0+$0xFFFFFFD8 ss:$0x1], $0xffff;
	v19 =	vmul.f32 v19, v19;
	v21 =	vmul.f32 v21, v21;
	v16 =	vsub.f32 v14, v16  }
0xe9: {  	v23 =	vld.idx.msk [tilespmem:v9+s0+$0x0 ss:$0x1], $0xffff;
	v24 =	vmov v15  }
0xea: {  	v20 =	vmul.f32 v20, v20;
	v14 =	vld.idx.msk [tilespmem:v10+s0+$0x0 ss:$0x1], $0xffff;
	v19 =	vadd.f32 v21, v19;
	v21 =	vmul.f32 v16, v16  }
.Ltmp5:
0xeb: {  	v16 =	vld [tilespmem:s28+$0x0];
	s28 =	sadd.s32 $0x40, s28;
	(pc) =	sbr.rel @p0 .LBB2_13-.Ltmp5, $4  }
0xec: {  	v15 =	vld [tilespmem:s28+$0xFFFFFFF0];
	v17 =	vadd.f32 v19, v17;
	v20 =	vadd.f32 v21, v20  }
0xed: {  	v19 =	vsub.f32 v18, v12;
	v12 =	vld [tilespmem:s28+$0xFFFFFFD0]  }
0xee: {  	s0 =	sshra.s32 s29, $0x2;
	v21 =	vsub.f32 v22, v13;
	v13 =	vld [tilespmem:s28+$0xFFFFFFE0];
	v17 =	vadd.f32 v20, v17  }
0xef: {  	s29 =	sadd.s32 $0x140, s29;
	v20 =	vsub.f32 v23, v24;
	v18 =	vld.idx.msk [tilespmem:v9+s0+$0xFFFFFFD8 ss:$0x1], $0xffff  }
0xf0: {  	_ =	sdelay $0x3  }
0xf1: {  	v22 =	vld.idx.msk [tilespmem:v10+s0+$0xFFFFFFD8 ss:$0x1], $0xffff  }
0xf2: {  	v19 =	vmul.f32 v19, v19;
	v21 =	vmul.f32 v21, v21;
	v9 =	vld.idx.msk [tilespmem:v9+s0+$0x0 ss:$0x1], $0xffff  }
0xf3: {  	v10 =	vld.idx.msk [tilespmem:v10+s0+$0x0 ss:$0x1], $0xffff  }
0xf4: {  	v14 =	vsub.f32 v14, v16;
	v16 =	vadd.f32 v21, v19;
	v19 =	vld [tilespmem:s28+$0x0];
	_ =	sdelay $0x1  }
0xf5: {  	v20 =	vmul.f32 v20, v20;
	v14 =	vmul.f32 v14, v14;
	v16 =	vadd.f32 v16, v17  }
0xf6: {  	v12 =	vsub.f32 v18, v12;
	v13 =	vsub.f32 v22, v13  }
0xf7: {  	v14 =	vadd.f32 v14, v20;
	v9 =	vsub.f32 v9, v15  }
0xf8: {  	v12 =	vmul.f32 v12, v12;
	v13 =	vmul.f32 v13, v13;
	v10 =	vsub.f32 v10, v19  }
0xf9: {  	v14 =	vadd.f32 v14, v16  }
0xfa: {  	v9 =	vmul.f32 v9, v9;
	v12 =	vadd.f32 v13, v12;
	v10 =	vmul.f32 v10, v10;
	_ =	sdelay $0x1  }
0xfb: {  	v12 =	vadd.f32 v12, v14;
	v9 =	vadd.f32 v10, v9  }
0xfc: {  	v5 =	vadd.f32 v6, v5  }
0xfd: {  	v6 =	vadd.f32 v8, v7;
	v9 =	vadd.f32 v9, v12;
	_ =	sdelay $0x1  }
0xfe: {  	v5 =	vadd.f32 v6, v5;
	v6 =	vadd.f32 v9, v11;
	_ =	sdelay $0x1  }
0xff: {  	v5 =	vadd.f32 v6, v5;
	_ =	sdelay $0x1  }
0x100: {  	v6 =	vmul.f32 $1.280000000e+02, v5;
	_ =	sdelay $0x1  }
0x101: {  	v6 =	vtrunc.f32 v6  }
0x102: {  	v6 =	vcvt.f32.s32 v6;
	_ =	sdelay $0x1  }
0x103: {  	v7 =	vcvt.s32.f32 v6;
	_ =	sdelay $0x1  }
0x104: {  	v7 =	vmul.f32 $-7.812500000e-03, v7;
	_ =	sdelay $0x1  }
0x105: {  	v5 =	vadd.f32 v7, v5;
	_ =	sdelay $0x1  }
0x106: {  	(xrf2) =	vadd.scan.msk.f32 $0xffff, v5;
	_ =	sdelay $0x2  }
0x107: {  	(xrf0) =	vadd.scan.msk.s32 $0xffff, v6;
	_ =	sdelay $0x2  }
0x108: {  	p0 =	seq.s32 s22, $0x18  }
0x109: {  	v5 =	vld @!p0 [tilespmem:s26+$0x4];
	_ =	sdelay $0x1  }
0x10a: {  	v6, _, _ =	vpop (xrf0)  }
0x10b: {  	(v2sf) =	vpush v6, $0xF;
	v6, _, _ =	vpop (xrf2)  }
0x10c: {  	(v2sf) =	vpush v6, $0xF  }
0x10d: {  	(v2sf) =	vpush @!p0 v5, $0x0  }
0x10e: {  	(v2sf) =	vpush @!p0 v5, $0x1;
	_ =	sdelay $0xb  }
0x10f: {  	s29 =	spop (v2sf)  }
0x110: {  	s28 =	spop (v2sf)  }
0x111: {  	s0 =	spop @!p0 (v2sf)  }
0x112: {  	s26 =	spop @!p0 (v2sf)  }
0x113: {  	s30 =	sadd.s32 @!p0 $0xFFFFFFF0, s26;
	s26 =	sand.u32 @!p0 $0x7, s26  }
0x114: {  	p1 =	slt.s32 @!p0 s30, $0x1;
	p2 =	sne.s32 @!p0 s26, $0x0  }
0x115: {  	s26 =	sshra.s32 @!p0 s30, $0x1F;
	p1 =	por @!p0 !p1, !p2  }
0x116: {  	s26 =	sshrl.u32 @!p0 s26, $0x1D;
	p1 =	por @!p0 !p1, !p1  }
0x117: {  	s26 =	sadd.s32 @!p0 s26, s30;
	s30 =	simm.s32 @!p0 $0x1;
	p1 =	por !p1, p0  }
0x118: {  	s26 =	sshrl.u32 @!p0 s26, $0x3;
	s30 =	simm.s32 @p1 $0x0  }
0x119: {  	s26 =	ssub.s32 @!p0 s26, s30  }
0x11a: {  	s0 =	sshll.u32 @!p0 s0, $0x9;
	s26 =	sshll.u32 @!p0 s26, $0x3  }
0x11b: {  	s0 =	sadd.s32 @!p0 s26, s0  }
0x11c: {  	s26 =	sadd.s32 @!p0 $0xFFFFE000, s0  }
0x11d: {  	s31 =	simm.s32 @!p0 $0x200;
	s26 =	sshrl.u32 @!p0 s26, $0x3  }
0x11e: {  	s1 =	simm.s32 @!p0 $0xC78;
	s30 =	simm.s32 @!p0 $0x28;
	s26 =	sadd.s32 @!p0 s4, s26  }
0x11f: {  	[tilespmem:s1], [sflag:$0x1] =	stream.strided.gather @!p0 [hbm4b:s26+s30], $0x500, s31, s30, $0x38;
	[tilespmem:$0x2AB8] =	vst v63  }
0x120: {  	s1 =	sadd.s32 @!p0 $0x3E000, s0  }
0x121: {  	s0 =	sadd.s32 @!p0 $0x7E000, s0;
	s1 =	sshrl.u32 @!p0 s1, $0x3  }
0x122: {  	s26 =	simm.s32 @!p0 $0x1178;
	s0 =	sshrl.u32 @!p0 s0, $0x3;
	s1 =	sadd.s32 @!p0 s4, s1  }
0x123: {  	[tilespmem:s26], [sflag:$0x1] =	stream.strided.gather @!p0 [hbm4b:s1+s30], $0x500, s31, s30, $0x38;
	[tilespmem:$0x2AB8] =	vst v63  }
0x124: {  	s0 =	sadd.s32 @!p0 s4, s0;
	s1 =	simm.s32 @!p0 $0x1678  }
0x125: {  	[tilespmem:s1], [sflag:$0x1] =	stream.strided.gather @!p0 [hbm4b:s0+s30], $0x500, s31, s30, $0x38;
	[tilespmem:$0x2AB8] =	vst v63  }
0x126: {  	_ =	swait.ge [sflag:s19], $0x500  }
0x127: {  	[sflag:s19] =	ssyncset.done $0x0  }
0x128: {  	[sflag:s19] =	ssyncadd.s32 $0xFFFFFB00  }
0x129: {  	_ =	swait.ge [sflag:s19], $0x500  }
0x12a: {  	[sflag:s19] =	ssyncset.done $0x0  }
0x12b: {  	[sflag:s19] =	ssyncadd.s32 $0xFFFFFB00  }
0x12c: {  	_ =	swait.ge [sflag:s19], $0x500  }
0x12d: {  	[sflag:s19] =	ssyncset.done $0x0  }
0x12e: {  	[sflag:s19] =	ssyncadd.s32 $0xFFFFFB00  }
0x12f: {  	v5 =	vld [tilespmem:s24+$0x0];
	_ =	sdelay $0x4  }
0x130: {  	(v2sf) =	vpush v5, $0x1;
	_ =	sdelay $0xe  }
0x131: {  	s0 =	spop (v2sf)  }
0x132: {  	s1 =	sadd.s32 $0xFFFFFFF0, s0;
	s24 =	sand.u32 $0x7, s0  }
0x133: {  	s31 =	sshra.s32 s1, $0x1F;
	p5 =	slt.s32 s1, $0x1;
	p6 =	sne.s32 s24, $0x0  }
0x134: {  	s26 =	sshrl.u32 s31, $0x1D;
	p0 =	por !p5, !p6  }
0x135: {  	s30 =	simm.s32 $0x1;
	s26 =	sadd.s32 s26, s1;
	p0 =	por !p0, !p0  }
0x136: {  	s26 =	sshrl.u32 s26, $0x3;
	s30 =	simm.s32 @!p0 $0x0  }
0x137: {  	s26 =	ssub.s32 s30, s26  }
0x138: {  	s26 =	sshll.u32 s26, $0x3  }
0x139: {  	s1 =	sadd.s32 s1, s26  }
0x13a: {  	s0 =	sadd.s32 s0, s26;
	s1 =	sshll.u32 s1, $0x2  }
0x13b: {  	s24 =	sshll.u32 s24, $0x2;
	s0 =	sshll.u32 s0, $0x2;
	s1 =	sand.u32 $0xFFFFFFE0, s1  }
0x13c: {  	s0 =	sand.u32 $0xFFFFFFE0, s0;
	s1 =	sor.u32 s24, s1  }
0x13d: {  	s0 =	sor.u32 s24, s0;
	s26 =	sshra.s32 s1, $0x2  }
0x13e: {  	s31 =	scvt.s32.f32 s29;
	s24 =	sshra.s32 s0, $0x2;
	s30 =	sadd.s32 $0x1B78, s26  }
0x13f: {  	s1 =	sadd.s32 $0x1B78, s24;
	v5 =	vmov s30;
	s30 =	simm.s32 $0x98  }
0x140: {  	s0 =	smul.f32 $7.812500000e-03, s31;
	v6 =	vmov s1;
	v14 =	vld [tilespmem:s30+$0x0]  }
0x141: {  	v10 =	vld [tilespmem:s30+$0xFFFFFFE0]  }
0x142: {  	s25 =	sand.u32 $0xE, s25;
	s0 =	sadd.f32 s28, s0;
	s28 =	sshrl.u32 s22, $0x3;
	v12 =	vld [tilespmem:s30+$0xFFFFFFF0]  }
0x143: {  	vm1 =	vmmov vm0;
	v7 =	vmov s25;
	s31 =	simm.s32 $0x28;
	p0 =	seq.s32 s28, $0x0;
	v11 =	vld [tilespmem:s30+$0x10]  }
0x144: {  	vm5 =	veq.s32 v7, v0;
	s0 =	ssub.f32 $3.072000000e+03, s0;
	vm1 =	vmneg @p0 vm1;
	v13 =	vld.idx.msk [tilespmem:v5+s31+$0xFFFFFFD8 ss:$0x1], $0xffff  }
0x145: {  	vm2 =	vmmov vm0;
	p0 =	seq.s32 s28, $0x1;
	vm3 =	vmand vm1, vm5;
	v16 =	vld.idx.msk [tilespmem:v6+s31+$0xFFFFFFD8 ss:$0x1], $0xffff  }
0x146: {  	vm2 =	vmneg @p0 vm2;
	p0 =	seq.s32 s28, $0x2;
	v4 =	vsel vm3, s0, v4;
	vm3 =	vmmov vm0;
	v17 =	vld.idx.msk [tilespmem:v5+s31+$0x0 ss:$0x1], $0xffff  }
0x147: {  	vm4 =	vmmov vm0;
	s25 =	simm.s32 $0xD8;
	p1 =	seq.s32 s28, $0x3;
	vm6 =	vmand vm2, vm5;
	v7 =	vld.idx.msk [tilespmem:v6+s31+$0x0 ss:$0x1], $0xffff;
	vm3 =	vmneg @p0 vm3  }
0x148: {  	v8 =	vld [tilespmem:s25+$0x0];
	vm4 =	vmneg @p1 vm4;
	v3 =	vsel vm6, s0, v3;
	vm6 =	vmand vm3, vm5  }
0x149: {  	v9 =	vld [tilespmem:s25+$0xFFFFFFE0];
	vm5 =	vmand vm4, vm5;
	v2 =	vsel vm6, s0, v2  }
0x14a: {  	v1 =	vsel vm5, s0, v1;
	s0 =	simm.s32 $0x78;
	v15 =	vsub.f32 v13, v10;
	v10 =	vld [tilespmem:s25+$0xFFFFFFF0];
	v16 =	vsub.f32 v16, v12  }
0x14b: {  	s28 =	simm.s32 $0x320;
	v13 =	vimm.f32 $0.0e+00;
	v12 =	vld.idx.msk [tilespmem:v5+s0+$0xFFFFFFD8 ss:$0x1], $0xffff;
	v14 =	vsub.f32 v17, v14  }
.LBB2_15:
0x14c: {  	p0 =	sne.s32 s28, $0x960;
	v17 =	vld.idx.msk [tilespmem:v6+s0+$0xFFFFFFD8 ss:$0x1], $0xffff;
	v15 =	vmul.f32 v15, v15;
	v16 =	vmul.f32 v16, v16;
	v11 =	vsub.f32 v7, v11  }
0x14d: {  	v18 =	vld.idx.msk [tilespmem:v5+s0+$0x0 ss:$0x1], $0xffff;
	v19 =	vmov v8  }
0x14e: {  	v14 =	vmul.f32 v14, v14;
	v7 =	vld.idx.msk [tilespmem:v6+s0+$0x0 ss:$0x1], $0xffff;
	v15 =	vadd.f32 v16, v15;
	v16 =	vmul.f32 v11, v11  }
.Ltmp6:
0x14f: {  	v11 =	vld [tilespmem:s25+$0x10];
	s25 =	sadd.s32 $0x40, s25;
	(pc) =	sbr.rel @p0 .LBB2_15-.Ltmp6, $4  }
0x150: {  	v8 =	vld [tilespmem:s25+$0x0];
	v13 =	vadd.f32 v15, v13;
	v14 =	vadd.f32 v16, v14  }
0x151: {  	v15 =	vsub.f32 v12, v9;
	v9 =	vld [tilespmem:s25+$0xFFFFFFE0]  }
0x152: {  	s0 =	sshra.s32 s28, $0x2;
	v16 =	vsub.f32 v17, v10;
	v10 =	vld [tilespmem:s25+$0xFFFFFFF0];
	v13 =	vadd.f32 v14, v13  }
0x153: {  	s28 =	sadd.s32 $0x140, s28;
	v14 =	vsub.f32 v18, v19;
	v12 =	vld.idx.msk [tilespmem:v5+s0+$0xFFFFFFD8 ss:$0x1], $0xffff  }
0x154: {  	_ =	sdelay $0x3  }
0x155: {  	v17 =	vld.idx.msk [tilespmem:v6+s0+$0xFFFFFFD8 ss:$0x1], $0xffff  }
0x156: {  	v15 =	vmul.f32 v15, v15;
	v16 =	vmul.f32 v16, v16;
	v5 =	vld.idx.msk [tilespmem:v5+s0+$0x0 ss:$0x1], $0xffff  }
0x157: {  	s1 =	sadd.s32 $0x1E20, s26;
	v18 =	vld.idx.msk [tilespmem:v6+s0+$0x0 ss:$0x1], $0xffff  }
0x158: {  	s29 =	sadd.s32 $0x1E20, s24;
	v11 =	vsub.f32 v7, v11;
	s30 =	simm.s32 $0x2A8;
	v6 =	vmov s1;
	v15 =	vadd.f32 v16, v15;
	v16 =	vld [tilespmem:s25+$0x10]  }
0x159: {  	v7 =	vmov s29;
	v19 =	vld [tilespmem:s30+$0xFFFFFFF0]  }
0x15a: {  	v14 =	vmul.f32 v14, v14;
	v11 =	vmul.f32 v11, v11;
	v13 =	vadd.f32 v15, v13;
	v15 =	vld [tilespmem:s30+$0xFFFFFFD0]  }
0x15b: {  	v9 =	vsub.f32 v12, v9;
	v12 =	vld [tilespmem:s30+$0x0];
	v10 =	vsub.f32 v17, v10  }
0x15c: {  	s31 =	simm.s32 $0x0;
	v11 =	vadd.f32 v11, v14;
	v17 =	vld [tilespmem:s30+$0xFFFFFFE0];
	v5 =	vsub.f32 v5, v8  }
0x15d: {  	v14 =	vld.idx.msk [tilespmem:v6+s31+$0xFFFFFFD8 ss:$0x1], $0xffff;
	v8 =	vmul.f32 v9, v9;
	v9 =	vmul.f32 v10, v10;
	v10 =	vsub.f32 v18, v16  }
0x15e: {  	v18 =	vld.idx.msk [tilespmem:v7+s31+$0xFFFFFFD8 ss:$0x1], $0xffff  }
0x15f: {  	v20 =	vld.idx.msk [tilespmem:v6+s31+$0x0 ss:$0x1], $0xffff;
	v5 =	vmul.f32 v5, v5;
	v10 =	vmul.f32 v10, v10  }
0x160: {  	s25 =	simm.s32 $0x2E8;
	v11 =	vadd.f32 v11, v13;
	v9 =	vadd.f32 v9, v8;
	v8 =	vld.idx.msk [tilespmem:v7+s31+$0x0 ss:$0x1], $0xffff  }
0x161: {  	s0 =	simm.s32 $0x50;
	v5 =	vadd.f32 v10, v5;
	v10 =	vld [tilespmem:s25+$0xFFFFFFF0]  }
0x162: {  	v13 =	vld.idx.msk [tilespmem:v6+s0+$0xFFFFFFD8 ss:$0x1], $0xffff;
	v11 =	vadd.f32 v9, v11  }
0x163: {  	v9 =	vld [tilespmem:s25+$0xFFFFFFD0];
	v16 =	vsub.f32 v14, v15;
	v17 =	vsub.f32 v18, v17  }
0x164: {  	s28 =	simm.s32 $0x280;
	v14 =	vimm.f32 $0.0e+00;
	v15 =	vsub.f32 v20, v19;
	v5 =	vadd.f32 v5, v11;
	v11 =	vld [tilespmem:s25+$0xFFFFFFE0]  }
.LBB2_17:
0x165: {  	p0 =	sne.s32 s28, $0x8C0;
	v18 =	vld.idx.msk [tilespmem:v7+s0+$0xFFFFFFD8 ss:$0x1], $0xffff;
	v16 =	vmul.f32 v16, v16;
	v17 =	vmul.f32 v17, v17;
	v12 =	vsub.f32 v8, v12  }
0x166: {  	v19 =	vld.idx.msk [tilespmem:v6+s0+$0x0 ss:$0x1], $0xffff;
	v20 =	vmov v10  }
0x167: {  	v15 =	vmul.f32 v15, v15;
	v8 =	vld.idx.msk [tilespmem:v7+s0+$0x0 ss:$0x1], $0xffff;
	v16 =	vadd.f32 v17, v16;
	v17 =	vmul.f32 v12, v12  }
.Ltmp7:
0x168: {  	v12 =	vld [tilespmem:s25+$0x0];
	s25 =	sadd.s32 $0x40, s25;
	(pc) =	sbr.rel @p0 .LBB2_17-.Ltmp7, $4  }
0x169: {  	v10 =	vld [tilespmem:s25+$0xFFFFFFF0];
	v14 =	vadd.f32 v16, v14;
	v15 =	vadd.f32 v17, v15  }
0x16a: {  	v16 =	vsub.f32 v13, v9;
	v9 =	vld [tilespmem:s25+$0xFFFFFFD0]  }
0x16b: {  	s0 =	sshra.s32 s28, $0x2;
	v17 =	vsub.f32 v18, v11;
	v11 =	vld [tilespmem:s25+$0xFFFFFFE0];
	v14 =	vadd.f32 v15, v14  }
0x16c: {  	s28 =	sadd.s32 $0x140, s28;
	v15 =	vsub.f32 v19, v20;
	v13 =	vld.idx.msk [tilespmem:v6+s0+$0xFFFFFFD8 ss:$0x1], $0xffff  }
0x16d: {  	_ =	sdelay $0x3  }
0x16e: {  	v18 =	vld.idx.msk [tilespmem:v7+s0+$0xFFFFFFD8 ss:$0x1], $0xffff  }
0x16f: {  	v16 =	vmul.f32 v16, v16;
	v17 =	vmul.f32 v17, v17;
	v6 =	vld.idx.msk [tilespmem:v6+s0+$0x0 ss:$0x1], $0xffff  }
0x170: {  	s1 =	sadd.s32 $0x20A0, s26;
	v19 =	vld.idx.msk [tilespmem:v7+s0+$0x0 ss:$0x1], $0xffff  }
0x171: {  	s29 =	sadd.s32 $0x20A0, s24;
	v12 =	vsub.f32 v8, v12;
	s30 =	simm.s32 $0x4A8;
	v7 =	vmov s1;
	v16 =	vadd.f32 v17, v16;
	v17 =	vld [tilespmem:s25+$0x0]  }
0x172: {  	v8 =	vmov s29;
	v20 =	vld [tilespmem:s30+$0xFFFFFFF0]  }
0x173: {  	v15 =	vmul.f32 v15, v15;
	v12 =	vmul.f32 v12, v12;
	v14 =	vadd.f32 v16, v14;
	v16 =	vld [tilespmem:s30+$0xFFFFFFD0]  }
0x174: {  	v9 =	vsub.f32 v13, v9;
	v13 =	vld [tilespmem:s30+$0x0];
	v11 =	vsub.f32 v18, v11  }
0x175: {  	s31 =	simm.s32 $0x0;
	v12 =	vadd.f32 v12, v15;
	v18 =	vld [tilespmem:s30+$0xFFFFFFE0]  }
0x176: {  	v6 =	vsub.f32 v6, v10;
	v15 =	vld.idx.msk [tilespmem:v7+s31+$0xFFFFFFD8 ss:$0x1], $0xffff;
	v10 =	vmul.f32 v11, v11;
	v11 =	vsub.f32 v19, v17  }
0x177: {  	v9 =	vmul.f32 v9, v9;
	v19 =	vld.idx.msk [tilespmem:v8+s31+$0xFFFFFFD8 ss:$0x1], $0xffff  }
0x178: {  	v21 =	vld.idx.msk [tilespmem:v7+s31+$0x0 ss:$0x1], $0xffff;
	v6 =	vmul.f32 v6, v6;
	v11 =	vmul.f32 v11, v11  }
0x179: {  	s25 =	simm.s32 $0x4E8;
	v12 =	vadd.f32 v12, v14;
	v10 =	vadd.f32 v10, v9;
	v9 =	vld.idx.msk [tilespmem:v8+s31+$0x0 ss:$0x1], $0xffff  }
0x17a: {  	s0 =	simm.s32 $0x50;
	v6 =	vadd.f32 v11, v6;
	v11 =	vld [tilespmem:s25+$0xFFFFFFF0]  }
0x17b: {  	v14 =	vld.idx.msk [tilespmem:v7+s0+$0xFFFFFFD8 ss:$0x1], $0xffff;
	v12 =	vadd.f32 v10, v12  }
0x17c: {  	v10 =	vld [tilespmem:s25+$0xFFFFFFD0];
	v17 =	vsub.f32 v15, v16;
	v18 =	vsub.f32 v19, v18  }
0x17d: {  	s28 =	simm.s32 $0x280;
	v15 =	vimm.f32 $0.0e+00;
	v16 =	vsub.f32 v21, v20;
	v6 =	vadd.f32 v6, v12;
	v12 =	vld [tilespmem:s25+$0xFFFFFFE0]  }
.LBB2_19:
0x17e: {  	p0 =	sne.s32 s28, $0x8C0;
	v19 =	vld.idx.msk [tilespmem:v8+s0+$0xFFFFFFD8 ss:$0x1], $0xffff;
	v17 =	vmul.f32 v17, v17;
	v18 =	vmul.f32 v18, v18;
	v13 =	vsub.f32 v9, v13  }
0x17f: {  	v20 =	vld.idx.msk [tilespmem:v7+s0+$0x0 ss:$0x1], $0xffff;
	v21 =	vmov v11  }
0x180: {  	v16 =	vmul.f32 v16, v16;
	v9 =	vld.idx.msk [tilespmem:v8+s0+$0x0 ss:$0x1], $0xffff;
	v17 =	vadd.f32 v18, v17;
	v18 =	vmul.f32 v13, v13  }
.Ltmp8:
0x181: {  	v13 =	vld [tilespmem:s25+$0x0];
	s25 =	sadd.s32 $0x40, s25;
	(pc) =	sbr.rel @p0 .LBB2_19-.Ltmp8, $4  }
0x182: {  	v11 =	vld [tilespmem:s25+$0xFFFFFFF0];
	v15 =	vadd.f32 v17, v15;
	v16 =	vadd.f32 v18, v16  }
0x183: {  	v17 =	vsub.f32 v14, v10;
	v10 =	vld [tilespmem:s25+$0xFFFFFFD0]  }
0x184: {  	s0 =	sshra.s32 s28, $0x2;
	v18 =	vsub.f32 v19, v12;
	v12 =	vld [tilespmem:s25+$0xFFFFFFE0];
	v15 =	vadd.f32 v16, v15  }
0x185: {  	s28 =	sadd.s32 $0x140, s28;
	v16 =	vsub.f32 v20, v21;
	v14 =	vld.idx.msk [tilespmem:v7+s0+$0xFFFFFFD8 ss:$0x1], $0xffff  }
0x186: {  	_ =	sdelay $0x3  }
0x187: {  	v19 =	vld.idx.msk [tilespmem:v8+s0+$0xFFFFFFD8 ss:$0x1], $0xffff  }
0x188: {  	v17 =	vmul.f32 v17, v17;
	v18 =	vmul.f32 v18, v18;
	v7 =	vld.idx.msk [tilespmem:v7+s0+$0x0 ss:$0x1], $0xffff  }
0x189: {  	s1 =	sadd.s32 $0x2320, s26;
	v20 =	vld.idx.msk [tilespmem:v8+s0+$0x0 ss:$0x1], $0xffff  }
0x18a: {  	s29 =	sadd.s32 $0x2320, s24;
	v13 =	vsub.f32 v9, v13;
	s30 =	simm.s32 $0x6A8;
	v8 =	vmov s1;
	v17 =	vadd.f32 v18, v17;
	v18 =	vld [tilespmem:s25+$0x0]  }
0x18b: {  	v9 =	vmov s29;
	v21 =	vld [tilespmem:s30+$0xFFFFFFF0]  }
0x18c: {  	v16 =	vmul.f32 v16, v16;
	v13 =	vmul.f32 v13, v13;
	v15 =	vadd.f32 v17, v15;
	v17 =	vld [tilespmem:s30+$0xFFFFFFD0]  }
0x18d: {  	v10 =	vsub.f32 v14, v10;
	v14 =	vld [tilespmem:s30+$0x0];
	v12 =	vsub.f32 v19, v12  }
0x18e: {  	s31 =	simm.s32 $0x0;
	v13 =	vadd.f32 v13, v16;
	v19 =	vld [tilespmem:s30+$0xFFFFFFE0]  }
0x18f: {  	v7 =	vsub.f32 v7, v11;
	v16 =	vld.idx.msk [tilespmem:v8+s31+$0xFFFFFFD8 ss:$0x1], $0xffff;
	v11 =	vmul.f32 v12, v12;
	v12 =	vsub.f32 v20, v18  }
0x190: {  	v10 =	vmul.f32 v10, v10;
	v20 =	vld.idx.msk [tilespmem:v9+s31+$0xFFFFFFD8 ss:$0x1], $0xffff  }
0x191: {  	v22 =	vld.idx.msk [tilespmem:v8+s31+$0x0 ss:$0x1], $0xffff;
	v7 =	vmul.f32 v7, v7;
	v12 =	vmul.f32 v12, v12  }
0x192: {  	s25 =	simm.s32 $0x6E8;
	v13 =	vadd.f32 v13, v15;
	v11 =	vadd.f32 v11, v10;
	v10 =	vld.idx.msk [tilespmem:v9+s31+$0x0 ss:$0x1], $0xffff  }
0x193: {  	s0 =	simm.s32 $0x50;
	v7 =	vadd.f32 v12, v7;
	v12 =	vld [tilespmem:s25+$0xFFFFFFF0]  }
0x194: {  	v15 =	vld.idx.msk [tilespmem:v8+s0+$0xFFFFFFD8 ss:$0x1], $0xffff;
	v13 =	vadd.f32 v11, v13  }
0x195: {  	v11 =	vld [tilespmem:s25+$0xFFFFFFD0];
	v18 =	vsub.f32 v16, v17;
	v19 =	vsub.f32 v20, v19  }
0x196: {  	s28 =	simm.s32 $0x280;
	v16 =	vimm.f32 $0.0e+00;
	v17 =	vsub.f32 v22, v21;
	v7 =	vadd.f32 v7, v13;
	v13 =	vld [tilespmem:s25+$0xFFFFFFE0]  }
.LBB2_21:
0x197: {  	p0 =	sne.s32 s28, $0x8C0;
	v20 =	vld.idx.msk [tilespmem:v9+s0+$0xFFFFFFD8 ss:$0x1], $0xffff;
	v18 =	vmul.f32 v18, v18;
	v19 =	vmul.f32 v19, v19;
	v14 =	vsub.f32 v10, v14  }
0x198: {  	v21 =	vld.idx.msk [tilespmem:v8+s0+$0x0 ss:$0x1], $0xffff;
	v22 =	vmov v12  }
0x199: {  	v17 =	vmul.f32 v17, v17;
	v10 =	vld.idx.msk [tilespmem:v9+s0+$0x0 ss:$0x1], $0xffff;
	v18 =	vadd.f32 v19, v18;
	v19 =	vmul.f32 v14, v14  }
.Ltmp9:
0x19a: {  	v14 =	vld [tilespmem:s25+$0x0];
	s25 =	sadd.s32 $0x40, s25;
	(pc) =	sbr.rel @p0 .LBB2_21-.Ltmp9, $4  }
0x19b: {  	v12 =	vld [tilespmem:s25+$0xFFFFFFF0];
	v16 =	vadd.f32 v18, v16;
	v17 =	vadd.f32 v19, v17  }
0x19c: {  	v18 =	vsub.f32 v15, v11;
	v11 =	vld [tilespmem:s25+$0xFFFFFFD0]  }
0x19d: {  	s0 =	sshra.s32 s28, $0x2;
	v19 =	vsub.f32 v20, v13;
	v13 =	vld [tilespmem:s25+$0xFFFFFFE0];
	v16 =	vadd.f32 v17, v16  }
0x19e: {  	s28 =	sadd.s32 $0x140, s28;
	v17 =	vsub.f32 v21, v22;
	v15 =	vld.idx.msk [tilespmem:v8+s0+$0xFFFFFFD8 ss:$0x1], $0xffff  }
0x19f: {  	_ =	sdelay $0x3  }
0x1a0: {  	v20 =	vld.idx.msk [tilespmem:v9+s0+$0xFFFFFFD8 ss:$0x1], $0xffff  }
0x1a1: {  	v18 =	vmul.f32 v18, v18;
	v19 =	vmul.f32 v19, v19;
	v8 =	vld.idx.msk [tilespmem:v8+s0+$0x0 ss:$0x1], $0xffff  }
0x1a2: {  	s1 =	sadd.s32 $0x25A0, s26;
	v21 =	vld.idx.msk [tilespmem:v9+s0+$0x0 ss:$0x1], $0xffff  }
0x1a3: {  	s29 =	sadd.s32 $0x25A0, s24;
	v14 =	vsub.f32 v10, v14;
	s30 =	simm.s32 $0x8A8;
	v9 =	vmov s1;
	v18 =	vadd.f32 v19, v18;
	v19 =	vld [tilespmem:s25+$0x0]  }
0x1a4: {  	v10 =	vmov s29;
	v22 =	vld [tilespmem:s30+$0xFFFFFFF0]  }
0x1a5: {  	v17 =	vmul.f32 v17, v17;
	v14 =	vmul.f32 v14, v14;
	v16 =	vadd.f32 v18, v16;
	v18 =	vld [tilespmem:s30+$0xFFFFFFD0]  }
0x1a6: {  	v11 =	vsub.f32 v15, v11;
	v15 =	vld [tilespmem:s30+$0x0];
	v13 =	vsub.f32 v20, v13  }
0x1a7: {  	s31 =	simm.s32 $0x0;
	v14 =	vadd.f32 v14, v17;
	v20 =	vld [tilespmem:s30+$0xFFFFFFE0];
	v8 =	vsub.f32 v8, v12  }
0x1a8: {  	v17 =	vld.idx.msk [tilespmem:v9+s31+$0xFFFFFFD8 ss:$0x1], $0xffff;
	v11 =	vmul.f32 v11, v11;
	v12 =	vmul.f32 v13, v13;
	v13 =	vsub.f32 v21, v19  }
0x1a9: {  	v21 =	vld.idx.msk [tilespmem:v10+s31+$0xFFFFFFD8 ss:$0x1], $0xffff  }
0x1aa: {  	v23 =	vld.idx.msk [tilespmem:v9+s31+$0x0 ss:$0x1], $0xffff;
	v8 =	vmul.f32 v8, v8;
	v11 =	vadd.f32 v12, v11;
	v12 =	vmul.f32 v13, v13  }
0x1ab: {  	s25 =	simm.s32 $0x8E8;
	v16 =	vadd.f32 v14, v16;
	v14 =	vld.idx.msk [tilespmem:v10+s31+$0x0 ss:$0x1], $0xffff  }
0x1ac: {  	v8 =	vadd.f32 v12, v8;
	v12 =	vld [tilespmem:s25+$0xFFFFFFF0]  }
0x1ad: {  	s0 =	simm.s32 $0x50;
	v13 =	vadd.f32 v11, v16;
	v11 =	vld [tilespmem:s25+$0xFFFFFFD0]  }
0x1ae: {  	v19 =	vsub.f32 v17, v18;
	v16 =	vld.idx.msk [tilespmem:v9+s0+$0xFFFFFFD8 ss:$0x1], $0xffff;
	v20 =	vsub.f32 v21, v20  }
0x1af: {  	s28 =	simm.s32 $0x280;
	v17 =	vimm.f32 $0.0e+00;
	v18 =	vsub.f32 v23, v22;
	v8 =	vadd.f32 v8, v13;
	v13 =	vld [tilespmem:s25+$0xFFFFFFE0]  }
.LBB2_23:
0x1b0: {  	p0 =	sne.s32 s28, $0x8C0;
	v21 =	vld.idx.msk [tilespmem:v10+s0+$0xFFFFFFD8 ss:$0x1], $0xffff;
	v19 =	vmul.f32 v19, v19;
	v20 =	vmul.f32 v20, v20;
	v15 =	vsub.f32 v14, v15  }
0x1b1: {  	v22 =	vld.idx.msk [tilespmem:v9+s0+$0x0 ss:$0x1], $0xffff;
	v23 =	vmov v12  }
0x1b2: {  	v18 =	vmul.f32 v18, v18;
	v14 =	vld.idx.msk [tilespmem:v10+s0+$0x0 ss:$0x1], $0xffff;
	v19 =	vadd.f32 v20, v19;
	v20 =	vmul.f32 v15, v15  }
.Ltmp10:
0x1b3: {  	v15 =	vld [tilespmem:s25+$0x0];
	s25 =	sadd.s32 $0x40, s25;
	(pc) =	sbr.rel @p0 .LBB2_23-.Ltmp10, $4  }
0x1b4: {  	v12 =	vld [tilespmem:s25+$0xFFFFFFF0];
	v17 =	vadd.f32 v19, v17;
	v18 =	vadd.f32 v20, v18  }
0x1b5: {  	v19 =	vsub.f32 v16, v11;
	v11 =	vld [tilespmem:s25+$0xFFFFFFD0]  }
0x1b6: {  	s0 =	sshra.s32 s28, $0x2;
	v20 =	vsub.f32 v21, v13;
	v13 =	vld [tilespmem:s25+$0xFFFFFFE0];
	v17 =	vadd.f32 v18, v17  }
0x1b7: {  	s28 =	sadd.s32 $0x140, s28;
	v18 =	vsub.f32 v22, v23;
	v16 =	vld.idx.msk [tilespmem:v9+s0+$0xFFFFFFD8 ss:$0x1], $0xffff  }
0x1b8: {  	_ =	sdelay $0x3  }
0x1b9: {  	v21 =	vld.idx.msk [tilespmem:v10+s0+$0xFFFFFFD8 ss:$0x1], $0xffff  }
0x1ba: {  	v19 =	vmul.f32 v19, v19;
	v20 =	vmul.f32 v20, v20;
	v22 =	vld.idx.msk [tilespmem:v9+s0+$0x0 ss:$0x1], $0xffff;
	s1 =	sadd.s32 $0x2820, s26  }
0x1bb: {  	v23 =	vld.idx.msk [tilespmem:v10+s0+$0x0 ss:$0x1], $0xffff;
	s29 =	sadd.s32 $0x2820, s24;
	v9 =	vmov s1  }
0x1bc: {  	v14 =	vsub.f32 v14, v15;
	s30 =	simm.s32 $0xAA8;
	v10 =	vmov s29;
	v15 =	vadd.f32 v20, v19;
	v19 =	vld [tilespmem:s25+$0x0]  }
0x1bd: {  	v20 =	vld [tilespmem:s30+$0xFFFFFFF0]  }
0x1be: {  	v18 =	vmul.f32 v18, v18;
	v14 =	vmul.f32 v14, v14;
	v15 =	vadd.f32 v15, v17;
	v17 =	vld [tilespmem:s30+$0xFFFFFFD0]  }
0x1bf: {  	s31 =	simm.s32 $0x0;
	v11 =	vsub.f32 v16, v11;
	v13 =	vsub.f32 v21, v13;
	v21 =	vld [tilespmem:s30+$0xFFFFFFE0]  }
0x1c0: {  	v14 =	vadd.f32 v14, v18;
	v18 =	vld.idx.msk [tilespmem:v9+s31+$0xFFFFFFD8 ss:$0x1], $0xffff  }
0x1c1: {  	v12 =	vsub.f32 v22, v12;
	v11 =	vmul.f32 v11, v11;
	v22 =	vld.idx.msk [tilespmem:v10+s31+$0xFFFFFFD8 ss:$0x1], $0xffff;
	v13 =	vmul.f32 v13, v13  }
0x1c2: {  	v15 =	vadd.f32 v14, v15;
	v14 =	vld.idx.msk [tilespmem:v10+s31+$0x0 ss:$0x1], $0xffff;
	v16 =	vsub.f32 v23, v19  }
0x1c3: {  	v23 =	vld.idx.msk [tilespmem:v9+s31+$0x0 ss:$0x1], $0xffff;
	v11 =	vadd.f32 v13, v11  }
0x1c4: {  	s24 =	simm.s32 $0xAE8;
	v12 =	vmul.f32 v12, v12;
	v13 =	vmul.f32 v16, v16;
	v16 =	vld [tilespmem:s30+$0x0]  }
0x1c5: {  	v11 =	vadd.f32 v11, v15;
	v15 =	vld [tilespmem:s24+$0xFFFFFFF0]  }
0x1c6: {  	s0 =	simm.s32 $0x50;
	v13 =	vadd.f32 v13, v12;
	v12 =	vld [tilespmem:s24+$0xFFFFFFD0]  }
0x1c7: {  	v19 =	vsub.f32 v18, v17;
	v21 =	vsub.f32 v22, v21;
	v18 =	vld.idx.msk [tilespmem:v9+s0+$0xFFFFFFD8 ss:$0x1], $0xffff  }
0x1c8: {  	s25 =	simm.s32 $0x280;
	v17 =	vimm.f32 $0.0e+00;
	v20 =	vsub.f32 v23, v20;
	v11 =	vadd.f32 v13, v11;
	v13 =	vld [tilespmem:s24+$0xFFFFFFE0]  }
.LBB2_25:
0x1c9: {  	p0 =	sne.s32 s25, $0x8C0;
	v22 =	vld.idx.msk [tilespmem:v10+s0+$0xFFFFFFD8 ss:$0x1], $0xffff;
	v19 =	vmul.f32 v19, v19;
	v21 =	vmul.f32 v21, v21;
	v16 =	vsub.f32 v14, v16  }
0x1ca: {  	v23 =	vld.idx.msk [tilespmem:v9+s0+$0x0 ss:$0x1], $0xffff;
	v24 =	vmov v15  }
0x1cb: {  	v20 =	vmul.f32 v20, v20;
	v14 =	vld.idx.msk [tilespmem:v10+s0+$0x0 ss:$0x1], $0xffff;
	v19 =	vadd.f32 v21, v19;
	v21 =	vmul.f32 v16, v16  }
.Ltmp11:
0x1cc: {  	v16 =	vld [tilespmem:s24+$0x0];
	s24 =	sadd.s32 $0x40, s24;
	(pc) =	sbr.rel @p0 .LBB2_25-.Ltmp11, $4  }
0x1cd: {  	v15 =	vld [tilespmem:s24+$0xFFFFFFF0];
	v17 =	vadd.f32 v19, v17;
	v20 =	vadd.f32 v21, v20  }
0x1ce: {  	v19 =	vsub.f32 v18, v12;
	v12 =	vld [tilespmem:s24+$0xFFFFFFD0]  }
0x1cf: {  	s0 =	sshra.s32 s25, $0x2;
	v21 =	vsub.f32 v22, v13;
	v13 =	vld [tilespmem:s24+$0xFFFFFFE0];
	v17 =	vadd.f32 v20, v17  }
0x1d0: {  	s25 =	sadd.s32 $0x140, s25;
	v20 =	vsub.f32 v23, v24;
	v18 =	vld.idx.msk [tilespmem:v9+s0+$0xFFFFFFD8 ss:$0x1], $0xffff  }
0x1d1: {  	_ =	sdelay $0x3  }
0x1d2: {  	v22 =	vld.idx.msk [tilespmem:v10+s0+$0xFFFFFFD8 ss:$0x1], $0xffff  }
0x1d3: {  	v19 =	vmul.f32 v19, v19;
	v21 =	vmul.f32 v21, v21;
	v9 =	vld.idx.msk [tilespmem:v9+s0+$0x0 ss:$0x1], $0xffff  }
0x1d4: {  	v61 =	vld.idx.msk [tilespmem:v10+s0+$0x0 ss:$0x1], $0xffff  }
0x1d5: {  	v14 =	vsub.f32 v14, v16;
	v63 =	vld [tilespmem:s24+$0x0];
	v62 =	vadd.f32 v21, v19;
	_ =	sdelay $0x1  }
0x1d6: {  	v20 =	vmul.f32 v20, v20;
	v14 =	vmul.f32 v14, v14;
	v16 =	vadd.f32 v62, v17  }
0x1d7: {  	v12 =	vsub.f32 v18, v12;
	v13 =	vsub.f32 v22, v13  }
0x1d8: {  	v14 =	vadd.f32 v14, v20;
	v9 =	vsub.f32 v9, v15  }
0x1d9: {  	v10 =	vsub.f32 v61, v63;
	v12 =	vmul.f32 v12, v12;
	v13 =	vmul.f32 v13, v13  }
0x1da: {  	v14 =	vadd.f32 v14, v16  }
0x1db: {  	v9 =	vmul.f32 v9, v9;
	v10 =	vmul.f32 v10, v10;
	v12 =	vadd.f32 v13, v12;
	_ =	sdelay $0x1  }
0x1dc: {  	v9 =	vadd.f32 v10, v9;
	v12 =	vadd.f32 v12, v14  }
0x1dd: {  	v5 =	vadd.f32 v6, v5  }
0x1de: {  	v6 =	vadd.f32 v8, v7;
	v9 =	vadd.f32 v9, v12;
	_ =	sdelay $0x1  }
0x1df: {  	v5 =	vadd.f32 v6, v5;
	v6 =	vadd.f32 v9, v11;
	_ =	sdelay $0x1  }
0x1e0: {  	v5 =	vadd.f32 v6, v5;
	_ =	sdelay $0x1  }
0x1e1: {  	v6 =	vmul.f32 $1.280000000e+02, v5;
	_ =	sdelay $0x1  }
0x1e2: {  	v6 =	vtrunc.f32 v6  }
0x1e3: {  	v6 =	vcvt.f32.s32 v6;
	_ =	sdelay $0x1  }
0x1e4: {  	v7 =	vcvt.s32.f32 v6;
	_ =	sdelay $0x1  }
0x1e5: {  	v7 =	vmul.f32 $-7.812500000e-03, v7;
	_ =	sdelay $0x1  }
0x1e6: {  	v5 =	vadd.f32 v7, v5  }
0x1e7: {  	(xrf0) =	vadd.scan.msk.s32 $0xffff, v6  }
0x1e8: {  	(xrf2) =	vadd.scan.msk.f32 $0xffff, v5;
	_ =	sdelay $0x5  }
0x1e9: {  	v5, _, _ =	vpop (xrf0)  }
0x1ea: {  	(v2sf) =	vpush v5, $0xF;
	_ =	sdelay $0x2  }
0x1eb: {  	v5, _, _ =	vpop (xrf2)  }
0x1ec: {  	(v2sf) =	vpush v5, $0xF;
	_ =	sdelay $0xa  }
0x1ed: {  	s30 =	spop (v2sf)  }
0x1ee: {  	s0 =	scvt.s32.f32 s30;
	_ =	sdelay $0x1  }
0x1ef: {  	s0 =	smul.f32 $7.812500000e-03, s0  }
0x1f0: {  	s1 =	spop (v2sf)  }
0x1f1: {  	s31 =	sand.u32 $0xF, s23;
	s22 =	sadd.s32 $0x1, s22;
	s0 =	sadd.f32 s1, s0  }
0x1f2: {  	p0 =	sne.s32 s22, $0x19;
	v5 =	vmov s31  }
.Ltmp12:
0x1f3: {  	vm5 =	veq.s32 v5, v0;
	s0 =	ssub.f32 $3.072000000e+03, s0;
	(pc) =	sbr.rel @p0 .LBB2_2-.Ltmp12, $4  }
0x1f4: {  	vm1 =	vmand vm1, vm5  }
0x1f5: {  	v4 =	vsel vm1, s0, v4  }
0x1f6: {  	vm1 =	vmand vm2, vm5;
	vm2 =	vmand vm3, vm5;
	vm3 =	vmand vm4, vm5  }
0x1f7: {  	v3 =	vsel vm1, s0, v3;
	v2 =	vsel vm2, s0, v2;
	v1 =	vsel vm3, s0, v1  }
0x1f8: {  	[tilespmem:$0x2A78] =	vst v4  }
0x1f9: {  	[tilespmem:$0x2A88] =	vst v3;
	s21 =	sadd.s32 $0x1, s21  }
0x1fa: {  	[tilespmem:$0x2A98] =	vst v2;
	p0 =	sne.s32 s21, s7  }
.Ltmp13:
0x1fb: {  	[tilespmem:$0x2AA8] =	vst v1;
	(pc) =	sbr.rel @p0 .LBB2_1-.Ltmp13, $4  }
0x1fc: {  	[hbm4b:s6+s3] =	stream.linear.scatter [tilespmem:s20], [sflag:$0x3], $0x40, $0x38;
	[tilespmem:$0x2AB8] =	vst v63  }
0x1fd: {  	_ =	swait.ge [sflag:s8], $0x40  }
0x1fe: {  	[sflag:s8] =	ssyncset.done $0x0  }
0x1ff: {  	[sflag:s8] =	ssyncadd.s32 $0xFFFFFFC0  }
0x200: {  	_ =	sfence.sel $0x180000  }
0x201: {  	[bflag:$0x0] =	sbarrier.arrive $0xFFFF  }
0x202: {  	_ =	strace $0x90000047  }
0x203: {  	s0 =	stileid.u32;
	[bflag:$0x2] =	sbarrier.arrive $0xFFFF  }
0x204: {  	p0 =	sne.s32 s0, $0x0;
	s0 =	rddreg [dreg:$0x3]  }
0x205: {  	s0 =	sadd.s32 @!p0 $0x100000, s0  }
0x206: {  	[sflag:s0] =	ssyncadd.tile.s32 @!p0 $0x1;
	_ =	shalt  }
.Lfunc_end2:
_tile_overlayer_lowered:
.L_overlay_start_2:
0x207: {  	(tag) =	ssettag $0x2  }
0x208: {  	s0 =	rddreg [dreg:$0x0];
	s2 =	stileid.u32  }
0x209: {  	s1 =	rddreg [dreg:$0x1];
	p0 =	sne.s32 s2, $0x0  }
0x20a: {  	s3 =	rddreg [dreg:$0x2];
	[bflag:$0x3] =	sbarrier.arrive $0xFFFF;
	s2 =	simm.s32 @!p0 $0x1C03  }
0x20b: {  	[timem:s3], [sflag:s2] =	dma.local @!p0 [hbm:s0], s1  }
0x20c: {  	s0 =	simm.s32 @!p0 $0x3  }
0x20d: {  	_ =	swait.ge @!p0 [sflag:s0], s1  }
0x20e: {  	s1 =	ssub.s32 @!p0 $0x0, s1;
	[sflag:s0] =	ssyncset.done @!p0 $0x0  }
0x20f: {  	[sflag:s0] =	ssyncadd.s32 @!p0 s1  }
0x210: {  	[bflag:$0x3] =	sbarrier.arrive $0xFFFF  }
0x211: {  	_ =	shalt  }

</sc_bundles>
